<compile_context>
chip_gen: v7x
topology: tpu7x:2x2x1
jax: 0.10.2.dev20260603
libtpu: 0.0.44.dev20260713+nightly
codegen_flags: <defaults>
</compile_context>

<pallas_src>
import functools

import jax
import jax.numpy as jnp
from jax import lax
from jax.experimental import pallas as pl
from jax.experimental.pallas import tpu as pltpu
from jax.experimental.pallas import tpu_sc as plsc

N = 10000
E = 160000
D = 256
H = 128
NC = 2
NS = 16
CHUNK = 128
CPS = 80
EPAD = NS * CPS * CHUNK
NPAD = N + 112
RPS = NPAD // NS
RB = 2000

_mesh = plsc.VectorSubcoreMesh(core_axis_name="c", subcore_axis_name="s")
_sc_params = pltpu.CompilerParams(use_tc_tiling_on_sc=False)
NBUF = 4
NB1 = 4
IB = 20
Q = 64



def _sc_deg(dst3, ones_blk, z16):

    @functools.partial(
        pl.kernel,
        mesh=_mesh,
        compiler_params=_sc_params,
        out_type=jax.ShapeDtypeStruct((NC, NPAD, 16), jnp.float32),
        scratch_types=[
            pltpu.VMEM((CPS // NC, CHUNK), jnp.int32),
            pltpu.VMEM((CHUNK, 16), jnp.float32),
            pltpu.VMEM_SHARED((NPAD, 16), jnp.float32),
        ] + [pltpu.SemaphoreType.DMA] * NBUF,
    )
    def k(dst_hbm, ones_hbm, z_hbm, out_hbm, didx, ones_v, acc, *ssems):
        c = lax.axis_index("c")
        s = lax.axis_index("s")
        row0 = s * RPS
        pltpu.sync_copy(z_hbm.at[pl.ds(row0, RPS)], acc.at[pl.ds(row0, RPS)])
        pltpu.sync_copy(ones_hbm, ones_v)
        pltpu.sync_copy(dst_hbm.at[s, pl.ds(c * (CPS // NC), CPS // NC)], didx)
        plsc.subcore_barrier()

        @pl.loop(0, CPS // NC, step=NBUF)
        def _(j):
            for k_ in range(NBUF):
                @pl.when(j > 0)
                def _(k_=k_):
                    pltpu.make_async_copy(ones_v, acc.at[didx.at[j]],
                                          ssems[k_]).wait()
                pltpu.async_copy(ones_v, acc.at[didx.at[j + k_]],
                                 ssems[k_], add=True)

        for k_ in range(NBUF):
            pltpu.make_async_copy(ones_v, acc.at[didx.at[0]], ssems[k_]).wait()

        plsc.subcore_barrier()
        pltpu.sync_copy(acc.at[pl.ds(row0, RPS)],
                        out_hbm.at[c, pl.ds(row0, RPS)])

    return k(dst3, ones_blk, z16)


def _sc_agg1(g1h, src3, dst3, zQ):

    @functools.partial(
        pl.kernel,
        mesh=_mesh,
        compiler_params=_sc_params,
        out_type=jax.ShapeDtypeStruct((NC, NPAD, H), jnp.float32),
        scratch_types=[
            pltpu.VMEM((2, IB, CHUNK), jnp.int32),
            pltpu.VMEM((2, IB, CHUNK), jnp.int32),
        ] + [pltpu.VMEM((CHUNK, Q), jnp.float32)] * NB1
          + [pltpu.VMEM_SHARED((NPAD, Q), jnp.float32)]
          + [pltpu.VMEM_SHARED((NPAD, Q), jnp.float32)]
          + [pltpu.SemaphoreType.DMA] * (2 * NB1),
    )
    def k(g_hbm, src_hbm, dst_hbm, z_hbm, out_hbm, sidx, didx, *rest):
        bufs = rest[:NB1]
        tab = rest[NB1]
        acc = rest[NB1 + 1]
        gsems = rest[NB1 + 2:NB1 + 2 + NB1]
        ssems = rest[NB1 + 2 + NB1:]
        c = lax.axis_index("c")
        s = lax.axis_index("s")
        row0 = s * RPS

        for q in range(2):
            col0 = q * Q
            pltpu.sync_copy(g_hbm.at[c, pl.ds(row0, RPS), pl.ds(col0, Q)],
                            tab.at[pl.ds(row0, RPS)])
            pltpu.sync_copy(z_hbm.at[pl.ds(row0, RPS)],
                            acc.at[pl.ds(row0, RPS)])
            plsc.subcore_barrier()

            @pl.loop(0, CPS // IB)
            def _(t):
                p = lax.rem(t, 2)
                pltpu.sync_copy(src_hbm.at[s, pl.ds(t * IB, IB)], sidx.at[p])
                pltpu.sync_copy(dst_hbm.at[s, pl.ds(t * IB, IB)], didx.at[p])

                @pl.loop(0, IB, step=NB1)
                def _(i):
                    gh = []
                    for k_ in range(NB1):
                        @pl.when((t > 0) | (i > 0))
                        def _(k_=k_):
                            pltpu.make_async_copy(
                                bufs[k_], acc.at[didx.at[p, 0]],
                                ssems[k_]).wait()
                        gh.append(pltpu.async_copy(
                            tab.at[sidx.at[p, i + k_]], bufs[k_],
                            gsems[k_]))
                    for k_ in range(NB1):
                        gh[k_].wait()
                        pltpu.async_copy(bufs[k_], acc.at[didx.at[p, i + k_]],
                                         ssems[k_], add=True)

            for k_ in range(NB1):
                pltpu.make_async_copy(bufs[k_], acc.at[didx.at[0, 0]],
                                      ssems[k_]).wait()

            plsc.subcore_barrier()
            pltpu.sync_copy(acc.at[pl.ds(row0, RPS)],
                            out_hbm.at[c, pl.ds(row0, RPS), pl.ds(col0, Q)])

    return k(g1h, src3, dst3, zQ)


def _sc_agg2(table, src3, dst3, z16):

    @functools.partial(
        pl.kernel,
        mesh=_mesh,
        compiler_params=_sc_params,
        out_type=jax.ShapeDtypeStruct((NC, NPAD, 16), jnp.float32),
        scratch_types=[
            pltpu.VMEM((CPS // NC, CHUNK), jnp.int32),
            pltpu.VMEM((CPS // NC, CHUNK), jnp.int32),
        ] + [pltpu.VMEM((CHUNK, 16), jnp.float32)] * NBUF
          + [pltpu.VMEM_SHARED((NPAD, 16), jnp.float32)]
          + [pltpu.VMEM_SHARED((NPAD, 16), jnp.float32)]
          + [pltpu.SemaphoreType.DMA] * (2 * NBUF),
    )
    def k(t_hbm, src_hbm, dst_hbm, z_hbm, out_hbm, sidx, didx, *rest):
        bufs = rest[:NBUF]
        tab = rest[NBUF]
        acc = rest[NBUF + 1]
        gsems = rest[NBUF + 2:NBUF + 2 + NBUF]
        ssems = rest[NBUF + 2 + NBUF:]
        c = lax.axis_index("c")
        s = lax.axis_index("s")
        row0 = s * RPS
        cb = c * (CPS // NC)
        pltpu.sync_copy(t_hbm.at[pl.ds(row0, RPS)], tab.at[pl.ds(row0, RPS)])
        pltpu.sync_copy(z_hbm.at[pl.ds(row0, RPS)], acc.at[pl.ds(row0, RPS)])
        pltpu.sync_copy(src_hbm.at[s, pl.ds(cb, CPS // NC)], sidx)
        pltpu.sync_copy(dst_hbm.at[s, pl.ds(cb, CPS // NC)], didx)
        plsc.subcore_barrier()

        @pl.loop(0, CPS // NC, step=NBUF)
        def _(j):
            gh = []
            for k_ in range(NBUF):
                @pl.when(j > 0)
                def _(k_=k_):
                    pltpu.make_async_copy(bufs[k_], acc.at[didx.at[j]],
                                          ssems[k_]).wait()
                gh.append(pltpu.async_copy(
                    tab.at[sidx.at[j + k_]], bufs[k_], gsems[k_]))
            for k_ in range(NBUF):
                gh[k_].wait()
                pltpu.async_copy(bufs[k_], acc.at[didx.at[j + k_]],
                                 ssems[k_], add=True)

        for k_ in range(NBUF):
            pltpu.make_async_copy(bufs[k_], acc.at[didx.at[0]],
                                  ssems[k_]).wait()

        plsc.subcore_barrier()
        pltpu.sync_copy(acc.at[pl.ds(row0, RPS)],
                        out_hbm.at[c, pl.ds(row0, RPS)])

    return k(table, src3, dst3, z16)



def _tc_matmul(x, W1):
    def body(x_ref, w_ref, o_ref):
        o_ref[...] = jnp.dot(x_ref[...], w_ref[...],
                             preferred_element_type=jnp.float32)

    return pl.pallas_call(
        body,
        grid=(N // RB,),
        in_specs=[pl.BlockSpec((RB, D), lambda i: (i, 0)),
                  pl.BlockSpec((D, D), lambda i: (0, 0))],
        out_specs=pl.BlockSpec((RB, D), lambda i: (i, 0)),
        out_shape=jax.ShapeDtypeStruct((N, D), jnp.float32),
    )(x, W1)


def _tc_scale(h, degc):

    def body(h_ref, d_ref, gh_ref, dis_ref):
        deg = d_ref[0, :, 0:1] + d_ref[1, :, 0:1] + 1.0
        dis = lax.rsqrt(deg)
        g = h_ref[...] * dis
        gh_ref[...] = jnp.stack([g[:, :H], g[:, H:]], axis=0)
        dis_ref[...] = dis

    return pl.pallas_call(
        body,
        grid=(N // RB,),
        in_specs=[pl.BlockSpec((RB, D), lambda i: (i, 0)),
                  pl.BlockSpec((NC, RB, 16), lambda i: (0, i, 0))],
        out_specs=[pl.BlockSpec((NC, RB, H), lambda i: (0, i, 0)),
                   pl.BlockSpec((RB, 1), lambda i: (i, 0))],
        out_shape=[jax.ShapeDtypeStruct((NC, NPAD, H), jnp.float32),
                   jax.ShapeDtypeStruct((N, 1), jnp.float32)],
    )(h, degc)


def _tc_layer2(agg1, g1h, dis, b1r, W2):

    def body(a_ref, g_ref, dis_ref, b1_ref, w2_ref, o_ref):
        dis = dis_ref[...]
        za = jnp.maximum(dis * (a_ref[0] + g_ref[0]) + b1_ref[0, :H], 0.0)
        zb = jnp.maximum(dis * (a_ref[1] + g_ref[1]) + b1_ref[0, H:], 0.0)
        y = (jnp.dot(za, w2_ref[:H, :], preferred_element_type=jnp.float32)
             + jnp.dot(zb, w2_ref[H:, :], preferred_element_type=jnp.float32))
        g2 = y * dis
        o_ref[...] = jnp.concatenate(
            [g2, jnp.zeros((RB, 14), jnp.float32)], axis=1)

    return pl.pallas_call(
        body,
        grid=(N // RB,),
        in_specs=[pl.BlockSpec((NC, RB, H), lambda i: (0, i, 0)),
                  pl.BlockSpec((NC, RB, H), lambda i: (0, i, 0)),
                  pl.BlockSpec((RB, 1), lambda i: (i, 0)),
                  pl.BlockSpec((1, D), lambda i: (0, 0)),
                  pl.BlockSpec((D, 2), lambda i: (0, 0))],
        out_specs=pl.BlockSpec((RB, 16), lambda i: (i, 0)),
        out_shape=jax.ShapeDtypeStruct((NPAD, 16), jnp.float32),
    )(agg1, g1h, dis, b1r, W2)


def _tc_final(agg2, g2p, dis, b2r):
    def body(a_ref, g_ref, dis_ref, b2_ref, o_ref):
        t = (a_ref[0] + a_ref[1] + g_ref[...]) * dis_ref[...]
        o_ref[...] = t[:, :2] + b2_ref[0]

    return pl.pallas_call(
        body,
        grid=(N // RB,),
        in_specs=[pl.BlockSpec((NC, RB, 16), lambda i: (0, i, 0)),
                  pl.BlockSpec((RB, 16), lambda i: (i, 0)),
                  pl.BlockSpec((RB, 1), lambda i: (i, 0)),
                  pl.BlockSpec((1, 2), lambda i: (0, 0))],
        out_specs=pl.BlockSpec((RB, 2), lambda i: (i, 0)),
        out_shape=jax.ShapeDtypeStruct((N, 2), jnp.float32),
    )(agg2, g2p, dis, b2r)



def kernel(x, edge_index, W1, b1, W2, b2):
    ei = jnp.pad(edge_index.astype(jnp.int32), ((0, 0), (0, EPAD - E)),
                 constant_values=N)
    src3 = ei[0].reshape(NS, CPS, CHUNK)
    dst3 = ei[1].reshape(NS, CPS, CHUNK)
    ones_blk = jnp.ones((CHUNK, 16), jnp.float32)
    z16 = jnp.zeros((NPAD, 16), jnp.float32)
    zQ = jnp.zeros((NPAD, Q), jnp.float32)

    degc = _sc_deg(dst3, ones_blk, z16)
    h = _tc_matmul(x, W1)
    g1h, dis = _tc_scale(h, degc)
    agg1 = _sc_agg1(g1h, src3, dst3, zQ)
    g2p = _tc_layer2(agg1, g1h, dis, b1.reshape(1, D), W2)
    agg2 = _sc_agg2(g2p, src3, dst3, z16)
    return _tc_final(agg2, g2p, dis, b2.reshape(1, 2))

# --- scband reference (transcript-rebuilt; emitter-appended) ---
"""Pipeline reference for scband-gcnnet-31473520345317 (READ-ONLY COPY).

The authoritative reference and input builder live on the scoring server;
editing this copy changes nothing except your own understanding.
"""

import jax, jax.numpy as jnp
import numpy as np

N = 10000
E = 160000
D_IN = 256
D_HID = 256
D_OUT = 2


def setup_inputs(seed: int = 0) -> dict:
    key = jax.random.key(seed)
    k1, k2, k3, k4, k5, k6 = jax.random.split(key, 6)
    x = jax.random.normal(k1, (N, D_IN), dtype=jnp.float32)
    edge_index = jax.random.randint(k2, (2, E), 0, N)
    W1 = jax.random.normal(k3, (D_IN, D_HID), dtype=jnp.float32) * (1.0 / np.sqrt(D_IN))
    b1 = jnp.zeros((D_HID,), dtype=jnp.float32)
    W2 = jax.random.normal(k4, (D_HID, D_OUT), dtype=jnp.float32) * (1.0 / np.sqrt(D_HID))
    b2 = jnp.zeros((D_OUT,), dtype=jnp.float32)
    return {"x": x, "edge_index": edge_index, "W1": W1, "b1": b1, "W2": W2, "b2": b2}


def _gcn_conv(x, edge_index, W, b):
    # PyG GCNConv semantics: linear transform, add self-loops,
    # symmetric normalization D^{-1/2} A D^{-1/2}, scatter-add aggregation.
    n = x.shape[0]
    loop = jnp.arange(n, dtype=edge_index.dtype)
    src = jnp.concatenate([edge_index[0], loop])
    dst = jnp.concatenate([edge_index[1], loop])
    ew = jnp.ones(src.shape[0], dtype=x.dtype)
    deg = jnp.zeros((n,), dtype=x.dtype).at[dst].add(ew)
    deg_inv_sqrt = jnp.where(deg > 0, jax.lax.rsqrt(jnp.maximum(deg, 1e-12)), 0.0)
    norm = deg_inv_sqrt[src] * ew * deg_inv_sqrt[dst]
    h = x @ W
    msg = h[src] * norm[:, None]
    out = jax.ops.segment_sum(msg, dst, num_segments=n)
    return out + b


def reference(x, edge_index, W1, b1, W2, b2):
    h = _gcn_conv(x, edge_index, W1, b1)
    h = jax.nn.relu(h)
    # dropout p=0.4 is identity in eval mode
    out = _gcn_conv(h, edge_index, W2, b2)
    return out

if __name__ == "__main__":
    import jax
    _d = setup_inputs()
    print(jax.jit(kernel)(*tuple(_d.values())))

</pallas_src>

<mosaic_0001>
#map = affine_map<(d0, d1) -> (0, 0, 0)>
#map1 = affine_map<(d0, d1) -> (0, 0)>
module attributes {stable_mosaic.version = 14 : i64} {
  func.func @k(%arg0: i32, %arg1: i32, %arg2: memref<16x80x128xi32, #tpu.memory_space<hbm>>, %arg3: memref<128x16xf32, #tpu.memory_space<hbm>>, %arg4: memref<10112x16xf32, #tpu.memory_space<hbm>>, %arg5: memref<2x10112x16xf32, #tpu.memory_space<hbm>>, %arg6: memref<40x128xi32, #tpu.memory_space<vmem>>, %arg7: memref<128x16xf32, #tpu.memory_space<vmem>>, %arg8: memref<10112x16xf32, #tpu.memory_space<vmem_shared>>, %arg9: memref<!tpu.dma_semaphore, #tpu.memory_space<semaphore_mem>>, %arg10: memref<!tpu.dma_semaphore, #tpu.memory_space<semaphore_mem>>, %arg11: memref<!tpu.dma_semaphore, #tpu.memory_space<semaphore_mem>>, %arg12: memref<!tpu.dma_semaphore, #tpu.memory_space<semaphore_mem>>) attributes {dimension_semantics = [#tpu.dimension_semantics<core_parallel>, #tpu.dimension_semantics<subcore_parallel>], iteration_bounds = array<i64: 2, 16>, scalar_prefetch = 0 : i64, scratch_operands = 7 : i64, tpu.core_type = #tpu.core_type<sc_vector_subcore>, window_params = [{transform_indices = #map}, {transform_indices = #map1}, {transform_indices = #map1}, {transform_indices = #map}]} {
    %mul3A = arith.constant 632 : i32
    %mul3A_0 = arith.muli %arg1, %mul3A : i32
    "tpu.region"() ({
      %run_scoped3A = tpu.sem_alloc : memref<!tpu.dma_semaphore, #tpu.memory_space<semaphore_mem>>
      %dma_start3A = arith.constant 0 : i32
      %dma_start3A_35 = tpu.memref_slice %arg8[%mul3A_0, %dma_start3A] : memref<10112x16xf32, #tpu.memory_space<vmem_shared>> -> memref<632x16xf32, #tpu.memory_space<vmem_shared>>
      %dma_start3A_36 = arith.constant 0 : i32
      %dma_start3A_37 = tpu.memref_slice %arg4[%mul3A_0, %dma_start3A_36] : memref<10112x16xf32, #tpu.memory_space<hbm>> -> memref<632x16xf32, #tpu.memory_space<hbm>>
      tpu.enqueue_dma source(%dma_start3A_37 : memref<632x16xf32, #tpu.memory_space<hbm>>) target(%dma_start3A_35 : memref<632x16xf32, #tpu.memory_space<vmem_shared>>) target_semaphore(%run_scoped3A : memref<!tpu.dma_semaphore, #tpu.memory_space<semaphore_mem>>)
      %dma_wait3A_38 = arith.constant 0 : i32
      %dma_wait3A_39 = tpu.memref_slice %arg8[%mul3A_0, %dma_wait3A_38] : memref<10112x16xf32, #tpu.memory_space<vmem_shared>> -> memref<632x16xf32, #tpu.memory_space<vmem_shared>>
      %dma_wait3A_40 = arith.constant 0 : i32
      %dma_wait3A_41 = tpu.memref_slice %arg4[%mul3A_0, %dma_wait3A_40] : memref<10112x16xf32, #tpu.memory_space<hbm>> -> memref<632x16xf32, #tpu.memory_space<hbm>>
      tpu.wait_dma2 semaphore(%run_scoped3A : memref<!tpu.dma_semaphore, #tpu.memory_space<semaphore_mem>>) src(%dma_wait3A_41 : memref<632x16xf32, #tpu.memory_space<hbm>>) dst(%dma_wait3A_39 : memref<632x16xf32, #tpu.memory_space<vmem_shared>>)
      tpu.yield
    }) : () -> ()
    "tpu.region"() ({
      %run_scoped3A = tpu.sem_alloc : memref<!tpu.dma_semaphore, #tpu.memory_space<semaphore_mem>>
      tpu.enqueue_dma source(%arg3 : memref<128x16xf32, #tpu.memory_space<hbm>>) target(%arg7 : memref<128x16xf32, #tpu.memory_space<vmem>>) target_semaphore(%run_scoped3A : memref<!tpu.dma_semaphore, #tpu.memory_space<semaphore_mem>>)
      tpu.wait_dma2 semaphore(%run_scoped3A : memref<!tpu.dma_semaphore, #tpu.memory_space<semaphore_mem>>) src(%arg3 : memref<128x16xf32, #tpu.memory_space<hbm>>) dst(%arg7 : memref<128x16xf32, #tpu.memory_space<vmem>>)
      tpu.yield
    }) : () -> ()
    %mul3A_1 = arith.constant 40 : i32
    %mul3A_2 = arith.muli %arg0, %mul3A_1 : i32
    "tpu.region"() ({
      %run_scoped3A = tpu.sem_alloc : memref<!tpu.dma_semaphore, #tpu.memory_space<semaphore_mem>>
      %dma_start3A = arith.constant 0 : i32
      %dma_start3A_35 = tpu.memref_slice %arg2[%arg1, %mul3A_2, %dma_start3A] : memref<16x80x128xi32, #tpu.memory_space<hbm>> -> memref<1x40x128xi32, #tpu.memory_space<hbm>>
      %dma_start3A_36 = tpu.memref_squeeze %dma_start3A_35 : memref<1x40x128xi32, #tpu.memory_space<hbm>> -> memref<40x128xi32, #tpu.memory_space<hbm>>
      %dma_start3A_37 = arith.constant 0 : i32
      %dma_start3A_38 = tpu.memref_slice %arg2[%arg1, %mul3A_2, %dma_start3A_37] : memref<16x80x128xi32, #tpu.memory_space<hbm>> -> memref<1x40x128xi32, #tpu.memory_space<hbm>>
      %dma_start3A_39 = tpu.memref_squeeze %dma_start3A_38 : memref<1x40x128xi32, #tpu.memory_space<hbm>> -> memref<40x128xi32, #tpu.memory_space<hbm>>
      tpu.enqueue_dma source(%dma_start3A_39 : memref<40x128xi32, #tpu.memory_space<hbm>>) target(%arg6 : memref<40x128xi32, #tpu.memory_space<vmem>>) target_semaphore(%run_scoped3A : memref<!tpu.dma_semaphore, #tpu.memory_space<semaphore_mem>>)
      %dma_wait3A_40 = arith.constant 0 : i32
      %dma_wait3A_41 = tpu.memref_slice %arg2[%arg1, %mul3A_2, %dma_wait3A_40] : memref<16x80x128xi32, #tpu.memory_space<hbm>> -> memref<1x40x128xi32, #tpu.memory_space<hbm>>
      %dma_wait3A_42 = tpu.memref_squeeze %dma_wait3A_41 : memref<1x40x128xi32, #tpu.memory_space<hbm>> -> memref<40x128xi32, #tpu.memory_space<hbm>>
      %dma_wait3A_43 = arith.constant 0 : i32
      %dma_wait3A_44 = tpu.memref_slice %arg2[%arg1, %mul3A_2, %dma_wait3A_43] : memref<16x80x128xi32, #tpu.memory_space<hbm>> -> memref<1x40x128xi32, #tpu.memory_space<hbm>>
      %dma_wait3A_45 = tpu.memref_squeeze %dma_wait3A_44 : memref<1x40x128xi32, #tpu.memory_space<hbm>> -> memref<40x128xi32, #tpu.memory_space<hbm>>
      tpu.wait_dma2 semaphore(%run_scoped3A : memref<!tpu.dma_semaphore, #tpu.memory_space<semaphore_mem>>) src(%dma_wait3A_45 : memref<40x128xi32, #tpu.memory_space<hbm>>) dst(%arg6 : memref<40x128xi32, #tpu.memory_space<vmem>>)
      tpu.yield
    }) : () -> ()
    %barrier3A = arith.constant 0 : index
    tpu.barrier barrier_id(%barrier3A)
    %scan3A = arith.constant 0 : i32
    %scan3A_3 = arith.constant 10 : i32
    %scan3A_4 = arith.addi %scan3A, %scan3A_3 : i32
    %scan3A_5 = arith.constant 1 : i32
    scf.for %scan3A_35 = %scan3A to %scan3A_4 step %scan3A_5  : i32 {
      %mul3A_36 = arith.constant 4 : i32
      %mul3A_37 = arith.muli %scan3A_35, %mul3A_36 : i32
      %add3A = arith.constant 0 : i32
      %add3A_38 = arith.addi %add3A, %mul3A_37 : i32
      %gt3A = arith.constant 0 : i32
      %gt3A_39 = arith.cmpi sgt, %add3A_38, %gt3A : i32
      %convert_element_type3A = arith.extui %gt3A_39 : i1 to i32
      %cond3A = arith.constant 0 : i32
      %cond3A_40 = arith.cmpi ne, %convert_element_type3A, %cond3A : i32
      scf.if %cond3A_40 {
        %dma_wait3A_87 = arith.constant 0 : i32
        %dma_wait3A_88 = tpu.memref_slice %arg6[%add3A_38, %dma_wait3A_87] : memref<40x128xi32, #tpu.memory_space<vmem>> -> memref<1x128xi32, #tpu.memory_space<vmem>>
        %dma_wait3A_89 = tpu.memref_squeeze %dma_wait3A_88 : memref<1x128xi32, #tpu.memory_space<vmem>> -> memref<128xi32, #tpu.memory_space<vmem>>
        %dma_wait3A_90 = arith.constant 0 : i32
        %dma_wait3A_91 = arith.constant 0 : i32
        %dma_wait3A_92 = tpu.memref_slice %arg8[%dma_wait3A_90, %dma_wait3A_91] : memref<10112x16xf32, #tpu.memory_space<vmem_shared>> -> memref<10112x16xf32, #tpu.memory_space<vmem_shared>>
        tpu.wait_indirect_dma semaphore(%arg9 : memref<!tpu.dma_semaphore, #tpu.memory_space<semaphore_mem>>) src(%arg7 : memref<128x16xf32, #tpu.memory_space<vmem>>) dst(%dma_wait3A_92 : memref<10112x16xf32, #tpu.memory_space<vmem_shared>>)
      } else {
      }
      %add3A_41 = arith.constant 0 : i32
      %add3A_42 = arith.addi %add3A_38, %add3A_41 : i32
      %dma_start3A = arith.constant 0 : i32
      %dma_start3A_43 = tpu.memref_slice %arg6[%add3A_42, %dma_start3A] : memref<40x128xi32, #tpu.memory_space<vmem>> -> memref<1x128xi32, #tpu.memory_space<vmem>>
      %dma_start3A_44 = tpu.memref_squeeze %dma_start3A_43 : memref<1x128xi32, #tpu.memory_space<vmem>> -> memref<128xi32, #tpu.memory_space<vmem>>
      %dma_start3A_45 = arith.constant 0 : i32
      %dma_start3A_46 = arith.constant 0 : i32
      %dma_start3A_47 = tpu.memref_slice %arg8[%dma_start3A_45, %dma_start3A_46] : memref<10112x16xf32, #tpu.memory_space<vmem_shared>> -> memref<10112x16xf32, #tpu.memory_space<vmem_shared>>
      tpu.enqueue_indirect_dma source(%arg7 : memref<128x16xf32, #tpu.memory_space<vmem>>) target(%dma_start3A_47 : memref<10112x16xf32, #tpu.memory_space<vmem_shared>>) offsets(%dma_start3A_44 : memref<128xi32, #tpu.memory_space<vmem>>) semaphore(%arg9 : memref<!tpu.dma_semaphore, #tpu.memory_space<semaphore_mem>>) {add = true}
      %gt3A_48 = arith.constant 0 : i32
      %gt3A_49 = arith.cmpi sgt, %add3A_38, %gt3A_48 : i32
      %convert_element_type3A_50 = arith.extui %gt3A_49 : i1 to i32
      %cond3A_51 = arith.constant 0 : i32
      %cond3A_52 = arith.cmpi ne, %convert_element_type3A_50, %cond3A_51 : i32
      scf.if %cond3A_52 {
        %dma_wait3A_87 = arith.constant 0 : i32
        %dma_wait3A_88 = tpu.memref_slice %arg6[%add3A_38, %dma_wait3A_87] : memref<40x128xi32, #tpu.memory_space<vmem>> -> memref<1x128xi32, #tpu.memory_space<vmem>>
        %dma_wait3A_89 = tpu.memref_squeeze %dma_wait3A_88 : memref<1x128xi32, #tpu.memory_space<vmem>> -> memref<128xi32, #tpu.memory_space<vmem>>
        %dma_wait3A_90 = arith.constant 0 : i32
        %dma_wait3A_91 = arith.constant 0 : i32
        %dma_wait3A_92 = tpu.memref_slice %arg8[%dma_wait3A_90, %dma_wait3A_91] : memref<10112x16xf32, #tpu.memory_space<vmem_shared>> -> memref<10112x16xf32, #tpu.memory_space<vmem_shared>>
        tpu.wait_indirect_dma semaphore(%arg10 : memref<!tpu.dma_semaphore, #tpu.memory_space<semaphore_mem>>) src(%arg7 : memref<128x16xf32, #tpu.memory_space<vmem>>) dst(%dma_wait3A_92 : memref<10112x16xf32, #tpu.memory_space<vmem_shared>>)
      } else {
      }
      %add3A_53 = arith.constant 1 : i32
      %add3A_54 = arith.addi %add3A_38, %add3A_53 : i32
      %dma_start3A_55 = arith.constant 0 : i32
      %dma_start3A_56 = tpu.memref_slice %arg6[%add3A_54, %dma_start3A_55] : memref<40x128xi32, #tpu.memory_space<vmem>> -> memref<1x128xi32, #tpu.memory_space<vmem>>
      %dma_start3A_57 = tpu.memref_squeeze %dma_start3A_56 : memref<1x128xi32, #tpu.memory_space<vmem>> -> memref<128xi32, #tpu.memory_space<vmem>>
      %dma_start3A_58 = arith.constant 0 : i32
      %dma_start3A_59 = arith.constant 0 : i32
      %dma_start3A_60 = tpu.memref_slice %arg8[%dma_start3A_58, %dma_start3A_59] : memref<10112x16xf32, #tpu.memory_space<vmem_shared>> -> memref<10112x16xf32, #tpu.memory_space<vmem_shared>>
      tpu.enqueue_indirect_dma source(%arg7 : memref<128x16xf32, #tpu.memory_space<vmem>>) target(%dma_start3A_60 : memref<10112x16xf32, #tpu.memory_space<vmem_shared>>) offsets(%dma_start3A_57 : memref<128xi32, #tpu.memory_space<vmem>>) semaphore(%arg10 : memref<!tpu.dma_semaphore, #tpu.memory_space<semaphore_mem>>) {add = true}
      %gt3A_61 = arith.constant 0 : i32
      %gt3A_62 = arith.cmpi sgt, %add3A_38, %gt3A_61 : i32
      %convert_element_type3A_63 = arith.extui %gt3A_62 : i1 to i32
      %cond3A_64 = arith.constant 0 : i32
      %cond3A_65 = arith.cmpi ne, %convert_element_type3A_63, %cond3A_64 : i32
      scf.if %cond3A_65 {
        %dma_wait3A_87 = arith.constant 0 : i32
        %dma_wait3A_88 = tpu.memref_slice %arg6[%add3A_38, %dma_wait3A_87] : memref<40x128xi32, #tpu.memory_space<vmem>> -> memref<1x128xi32, #tpu.memory_space<vmem>>
        %dma_wait3A_89 = tpu.memref_squeeze %dma_wait3A_88 : memref<1x128xi32, #tpu.memory_space<vmem>> -> memref<128xi32, #tpu.memory_space<vmem>>
        %dma_wait3A_90 = arith.constant 0 : i32
        %dma_wait3A_91 = arith.constant 0 : i32
        %dma_wait3A_92 = tpu.memref_slice %arg8[%dma_wait3A_90, %dma_wait3A_91] : memref<10112x16xf32, #tpu.memory_space<vmem_shared>> -> memref<10112x16xf32, #tpu.memory_space<vmem_shared>>
        tpu.wait_indirect_dma semaphore(%arg11 : memref<!tpu.dma_semaphore, #tpu.memory_space<semaphore_mem>>) src(%arg7 : memref<128x16xf32, #tpu.memory_space<vmem>>) dst(%dma_wait3A_92 : memref<10112x16xf32, #tpu.memory_space<vmem_shared>>)
      } else {
      }
      %add3A_66 = arith.constant 2 : i32
      %add3A_67 = arith.addi %add3A_38, %add3A_66 : i32
      %dma_start3A_68 = arith.constant 0 : i32
      %dma_start3A_69 = tpu.memref_slice %arg6[%add3A_67, %dma_start3A_68] : memref<40x128xi32, #tpu.memory_space<vmem>> -> memref<1x128xi32, #tpu.memory_space<vmem>>
      %dma_start3A_70 = tpu.memref_squeeze %dma_start3A_69 : memref<1x128xi32, #tpu.memory_space<vmem>> -> memref<128xi32, #tpu.memory_space<vmem>>
      %dma_start3A_71 = arith.constant 0 : i32
      %dma_start3A_72 = arith.constant 0 : i32
      %dma_start3A_73 = tpu.memref_slice %arg8[%dma_start3A_71, %dma_start3A_72] : memref<10112x16xf32, #tpu.memory_space<vmem_shared>> -> memref<10112x16xf32, #tpu.memory_space<vmem_shared>>
      tpu.enqueue_indirect_dma source(%arg7 : memref<128x16xf32, #tpu.memory_space<vmem>>) target(%dma_start3A_73 : memref<10112x16xf32, #tpu.memory_space<vmem_shared>>) offsets(%dma_start3A_70 : memref<128xi32, #tpu.memory_space<vmem>>) semaphore(%arg11 : memref<!tpu.dma_semaphore, #tpu.memory_space<semaphore_mem>>) {add = true}
      %gt3A_74 = arith.constant 0 : i32
      %gt3A_75 = arith.cmpi sgt, %add3A_38, %gt3A_74 : i32
      %convert_element_type3A_76 = arith.extui %gt3A_75 : i1 to i32
      %cond3A_77 = arith.constant 0 : i32
      %cond3A_78 = arith.cmpi ne, %convert_element_type3A_76, %cond3A_77 : i32
      scf.if %cond3A_78 {
        %dma_wait3A_87 = arith.constant 0 : i32
        %dma_wait3A_88 = tpu.memref_slice %arg6[%add3A_38, %dma_wait3A_87] : memref<40x128xi32, #tpu.memory_space<vmem>> -> memref<1x128xi32, #tpu.memory_space<vmem>>
        %dma_wait3A_89 = tpu.memref_squeeze %dma_wait3A_88 : memref<1x128xi32, #tpu.memory_space<vmem>> -> memref<128xi32, #tpu.memory_space<vmem>>
        %dma_wait3A_90 = arith.constant 0 : i32
        %dma_wait3A_91 = arith.constant 0 : i32
        %dma_wait3A_92 = tpu.memref_slice %arg8[%dma_wait3A_90, %dma_wait3A_91] : memref<10112x16xf32, #tpu.memory_space<vmem_shared>> -> memref<10112x16xf32, #tpu.memory_space<vmem_shared>>
        tpu.wait_indirect_dma semaphore(%arg12 : memref<!tpu.dma_semaphore, #tpu.memory_space<semaphore_mem>>) src(%arg7 : memref<128x16xf32, #tpu.memory_space<vmem>>) dst(%dma_wait3A_92 : memref<10112x16xf32, #tpu.memory_space<vmem_shared>>)
      } else {
      }
      %add3A_79 = arith.constant 3 : i32
      %add3A_80 = arith.addi %add3A_38, %add3A_79 : i32
      %dma_start3A_81 = arith.constant 0 : i32
      %dma_start3A_82 = tpu.memref_slice %arg6[%add3A_80, %dma_start3A_81] : memref<40x128xi32, #tpu.memory_space<vmem>> -> memref<1x128xi32, #tpu.memory_space<vmem>>
      %dma_start3A_83 = tpu.memref_squeeze %dma_start3A_82 : memref<1x128xi32, #tpu.memory_space<vmem>> -> memref<128xi32, #tpu.memory_space<vmem>>
      %dma_start3A_84 = arith.constant 0 : i32
      %dma_start3A_85 = arith.constant 0 : i32
      %dma_start3A_86 = tpu.memref_slice %arg8[%dma_start3A_84, %dma_start3A_85] : memref<10112x16xf32, #tpu.memory_space<vmem_shared>> -> memref<10112x16xf32, #tpu.memory_space<vmem_shared>>
      tpu.enqueue_indirect_dma source(%arg7 : memref<128x16xf32, #tpu.memory_space<vmem>>) target(%dma_start3A_86 : memref<10112x16xf32, #tpu.memory_space<vmem_shared>>) offsets(%dma_start3A_83 : memref<128xi32, #tpu.memory_space<vmem>>) semaphore(%arg12 : memref<!tpu.dma_semaphore, #tpu.memory_space<semaphore_mem>>) {add = true}
    }
    %scan3A_6 = arith.constant 10 : i32
    %dma_wait3A = arith.constant 0 : i32
    %dma_wait3A_7 = arith.constant 0 : i32
    %dma_wait3A_8 = tpu.memref_slice %arg6[%dma_wait3A, %dma_wait3A_7] : memref<40x128xi32, #tpu.memory_space<vmem>> -> memref<1x128xi32, #tpu.memory_space<vmem>>
    %dma_wait3A_9 = tpu.memref_squeeze %dma_wait3A_8 : memref<1x128xi32, #tpu.memory_space<vmem>> -> memref<128xi32, #tpu.memory_space<vmem>>
    %dma_wait3A_10 = arith.constant 0 : i32
    %dma_wait3A_11 = arith.constant 0 : i32
    %dma_wait3A_12 = tpu.memref_slice %arg8[%dma_wait3A_10, %dma_wait3A_11] : memref<10112x16xf32, #tpu.memory_space<vmem_shared>> -> memref<10112x16xf32, #tpu.memory_space<vmem_shared>>
    tpu.wait_indirect_dma semaphore(%arg9 : memref<!tpu.dma_semaphore, #tpu.memory_space<semaphore_mem>>) src(%arg7 : memref<128x16xf32, #tpu.memory_space<vmem>>) dst(%dma_wait3A_12 : memref<10112x16xf32, #tpu.memory_space<vmem_shared>>)
    %dma_wait3A_13 = arith.constant 0 : i32
    %dma_wait3A_14 = arith.constant 0 : i32
    %dma_wait3A_15 = tpu.memref_slice %arg6[%dma_wait3A_13, %dma_wait3A_14] : memref<40x128xi32, #tpu.memory_space<vmem>> -> memref<1x128xi32, #tpu.memory_space<vmem>>
    %dma_wait3A_16 = tpu.memref_squeeze %dma_wait3A_15 : memref<1x128xi32, #tpu.memory_space<vmem>> -> memref<128xi32, #tpu.memory_space<vmem>>
    %dma_wait3A_17 = arith.constant 0 : i32
    %dma_wait3A_18 = arith.constant 0 : i32
    %dma_wait3A_19 = tpu.memref_slice %arg8[%dma_wait3A_17, %dma_wait3A_18] : memref<10112x16xf32, #tpu.memory_space<vmem_shared>> -> memref<10112x16xf32, #tpu.memory_space<vmem_shared>>
    tpu.wait_indirect_dma semaphore(%arg10 : memref<!tpu.dma_semaphore, #tpu.memory_space<semaphore_mem>>) src(%arg7 : memref<128x16xf32, #tpu.memory_space<vmem>>) dst(%dma_wait3A_19 : memref<10112x16xf32, #tpu.memory_space<vmem_shared>>)
    %dma_wait3A_20 = arith.constant 0 : i32
    %dma_wait3A_21 = arith.constant 0 : i32
    %dma_wait3A_22 = tpu.memref_slice %arg6[%dma_wait3A_20, %dma_wait3A_21] : memref<40x128xi32, #tpu.memory_space<vmem>> -> memref<1x128xi32, #tpu.memory_space<vmem>>
    %dma_wait3A_23 = tpu.memref_squeeze %dma_wait3A_22 : memref<1x128xi32, #tpu.memory_space<vmem>> -> memref<128xi32, #tpu.memory_space<vmem>>
    %dma_wait3A_24 = arith.constant 0 : i32
    %dma_wait3A_25 = arith.constant 0 : i32
    %dma_wait3A_26 = tpu.memref_slice %arg8[%dma_wait3A_24, %dma_wait3A_25] : memref<10112x16xf32, #tpu.memory_space<vmem_shared>> -> memref<10112x16xf32, #tpu.memory_space<vmem_shared>>
    tpu.wait_indirect_dma semaphore(%arg11 : memref<!tpu.dma_semaphore, #tpu.memory_space<semaphore_mem>>) src(%arg7 : memref<128x16xf32, #tpu.memory_space<vmem>>) dst(%dma_wait3A_26 : memref<10112x16xf32, #tpu.memory_space<vmem_shared>>)
    %dma_wait3A_27 = arith.constant 0 : i32
    %dma_wait3A_28 = arith.constant 0 : i32
    %dma_wait3A_29 = tpu.memref_slice %arg6[%dma_wait3A_27, %dma_wait3A_28] : memref<40x128xi32, #tpu.memory_space<vmem>> -> memref<1x128xi32, #tpu.memory_space<vmem>>
    %dma_wait3A_30 = tpu.memref_squeeze %dma_wait3A_29 : memref<1x128xi32, #tpu.memory_space<vmem>> -> memref<128xi32, #tpu.memory_space<vmem>>
    %dma_wait3A_31 = arith.constant 0 : i32
    %dma_wait3A_32 = arith.constant 0 : i32
    %dma_wait3A_33 = tpu.memref_slice %arg8[%dma_wait3A_31, %dma_wait3A_32] : memref<10112x16xf32, #tpu.memory_space<vmem_shared>> -> memref<10112x16xf32, #tpu.memory_space<vmem_shared>>
    tpu.wait_indirect_dma semaphore(%arg12 : memref<!tpu.dma_semaphore, #tpu.memory_space<semaphore_mem>>) src(%arg7 : memref<128x16xf32, #tpu.memory_space<vmem>>) dst(%dma_wait3A_33 : memref<10112x16xf32, #tpu.memory_space<vmem_shared>>)
    %barrier3A_34 = arith.constant 0 : index
    tpu.barrier barrier_id(%barrier3A_34)
    "tpu.region"() ({
      %run_scoped3A = tpu.sem_alloc : memref<!tpu.dma_semaphore, #tpu.memory_space<semaphore_mem>>
      %dma_start3A = arith.constant 0 : i32
      %dma_start3A_35 = tpu.memref_slice %arg5[%arg0, %mul3A_0, %dma_start3A] : memref<2x10112x16xf32, #tpu.memory_space<hbm>> -> memref<1x632x16xf32, #tpu.memory_space<hbm>>
      %dma_start3A_36 = tpu.memref_squeeze %dma_start3A_35 : memref<1x632x16xf32, #tpu.memory_space<hbm>> -> memref<632x16xf32, #tpu.memory_space<hbm>>
      %dma_start3A_37 = arith.constant 0 : i32
      %dma_start3A_38 = tpu.memref_slice %arg8[%mul3A_0, %dma_start3A_37] : memref<10112x16xf32, #tpu.memory_space<vmem_shared>> -> memref<632x16xf32, #tpu.memory_space<vmem_shared>>
      tpu.enqueue_dma source(%dma_start3A_38 : memref<632x16xf32, #tpu.memory_space<vmem_shared>>) target(%dma_start3A_36 : memref<632x16xf32, #tpu.memory_space<hbm>>) target_semaphore(%run_scoped3A : memref<!tpu.dma_semaphore, #tpu.memory_space<semaphore_mem>>)
      %dma_wait3A_39 = arith.constant 0 : i32
      %dma_wait3A_40 = tpu.memref_slice %arg5[%arg0, %mul3A_0, %dma_wait3A_39] : memref<2x10112x16xf32, #tpu.memory_space<hbm>> -> memref<1x632x16xf32, #tpu.memory_space<hbm>>
      %dma_wait3A_41 = tpu.memref_squeeze %dma_wait3A_40 : memref<1x632x16xf32, #tpu.memory_space<hbm>> -> memref<632x16xf32, #tpu.memory_space<hbm>>
      %dma_wait3A_42 = arith.constant 0 : i32
      %dma_wait3A_43 = tpu.memref_slice %arg8[%mul3A_0, %dma_wait3A_42] : memref<10112x16xf32, #tpu.memory_space<vmem_shared>> -> memref<632x16xf32, #tpu.memory_space<vmem_shared>>
      tpu.wait_dma2 semaphore(%run_scoped3A : memref<!tpu.dma_semaphore, #tpu.memory_space<semaphore_mem>>) src(%dma_wait3A_43 : memref<632x16xf32, #tpu.memory_space<vmem_shared>>) dst(%dma_wait3A_41 : memref<632x16xf32, #tpu.memory_space<hbm>>)
      tpu.yield
    }) : () -> ()
    return
  }
}

#map = affine_map<(d0, d1) -> (0, 0)>
#map1 = affine_map<(d0, d1) -> (0, 0, 0)>
module attributes {stable_mosaic.version = 14 : i64} {
  func.func @k(%arg0: i32, %arg1: i32, %arg2: memref<10112x16xf32, #tpu.memory_space<hbm>>, %arg3: memref<16x80x128xi32, #tpu.memory_space<hbm>>, %arg4: memref<16x80x128xi32, #tpu.memory_space<hbm>>, %arg5: memref<10112x16xf32, #tpu.memory_space<hbm>>, %arg6: memref<2x10112x16xf32, #tpu.memory_space<hbm>>, %arg7: memref<40x128xi32, #tpu.memory_space<vmem>>, %arg8: memref<40x128xi32, #tpu.memory_space<vmem>>, %arg9: memref<128x16xf32, #tpu.memory_space<vmem>>, %arg10: memref<128x16xf32, #tpu.memory_space<vmem>>, %arg11: memref<128x16xf32, #tpu.memory_space<vmem>>, %arg12: memref<128x16xf32, #tpu.memory_space<vmem>>, %arg13: memref<10112x16xf32, #tpu.memory_space<vmem_shared>>, %arg14: memref<10112x16xf32, #tpu.memory_space<vmem_shared>>, %arg15: memref<!tpu.dma_semaphore, #tpu.memory_space<semaphore_mem>>, %arg16: memref<!tpu.dma_semaphore, #tpu.memory_space<semaphore_mem>>, %arg17: memref<!tpu.dma_semaphore, #tpu.memory_space<semaphore_mem>>, %arg18: memref<!tpu.dma_semaphore, #tpu.memory_space<semaphore_mem>>, %arg19: memref<!tpu.dma_semaphore, #tpu.memory_space<semaphore_mem>>, %arg20: memref<!tpu.dma_semaphore, #tpu.memory_space<semaphore_mem>>, %arg21: memref<!tpu.dma_semaphore, #tpu.memory_space<semaphore_mem>>, %arg22: memref<!tpu.dma_semaphore, #tpu.memory_space<semaphore_mem>>) attributes {dimension_semantics = [#tpu.dimension_semantics<core_parallel>, #tpu.dimension_semantics<subcore_parallel>], iteration_bounds = array<i64: 2, 16>, scalar_prefetch = 0 : i64, scratch_operands = 16 : i64, tpu.core_type = #tpu.core_type<sc_vector_subcore>, window_params = [{transform_indices = #map}, {transform_indices = #map1}, {transform_indices = #map1}, {transform_indices = #map}, {transform_indices = #map1}]} {
    %mul3A = arith.constant 632 : i32
    %mul3A_0 = arith.muli %arg1, %mul3A : i32
    %mul3A_1 = arith.constant 40 : i32
    %mul3A_2 = arith.muli %arg0, %mul3A_1 : i32
    "tpu.region"() ({
      %run_scoped3A = tpu.sem_alloc : memref<!tpu.dma_semaphore, #tpu.memory_space<semaphore_mem>>
      %dma_start3A = arith.constant 0 : i32
      %dma_start3A_35 = tpu.memref_slice %arg13[%mul3A_0, %dma_start3A] : memref<10112x16xf32, #tpu.memory_space<vmem_shared>> -> memref<632x16xf32, #tpu.memory_space<vmem_shared>>
      %dma_start3A_36 = arith.constant 0 : i32
      %dma_start3A_37 = tpu.memref_slice %arg2[%mul3A_0, %dma_start3A_36] : memref<10112x16xf32, #tpu.memory_space<hbm>> -> memref<632x16xf32, #tpu.memory_space<hbm>>
      tpu.enqueue_dma source(%dma_start3A_37 : memref<632x16xf32, #tpu.memory_space<hbm>>) target(%dma_start3A_35 : memref<632x16xf32, #tpu.memory_space<vmem_shared>>) target_semaphore(%run_scoped3A : memref<!tpu.dma_semaphore, #tpu.memory_space<semaphore_mem>>)
      %dma_wait3A_38 = arith.constant 0 : i32
      %dma_wait3A_39 = tpu.memref_slice %arg13[%mul3A_0, %dma_wait3A_38] : memref<10112x16xf32, #tpu.memory_space<vmem_shared>> -> memref<632x16xf32, #tpu.memory_space<vmem_shared>>
      %dma_wait3A_40 = arith.constant 0 : i32
      %dma_wait3A_41 = tpu.memref_slice %arg2[%mul3A_0, %dma_wait3A_40] : memref<10112x16xf32, #tpu.memory_space<hbm>> -> memref<632x16xf32, #tpu.memory_space<hbm>>
      tpu.wait_dma2 semaphore(%run_scoped3A : memref<!tpu.dma_semaphore, #tpu.memory_space<semaphore_mem>>) src(%dma_wait3A_41 : memref<632x16xf32, #tpu.memory_space<hbm>>) dst(%dma_wait3A_39 : memref<632x16xf32, #tpu.memory_space<vmem_shared>>)
      tpu.yield
    }) : () -> ()
    "tpu.region"() ({
      %run_scoped3A = tpu.sem_alloc : memref<!tpu.dma_semaphore, #tpu.memory_space<semaphore_mem>>
      %dma_start3A = arith.constant 0 : i32
      %dma_start3A_35 = tpu.memref_slice %arg14[%mul3A_0, %dma_start3A] : memref<10112x16xf32, #tpu.memory_space<vmem_shared>> -> memref<632x16xf32, #tpu.memory_space<vmem_shared>>
      %dma_start3A_36 = arith.constant 0 : i32
      %dma_start3A_37 = tpu.memref_slice %arg5[%mul3A_0, %dma_start3A_36] : memref<10112x16xf32, #tpu.memory_space<hbm>> -> memref<632x16xf32, #tpu.memory_space<hbm>>
      tpu.enqueue_dma source(%dma_start3A_37 : memref<632x16xf32, #tpu.memory_space<hbm>>) target(%dma_start3A_35 : memref<632x16xf32, #tpu.memory_space<vmem_shared>>) target_semaphore(%run_scoped3A : memref<!tpu.dma_semaphore, #tpu.memory_space<semaphore_mem>>)
      %dma_wait3A_38 = arith.constant 0 : i32
      %dma_wait3A_39 = tpu.memref_slice %arg14[%mul3A_0, %dma_wait3A_38] : memref<10112x16xf32, #tpu.memory_space<vmem_shared>> -> memref<632x16xf32, #tpu.memory_space<vmem_shared>>
      %dma_wait3A_40 = arith.constant 0 : i32
      %dma_wait3A_41 = tpu.memref_slice %arg5[%mul3A_0, %dma_wait3A_40] : memref<10112x16xf32, #tpu.memory_space<hbm>> -> memref<632x16xf32, #tpu.memory_space<hbm>>
      tpu.wait_dma2 semaphore(%run_scoped3A : memref<!tpu.dma_semaphore, #tpu.memory_space<semaphore_mem>>) src(%dma_wait3A_41 : memref<632x16xf32, #tpu.memory_space<hbm>>) dst(%dma_wait3A_39 : memref<632x16xf32, #tpu.memory_space<vmem_shared>>)
      tpu.yield
    }) : () -> ()
    "tpu.region"() ({
      %run_scoped3A = tpu.sem_alloc : memref<!tpu.dma_semaphore, #tpu.memory_space<semaphore_mem>>
      %dma_start3A = arith.constant 0 : i32
      %dma_start3A_35 = tpu.memref_slice %arg3[%arg1, %mul3A_2, %dma_start3A] : memref<16x80x128xi32, #tpu.memory_space<hbm>> -> memref<1x40x128xi32, #tpu.memory_space<hbm>>
      %dma_start3A_36 = tpu.memref_squeeze %dma_start3A_35 : memref<1x40x128xi32, #tpu.memory_space<hbm>> -> memref<40x128xi32, #tpu.memory_space<hbm>>
      %dma_start3A_37 = arith.constant 0 : i32
      %dma_start3A_38 = tpu.memref_slice %arg3[%arg1, %mul3A_2, %dma_start3A_37] : memref<16x80x128xi32, #tpu.memory_space<hbm>> -> memref<1x40x128xi32, #tpu.memory_space<hbm>>
      %dma_start3A_39 = tpu.memref_squeeze %dma_start3A_38 : memref<1x40x128xi32, #tpu.memory_space<hbm>> -> memref<40x128xi32, #tpu.memory_space<hbm>>
      tpu.enqueue_dma source(%dma_start3A_39 : memref<40x128xi32, #tpu.memory_space<hbm>>) target(%arg7 : memref<40x128xi32, #tpu.memory_space<vmem>>) target_semaphore(%run_scoped3A : memref<!tpu.dma_semaphore, #tpu.memory_space<semaphore_mem>>)
      %dma_wait3A_40 = arith.constant 0 : i32
      %dma_wait3A_41 = tpu.memref_slice %arg3[%arg1, %mul3A_2, %dma_wait3A_40] : memref<16x80x128xi32, #tpu.memory_space<hbm>> -> memref<1x40x128xi32, #tpu.memory_space<hbm>>
      %dma_wait3A_42 = tpu.memref_squeeze %dma_wait3A_41 : memref<1x40x128xi32, #tpu.memory_space<hbm>> -> memref<40x128xi32, #tpu.memory_space<hbm>>
      %dma_wait3A_43 = arith.constant 0 : i32
      %dma_wait3A_44 = tpu.memref_slice %arg3[%arg1, %mul3A_2, %dma_wait3A_43] : memref<16x80x128xi32, #tpu.memory_space<hbm>> -> memref<1x40x128xi32, #tpu.memory_space<hbm>>
      %dma_wait3A_45 = tpu.memref_squeeze %dma_wait3A_44 : memref<1x40x128xi32, #tpu.memory_space<hbm>> -> memref<40x128xi32, #tpu.memory_space<hbm>>
      tpu.wait_dma2 semaphore(%run_scoped3A : memref<!tpu.dma_semaphore, #tpu.memory_space<semaphore_mem>>) src(%dma_wait3A_45 : memref<40x128xi32, #tpu.memory_space<hbm>>) dst(%arg7 : memref<40x128xi32, #tpu.memory_space<vmem>>)
      tpu.yield
    }) : () -> ()
    "tpu.region"() ({
      %run_scoped3A = tpu.sem_alloc : memref<!tpu.dma_semaphore, #tpu.memory_space<semaphore_mem>>
      %dma_start3A = arith.constant 0 : i32
      %dma_start3A_35 = tpu.memref_slice %arg4[%arg1, %mul3A_2, %dma_start3A] : memref<16x80x128xi32, #tpu.memory_space<hbm>> -> memref<1x40x128xi32, #tpu.memory_space<hbm>>
      %dma_start3A_36 = tpu.memref_squeeze %dma_start3A_35 : memref<1x40x128xi32, #tpu.memory_space<hbm>> -> memref<40x128xi32, #tpu.memory_space<hbm>>
      %dma_start3A_37 = arith.constant 0 : i32
      %dma_start3A_38 = tpu.memref_slice %arg4[%arg1, %mul3A_2, %dma_start3A_37] : memref<16x80x128xi32, #tpu.memory_space<hbm>> -> memref<1x40x128xi32, #tpu.memory_space<hbm>>
      %dma_start3A_39 = tpu.memref_squeeze %dma_start3A_38 : memref<1x40x128xi32, #tpu.memory_space<hbm>> -> memref<40x128xi32, #tpu.memory_space<hbm>>
      tpu.enqueue_dma source(%dma_start3A_39 : memref<40x128xi32, #tpu.memory_space<hbm>>) target(%arg8 : memref<40x128xi32, #tpu.memory_space<vmem>>) target_semaphore(%run_scoped3A : memref<!tpu.dma_semaphore, #tpu.memory_space<semaphore_mem>>)
      %dma_wait3A_40 = arith.constant 0 : i32
      %dma_wait3A_41 = tpu.memref_slice %arg4[%arg1, %mul3A_2, %dma_wait3A_40] : memref<16x80x128xi32, #tpu.memory_space<hbm>> -> memref<1x40x128xi32, #tpu.memory_space<hbm>>
      %dma_wait3A_42 = tpu.memref_squeeze %dma_wait3A_41 : memref<1x40x128xi32, #tpu.memory_space<hbm>> -> memref<40x128xi32, #tpu.memory_space<hbm>>
      %dma_wait3A_43 = arith.constant 0 : i32
      %dma_wait3A_44 = tpu.memref_slice %arg4[%arg1, %mul3A_2, %dma_wait3A_43] : memref<16x80x128xi32, #tpu.memory_space<hbm>> -> memref<1x40x128xi32, #tpu.memory_space<hbm>>
      %dma_wait3A_45 = tpu.memref_squeeze %dma_wait3A_44 : memref<1x40x128xi32, #tpu.memory_space<hbm>> -> memref<40x128xi32, #tpu.memory_space<hbm>>
      tpu.wait_dma2 semaphore(%run_scoped3A : memref<!tpu.dma_semaphore, #tpu.memory_space<semaphore_mem>>) src(%dma_wait3A_45 : memref<40x128xi32, #tpu.memory_space<hbm>>) dst(%arg8 : memref<40x128xi32, #tpu.memory_space<vmem>>)
      tpu.yield
    }) : () -> ()
    %barrier3A = arith.constant 0 : index
    tpu.barrier barrier_id(%barrier3A)
    %scan3A = arith.constant 0 : i32
    %scan3A_3 = arith.constant 10 : i32
    %scan3A_4 = arith.addi %scan3A, %scan3A_3 : i32
    %scan3A_5 = arith.constant 1 : i32
    scf.for %scan3A_35 = %scan3A to %scan3A_4 step %scan3A_5  : i32 {
      %mul3A_36 = arith.constant 4 : i32
      %mul3A_37 = arith.muli %scan3A_35, %mul3A_36 : i32
      %add3A = arith.constant 0 : i32
      %add3A_38 = arith.addi %add3A, %mul3A_37 : i32
      %gt3A = arith.constant 0 : i32
      %gt3A_39 = arith.cmpi sgt, %add3A_38, %gt3A : i32
      %convert_element_type3A = arith.extui %gt3A_39 : i1 to i32
      %cond3A = arith.constant 0 : i32
      %cond3A_40 = arith.cmpi ne, %convert_element_type3A, %cond3A : i32
      scf.if %cond3A_40 {
        %dma_wait3A_143 = arith.constant 0 : i32
        %dma_wait3A_144 = tpu.memref_slice %arg8[%add3A_38, %dma_wait3A_143] : memref<40x128xi32, #tpu.memory_space<vmem>> -> memref<1x128xi32, #tpu.memory_space<vmem>>
        %dma_wait3A_145 = tpu.memref_squeeze %dma_wait3A_144 : memref<1x128xi32, #tpu.memory_space<vmem>> -> memref<128xi32, #tpu.memory_space<vmem>>
        %dma_wait3A_146 = arith.constant 0 : i32
        %dma_wait3A_147 = arith.constant 0 : i32
        %dma_wait3A_148 = tpu.memref_slice %arg14[%dma_wait3A_146, %dma_wait3A_147] : memref<10112x16xf32, #tpu.memory_space<vmem_shared>> -> memref<10112x16xf32, #tpu.memory_space<vmem_shared>>
        tpu.wait_indirect_dma semaphore(%arg19 : memref<!tpu.dma_semaphore, #tpu.memory_space<semaphore_mem>>) src(%arg9 : memref<128x16xf32, #tpu.memory_space<vmem>>) dst(%dma_wait3A_148 : memref<10112x16xf32, #tpu.memory_space<vmem_shared>>)
      } else {
      }
      %add3A_41 = arith.constant 0 : i32
      %add3A_42 = arith.addi %add3A_38, %add3A_41 : i32
      %dma_start3A = arith.constant 0 : i32
      %dma_start3A_43 = tpu.memref_slice %arg7[%add3A_42, %dma_start3A] : memref<40x128xi32, #tpu.memory_space<vmem>> -> memref<1x128xi32, #tpu.memory_space<vmem>>
      %dma_start3A_44 = tpu.memref_squeeze %dma_start3A_43 : memref<1x128xi32, #tpu.memory_space<vmem>> -> memref<128xi32, #tpu.memory_space<vmem>>
      %dma_start3A_45 = arith.constant 0 : i32
      %dma_start3A_46 = arith.constant 0 : i32
      %dma_start3A_47 = tpu.memref_slice %arg13[%dma_start3A_45, %dma_start3A_46] : memref<10112x16xf32, #tpu.memory_space<vmem_shared>> -> memref<10112x16xf32, #tpu.memory_space<vmem_shared>>
      tpu.enqueue_indirect_dma source(%dma_start3A_47 : memref<10112x16xf32, #tpu.memory_space<vmem_shared>>) target(%arg9 : memref<128x16xf32, #tpu.memory_space<vmem>>) offsets(%dma_start3A_44 : memref<128xi32, #tpu.memory_space<vmem>>) semaphore(%arg15 : memref<!tpu.dma_semaphore, #tpu.memory_space<semaphore_mem>>)
      %gt3A_48 = arith.constant 0 : i32
      %gt3A_49 = arith.cmpi sgt, %add3A_38, %gt3A_48 : i32
      %convert_element_type3A_50 = arith.extui %gt3A_49 : i1 to i32
      %cond3A_51 = arith.constant 0 : i32
      %cond3A_52 = arith.cmpi ne, %convert_element_type3A_50, %cond3A_51 : i32
      scf.if %cond3A_52 {
        %dma_wait3A_143 = arith.constant 0 : i32
        %dma_wait3A_144 = tpu.memref_slice %arg8[%add3A_38, %dma_wait3A_143] : memref<40x128xi32, #tpu.memory_space<vmem>> -> memref<1x128xi32, #tpu.memory_space<vmem>>
        %dma_wait3A_145 = tpu.memref_squeeze %dma_wait3A_144 : memref<1x128xi32, #tpu.memory_space<vmem>> -> memref<128xi32, #tpu.memory_space<vmem>>
        %dma_wait3A_146 = arith.constant 0 : i32
        %dma_wait3A_147 = arith.constant 0 : i32
        %dma_wait3A_148 = tpu.memref_slice %arg14[%dma_wait3A_146, %dma_wait3A_147] : memref<10112x16xf32, #tpu.memory_space<vmem_shared>> -> memref<10112x16xf32, #tpu.memory_space<vmem_shared>>
        tpu.wait_indirect_dma semaphore(%arg20 : memref<!tpu.dma_semaphore, #tpu.memory_space<semaphore_mem>>) src(%arg10 : memref<128x16xf32, #tpu.memory_space<vmem>>) dst(%dma_wait3A_148 : memref<10112x16xf32, #tpu.memory_space<vmem_shared>>)
      } else {
      }
      %add3A_53 = arith.constant 1 : i32
      %add3A_54 = arith.addi %add3A_38, %add3A_53 : i32
      %dma_start3A_55 = arith.constant 0 : i32
      %dma_start3A_56 = tpu.memref_slice %arg7[%add3A_54, %dma_start3A_55] : memref<40x128xi32, #tpu.memory_space<vmem>> -> memref<1x128xi32, #tpu.memory_space<vmem>>
      %dma_start3A_57 = tpu.memref_squeeze %dma_start3A_56 : memref<1x128xi32, #tpu.memory_space<vmem>> -> memref<128xi32, #tpu.memory_space<vmem>>
      %dma_start3A_58 = arith.constant 0 : i32
      %dma_start3A_59 = arith.constant 0 : i32
      %dma_start3A_60 = tpu.memref_slice %arg13[%dma_start3A_58, %dma_start3A_59] : memref<10112x16xf32, #tpu.memory_space<vmem_shared>> -> memref<10112x16xf32, #tpu.memory_space<vmem_shared>>
      tpu.enqueue_indirect_dma source(%dma_start3A_60 : memref<10112x16xf32, #tpu.memory_space<vmem_shared>>) target(%arg10 : memref<128x16xf32, #tpu.memory_space<vmem>>) offsets(%dma_start3A_57 : memref<128xi32, #tpu.memory_space<vmem>>) semaphore(%arg16 : memref<!tpu.dma_semaphore, #tpu.memory_space<semaphore_mem>>)
      %gt3A_61 = arith.constant 0 : i32
      %gt3A_62 = arith.cmpi sgt, %add3A_38, %gt3A_61 : i32
      %convert_element_type3A_63 = arith.extui %gt3A_62 : i1 to i32
      %cond3A_64 = arith.constant 0 : i32
      %cond3A_65 = arith.cmpi ne, %convert_element_type3A_63, %cond3A_64 : i32
      scf.if %cond3A_65 {
        %dma_wait3A_143 = arith.constant 0 : i32
        %dma_wait3A_144 = tpu.memref_slice %arg8[%add3A_38, %dma_wait3A_143] : memref<40x128xi32, #tpu.memory_space<vmem>> -> memref<1x128xi32, #tpu.memory_space<vmem>>
        %dma_wait3A_145 = tpu.memref_squeeze %dma_wait3A_144 : memref<1x128xi32, #tpu.memory_space<vmem>> -> memref<128xi32, #tpu.memory_space<vmem>>
        %dma_wait3A_146 = arith.constant 0 : i32
        %dma_wait3A_147 = arith.constant 0 : i32
        %dma_wait3A_148 = tpu.memref_slice %arg14[%dma_wait3A_146, %dma_wait3A_147] : memref<10112x16xf32, #tpu.memory_space<vmem_shared>> -> memref<10112x16xf32, #tpu.memory_space<vmem_shared>>
        tpu.wait_indirect_dma semaphore(%arg21 : memref<!tpu.dma_semaphore, #tpu.memory_space<semaphore_mem>>) src(%arg11 : memref<128x16xf32, #tpu.memory_space<vmem>>) dst(%dma_wait3A_148 : memref<10112x16xf32, #tpu.memory_space<vmem_shared>>)
      } else {
      }
      %add3A_66 = arith.constant 2 : i32
      %add3A_67 = arith.addi %add3A_38, %add3A_66 : i32
      %dma_start3A_68 = arith.constant 0 : i32
      %dma_start3A_69 = tpu.memref_slice %arg7[%add3A_67, %dma_start3A_68] : memref<40x128xi32, #tpu.memory_space<vmem>> -> memref<1x128xi32, #tpu.memory_space<vmem>>
      %dma_start3A_70 = tpu.memref_squeeze %dma_start3A_69 : memref<1x128xi32, #tpu.memory_space<vmem>> -> memref<128xi32, #tpu.memory_space<vmem>>
      %dma_start3A_71 = arith.constant 0 : i32
      %dma_start3A_72 = arith.constant 0 : i32
      %dma_start3A_73 = tpu.memref_slice %arg13[%dma_start3A_71, %dma_start3A_72] : memref<10112x16xf32, #tpu.memory_space<vmem_shared>> -> memref<10112x16xf32, #tpu.memory_space<vmem_shared>>
      tpu.enqueue_indirect_dma source(%dma_start3A_73 : memref<10112x16xf32, #tpu.memory_space<vmem_shared>>) target(%arg11 : memref<128x16xf32, #tpu.memory_space<vmem>>) offsets(%dma_start3A_70 : memref<128xi32, #tpu.memory_space<vmem>>) semaphore(%arg17 : memref<!tpu.dma_semaphore, #tpu.memory_space<semaphore_mem>>)
      %gt3A_74 = arith.constant 0 : i32
      %gt3A_75 = arith.cmpi sgt, %add3A_38, %gt3A_74 : i32
      %convert_element_type3A_76 = arith.extui %gt3A_75 : i1 to i32
      %cond3A_77 = arith.constant 0 : i32
      %cond3A_78 = arith.cmpi ne, %convert_element_type3A_76, %cond3A_77 : i32
      scf.if %cond3A_78 {
        %dma_wait3A_143 = arith.constant 0 : i32
        %dma_wait3A_144 = tpu.memref_slice %arg8[%add3A_38, %dma_wait3A_143] : memref<40x128xi32, #tpu.memory_space<vmem>> -> memref<1x128xi32, #tpu.memory_space<vmem>>
        %dma_wait3A_145 = tpu.memref_squeeze %dma_wait3A_144 : memref<1x128xi32, #tpu.memory_space<vmem>> -> memref<128xi32, #tpu.memory_space<vmem>>
        %dma_wait3A_146 = arith.constant 0 : i32
        %dma_wait3A_147 = arith.constant 0 : i32
        %dma_wait3A_148 = tpu.memref_slice %arg14[%dma_wait3A_146, %dma_wait3A_147] : memref<10112x16xf32, #tpu.memory_space<vmem_shared>> -> memref<10112x16xf32, #tpu.memory_space<vmem_shared>>
        tpu.wait_indirect_dma semaphore(%arg22 : memref<!tpu.dma_semaphore, #tpu.memory_space<semaphore_mem>>) src(%arg12 : memref<128x16xf32, #tpu.memory_space<vmem>>) dst(%dma_wait3A_148 : memref<10112x16xf32, #tpu.memory_space<vmem_shared>>)
      } else {
      }
      %add3A_79 = arith.constant 3 : i32
      %add3A_80 = arith.addi %add3A_38, %add3A_79 : i32
      %dma_start3A_81 = arith.constant 0 : i32
      %dma_start3A_82 = tpu.memref_slice %arg7[%add3A_80, %dma_start3A_81] : memref<40x128xi32, #tpu.memory_space<vmem>> -> memref<1x128xi32, #tpu.memory_space<vmem>>
      %dma_start3A_83 = tpu.memref_squeeze %dma_start3A_82 : memref<1x128xi32, #tpu.memory_space<vmem>> -> memref<128xi32, #tpu.memory_space<vmem>>
      %dma_start3A_84 = arith.constant 0 : i32
      %dma_start3A_85 = arith.constant 0 : i32
      %dma_start3A_86 = tpu.memref_slice %arg13[%dma_start3A_84, %dma_start3A_85] : memref<10112x16xf32, #tpu.memory_space<vmem_shared>> -> memref<10112x16xf32, #tpu.memory_space<vmem_shared>>
      tpu.enqueue_indirect_dma source(%dma_start3A_86 : memref<10112x16xf32, #tpu.memory_space<vmem_shared>>) target(%arg12 : memref<128x16xf32, #tpu.memory_space<vmem>>) offsets(%dma_start3A_83 : memref<128xi32, #tpu.memory_space<vmem>>) semaphore(%arg18 : memref<!tpu.dma_semaphore, #tpu.memory_space<semaphore_mem>>)
      %dma_wait3A_87 = arith.constant 0 : i32
      %dma_wait3A_88 = tpu.memref_slice %arg7[%add3A_42, %dma_wait3A_87] : memref<40x128xi32, #tpu.memory_space<vmem>> -> memref<1x128xi32, #tpu.memory_space<vmem>>
      %dma_wait3A_89 = tpu.memref_squeeze %dma_wait3A_88 : memref<1x128xi32, #tpu.memory_space<vmem>> -> memref<128xi32, #tpu.memory_space<vmem>>
      %dma_wait3A_90 = arith.constant 0 : i32
      %dma_wait3A_91 = arith.constant 0 : i32
      %dma_wait3A_92 = tpu.memref_slice %arg13[%dma_wait3A_90, %dma_wait3A_91] : memref<10112x16xf32, #tpu.memory_space<vmem_shared>> -> memref<10112x16xf32, #tpu.memory_space<vmem_shared>>
      tpu.wait_indirect_dma semaphore(%arg15 : memref<!tpu.dma_semaphore, #tpu.memory_space<semaphore_mem>>) src(%dma_wait3A_92 : memref<10112x16xf32, #tpu.memory_space<vmem_shared>>) dst(%arg9 : memref<128x16xf32, #tpu.memory_space<vmem>>)
      %add3A_93 = arith.constant 0 : i32
      %add3A_94 = arith.addi %add3A_38, %add3A_93 : i32
      %dma_start3A_95 = arith.constant 0 : i32
      %dma_start3A_96 = tpu.memref_slice %arg8[%add3A_94, %dma_start3A_95] : memref<40x128xi32, #tpu.memory_space<vmem>> -> memref<1x128xi32, #tpu.memory_space<vmem>>
      %dma_start3A_97 = tpu.memref_squeeze %dma_start3A_96 : memref<1x128xi32, #tpu.memory_space<vmem>> -> memref<128xi32, #tpu.memory_space<vmem>>
      %dma_start3A_98 = arith.constant 0 : i32
      %dma_start3A_99 = arith.constant 0 : i32
      %dma_start3A_100 = tpu.memref_slice %arg14[%dma_start3A_98, %dma_start3A_99] : memref<10112x16xf32, #tpu.memory_space<vmem_shared>> -> memref<10112x16xf32, #tpu.memory_space<vmem_shared>>
      tpu.enqueue_indirect_dma source(%arg9 : memref<128x16xf32, #tpu.memory_space<vmem>>) target(%dma_start3A_100 : memref<10112x16xf32, #tpu.memory_space<vmem_shared>>) offsets(%dma_start3A_97 : memref<128xi32, #tpu.memory_space<vmem>>) semaphore(%arg19 : memref<!tpu.dma_semaphore, #tpu.memory_space<semaphore_mem>>) {add = true}
      %dma_wait3A_101 = arith.constant 0 : i32
      %dma_wait3A_102 = tpu.memref_slice %arg7[%add3A_54, %dma_wait3A_101] : memref<40x128xi32, #tpu.memory_space<vmem>> -> memref<1x128xi32, #tpu.memory_space<vmem>>
      %dma_wait3A_103 = tpu.memref_squeeze %dma_wait3A_102 : memref<1x128xi32, #tpu.memory_space<vmem>> -> memref<128xi32, #tpu.memory_space<vmem>>
      %dma_wait3A_104 = arith.constant 0 : i32
      %dma_wait3A_105 = arith.constant 0 : i32
      %dma_wait3A_106 = tpu.memref_slice %arg13[%dma_wait3A_104, %dma_wait3A_105] : memref<10112x16xf32, #tpu.memory_space<vmem_shared>> -> memref<10112x16xf32, #tpu.memory_space<vmem_shared>>
      tpu.wait_indirect_dma semaphore(%arg16 : memref<!tpu.dma_semaphore, #tpu.memory_space<semaphore_mem>>) src(%dma_wait3A_106 : memref<10112x16xf32, #tpu.memory_space<vmem_shared>>) dst(%arg10 : memref<128x16xf32, #tpu.memory_space<vmem>>)
      %add3A_107 = arith.constant 1 : i32
      %add3A_108 = arith.addi %add3A_38, %add3A_107 : i32
      %dma_start3A_109 = arith.constant 0 : i32
      %dma_start3A_110 = tpu.memref_slice %arg8[%add3A_108, %dma_start3A_109] : memref<40x128xi32, #tpu.memory_space<vmem>> -> memref<1x128xi32, #tpu.memory_space<vmem>>
      %dma_start3A_111 = tpu.memref_squeeze %dma_start3A_110 : memref<1x128xi32, #tpu.memory_space<vmem>> -> memref<128xi32, #tpu.memory_space<vmem>>
      %dma_start3A_112 = arith.constant 0 : i32
      %dma_start3A_113 = arith.constant 0 : i32
      %dma_start3A_114 = tpu.memref_slice %arg14[%dma_start3A_112, %dma_start3A_113] : memref<10112x16xf32, #tpu.memory_space<vmem_shared>> -> memref<10112x16xf32, #tpu.memory_space<vmem_shared>>
      tpu.enqueue_indirect_dma source(%arg10 : memref<128x16xf32, #tpu.memory_space<vmem>>) target(%dma_start3A_114 : memref<10112x16xf32, #tpu.memory_space<vmem_shared>>) offsets(%dma_start3A_111 : memref<128xi32, #tpu.memory_space<vmem>>) semaphore(%arg20 : memref<!tpu.dma_semaphore, #tpu.memory_space<semaphore_mem>>) {add = true}
      %dma_wait3A_115 = arith.constant 0 : i32
      %dma_wait3A_116 = tpu.memref_slice %arg7[%add3A_67, %dma_wait3A_115] : memref<40x128xi32, #tpu.memory_space<vmem>> -> memref<1x128xi32, #tpu.memory_space<vmem>>
      %dma_wait3A_117 = tpu.memref_squeeze %dma_wait3A_116 : memref<1x128xi32, #tpu.memory_space<vmem>> -> memref<128xi32, #tpu.memory_space<vmem>>
      %dma_wait3A_118 = arith.constant 0 : i32
      %dma_wait3A_119 = arith.constant 0 : i32
      %dma_wait3A_120 = tpu.memref_slice %arg13[%dma_wait3A_118, %dma_wait3A_119] : memref<10112x16xf32, #tpu.memory_space<vmem_shared>> -> memref<10112x16xf32, #tpu.memory_space<vmem_shared>>
      tpu.wait_indirect_dma semaphore(%arg17 : memref<!tpu.dma_semaphore, #tpu.memory_space<semaphore_mem>>) src(%dma_wait3A_120 : memref<10112x16xf32, #tpu.memory_space<vmem_shared>>) dst(%arg11 : memref<128x16xf32, #tpu.memory_space<vmem>>)
      %add3A_121 = arith.constant 2 : i32
      %add3A_122 = arith.addi %add3A_38, %add3A_121 : i32
      %dma_start3A_123 = arith.constant 0 : i32
      %dma_start3A_124 = tpu.memref_slice %arg8[%add3A_122, %dma_start3A_123] : memref<40x128xi32, #tpu.memory_space<vmem>> -> memref<1x128xi32, #tpu.memory_space<vmem>>
      %dma_start3A_125 = tpu.memref_squeeze %dma_start3A_124 : memref<1x128xi32, #tpu.memory_space<vmem>> -> memref<128xi32, #tpu.memory_space<vmem>>
      %dma_start3A_126 = arith.constant 0 : i32
      %dma_start3A_127 = arith.constant 0 : i32
      %dma_start3A_128 = tpu.memref_slice %arg14[%dma_start3A_126, %dma_start3A_127] : memref<10112x16xf32, #tpu.memory_space<vmem_shared>> -> memref<10112x16xf32, #tpu.memory_space<vmem_shared>>
      tpu.enqueue_indirect_dma source(%arg11 : memref<128x16xf32, #tpu.memory_space<vmem>>) target(%dma_start3A_128 : memref<10112x16xf32, #tpu.memory_space<vmem_shared>>) offsets(%dma_start3A_125 : memref<128xi32, #tpu.memory_space<vmem>>) semaphore(%arg21 : memref<!tpu.dma_semaphore, #tpu.memory_space<semaphore_mem>>) {add = true}
      %dma_wait3A_129 = arith.constant 0 : i32
      %dma_wait3A_130 = tpu.memref_slice %arg7[%add3A_80, %dma_wait3A_129] : memref<40x128xi32, #tpu.memory_space<vmem>> -> memref<1x128xi32, #tpu.memory_space<vmem>>
      %dma_wait3A_131 = tpu.memref_squeeze %dma_wait3A_130 : memref<1x128xi32, #tpu.memory_space<vmem>> -> memref<128xi32, #tpu.memory_space<vmem>>
      %dma_wait3A_132 = arith.constant 0 : i32
      %dma_wait3A_133 = arith.constant 0 : i32
      %dma_wait3A_134 = tpu.memref_slice %arg13[%dma_wait3A_132, %dma_wait3A_133] : memref<10112x16xf32, #tpu.memory_space<vmem_shared>> -> memref<10112x16xf32, #tpu.memory_space<vmem_shared>>
      tpu.wait_indirect_dma semaphore(%arg18 : memref<!tpu.dma_semaphore, #tpu.memory_space<semaphore_mem>>) src(%dma_wait3A_134 : memref<10112x16xf32, #tpu.memory_space<vmem_shared>>) dst(%arg12 : memref<128x16xf32, #tpu.memory_space<vmem>>)
      %add3A_135 = arith.constant 3 : i32
      %add3A_136 = arith.addi %add3A_38, %add3A_135 : i32
      %dma_start3A_137 = arith.constant 0 : i32
      %dma_start3A_138 = tpu.memref_slice %arg8[%add3A_136, %dma_start3A_137] : memref<40x128xi32, #tpu.memory_space<vmem>> -> memref<1x128xi32, #tpu.memory_space<vmem>>
      %dma_start3A_139 = tpu.memref_squeeze %dma_start3A_138 : memref<1x128xi32, #tpu.memory_space<vmem>> -> memref<128xi32, #tpu.memory_space<vmem>>
      %dma_start3A_140 = arith.constant 0 : i32
      %dma_start3A_141 = arith.constant 0 : i32
      %dma_start3A_142 = tpu.memref_slice %arg14[%dma_start3A_140, %dma_start3A_141] : memref<10112x16xf32, #tpu.memory_space<vmem_shared>> -> memref<10112x16xf32, #tpu.memory_space<vmem_shared>>
      tpu.enqueue_indirect_dma source(%arg12 : memref<128x16xf32, #tpu.memory_space<vmem>>) target(%dma_start3A_142 : memref<10112x16xf32, #tpu.memory_space<vmem_shared>>) offsets(%dma_start3A_139 : memref<128xi32, #tpu.memory_space<vmem>>) semaphore(%arg22 : memref<!tpu.dma_semaphore, #tpu.memory_space<semaphore_mem>>) {add = true}
    }
    %scan3A_6 = arith.constant 10 : i32
    %dma_wait3A = arith.constant 0 : i32
    %dma_wait3A_7 = arith.constant 0 : i32
    %dma_wait3A_8 = tpu.memref_slice %arg8[%dma_wait3A, %dma_wait3A_7] : memref<40x128xi32, #tpu.memory_space<vmem>> -> memref<1x128xi32, #tpu.memory_space<vmem>>
    %dma_wait3A_9 = tpu.memref_squeeze %dma_wait3A_8 : memref<1x128xi32, #tpu.memory_space<vmem>> -> memref<128xi32, #tpu.memory_space<vmem>>
    %dma_wait3A_10 = arith.constant 0 : i32
    %dma_wait3A_11 = arith.constant 0 : i32
    %dma_wait3A_12 = tpu.memref_slice %arg14[%dma_wait3A_10, %dma_wait3A_11] : memref<10112x16xf32, #tpu.memory_space<vmem_shared>> -> memref<10112x16xf32, #tpu.memory_space<vmem_shared>>
    tpu.wait_indirect_dma semaphore(%arg19 : memref<!tpu.dma_semaphore, #tpu.memory_space<semaphore_mem>>) src(%arg9 : memref<128x16xf32, #tpu.memory_space<vmem>>) dst(%dma_wait3A_12 : memref<10112x16xf32, #tpu.memory_space<vmem_shared>>)
    %dma_wait3A_13 = arith.constant 0 : i32
    %dma_wait3A_14 = arith.constant 0 : i32
    %dma_wait3A_15 = tpu.memref_slice %arg8[%dma_wait3A_13, %dma_wait3A_14] : memref<40x128xi32, #tpu.memory_space<vmem>> -> memref<1x128xi32, #tpu.memory_space<vmem>>
    %dma_wait3A_16 = tpu.memref_squeeze %dma_wait3A_15 : memref<1x128xi32, #tpu.memory_space<vmem>> -> memref<128xi32, #tpu.memory_space<vmem>>
    %dma_wait3A_17 = arith.constant 0 : i32
    %dma_wait3A_18 = arith.constant 0 : i32
    %dma_wait3A_19 = tpu.memref_slice %arg14[%dma_wait3A_17, %dma_wait3A_18] : memref<10112x16xf32, #tpu.memory_space<vmem_shared>> -> memref<10112x16xf32, #tpu.memory_space<vmem_shared>>
    tpu.wait_indirect_dma semaphore(%arg20 : memref<!tpu.dma_semaphore, #tpu.memory_space<semaphore_mem>>) src(%arg10 : memref<128x16xf32, #tpu.memory_space<vmem>>) dst(%dma_wait3A_19 : memref<10112x16xf32, #tpu.memory_space<vmem_shared>>)
    %dma_wait3A_20 = arith.constant 0 : i32
    %dma_wait3A_21 = arith.constant 0 : i32
    %dma_wait3A_22 = tpu.memref_slice %arg8[%dma_wait3A_20, %dma_wait3A_21] : memref<40x128xi32, #tpu.memory_space<vmem>> -> memref<1x128xi32, #tpu.memory_space<vmem>>
    %dma_wait3A_23 = tpu.memref_squeeze %dma_wait3A_22 : memref<1x128xi32, #tpu.memory_space<vmem>> -> memref<128xi32, #tpu.memory_space<vmem>>
    %dma_wait3A_24 = arith.constant 0 : i32
    %dma_wait3A_25 = arith.constant 0 : i32
    %dma_wait3A_26 = tpu.memref_slice %arg14[%dma_wait3A_24, %dma_wait3A_25] : memref<10112x16xf32, #tpu.memory_space<vmem_shared>> -> memref<10112x16xf32, #tpu.memory_space<vmem_shared>>
    tpu.wait_indirect_dma semaphore(%arg21 : memref<!tpu.dma_semaphore, #tpu.memory_space<semaphore_mem>>) src(%arg11 : memref<128x16xf32, #tpu.memory_space<vmem>>) dst(%dma_wait3A_26 : memref<10112x16xf32, #tpu.memory_space<vmem_shared>>)
    %dma_wait3A_27 = arith.constant 0 : i32
    %dma_wait3A_28 = arith.constant 0 : i32
    %dma_wait3A_29 = tpu.memref_slice %arg8[%dma_wait3A_27, %dma_wait3A_28] : memref<40x128xi32, #tpu.memory_space<vmem>> -> memref<1x128xi32, #tpu.memory_space<vmem>>
    %dma_wait3A_30 = tpu.memref_squeeze %dma_wait3A_29 : memref<1x128xi32, #tpu.memory_space<vmem>> -> memref<128xi32, #tpu.memory_space<vmem>>
    %dma_wait3A_31 = arith.constant 0 : i32
    %dma_wait3A_32 = arith.constant 0 : i32
    %dma_wait3A_33 = tpu.memref_slice %arg14[%dma_wait3A_31, %dma_wait3A_32] : memref<10112x16xf32, #tpu.memory_space<vmem_shared>> -> memref<10112x16xf32, #tpu.memory_space<vmem_shared>>
    tpu.wait_indirect_dma semaphore(%arg22 : memref<!tpu.dma_semaphore, #tpu.memory_space<semaphore_mem>>) src(%arg12 : memref<128x16xf32, #tpu.memory_space<vmem>>) dst(%dma_wait3A_33 : memref<10112x16xf32, #tpu.memory_space<vmem_shared>>)
    %barrier3A_34 = arith.constant 0 : index
    tpu.barrier barrier_id(%barrier3A_34)
    "tpu.region"() ({
      %run_scoped3A = tpu.sem_alloc : memref<!tpu.dma_semaphore, #tpu.memory_space<semaphore_mem>>
      %dma_start3A = arith.constant 0 : i32
      %dma_start3A_35 = tpu.memref_slice %arg6[%arg0, %mul3A_0, %dma_start3A] : memref<2x10112x16xf32, #tpu.memory_space<hbm>> -> memref<1x632x16xf32, #tpu.memory_space<hbm>>
      %dma_start3A_36 = tpu.memref_squeeze %dma_start3A_35 : memref<1x632x16xf32, #tpu.memory_space<hbm>> -> memref<632x16xf32, #tpu.memory_space<hbm>>
      %dma_start3A_37 = arith.constant 0 : i32
      %dma_start3A_38 = tpu.memref_slice %arg14[%mul3A_0, %dma_start3A_37] : memref<10112x16xf32, #tpu.memory_space<vmem_shared>> -> memref<632x16xf32, #tpu.memory_space<vmem_shared>>
      tpu.enqueue_dma source(%dma_start3A_38 : memref<632x16xf32, #tpu.memory_space<vmem_shared>>) target(%dma_start3A_36 : memref<632x16xf32, #tpu.memory_space<hbm>>) target_semaphore(%run_scoped3A : memref<!tpu.dma_semaphore, #tpu.memory_space<semaphore_mem>>)
      %dma_wait3A_39 = arith.constant 0 : i32
      %dma_wait3A_40 = tpu.memref_slice %arg6[%arg0, %mul3A_0, %dma_wait3A_39] : memref<2x10112x16xf32, #tpu.memory_space<hbm>> -> memref<1x632x16xf32, #tpu.memory_space<hbm>>
      %dma_wait3A_41 = tpu.memref_squeeze %dma_wait3A_40 : memref<1x632x16xf32, #tpu.memory_space<hbm>> -> memref<632x16xf32, #tpu.memory_space<hbm>>
      %dma_wait3A_42 = arith.constant 0 : i32
      %dma_wait3A_43 = tpu.memref_slice %arg14[%mul3A_0, %dma_wait3A_42] : memref<10112x16xf32, #tpu.memory_space<vmem_shared>> -> memref<632x16xf32, #tpu.memory_space<vmem_shared>>
      tpu.wait_dma2 semaphore(%run_scoped3A : memref<!tpu.dma_semaphore, #tpu.memory_space<semaphore_mem>>) src(%dma_wait3A_43 : memref<632x16xf32, #tpu.memory_space<vmem_shared>>) dst(%dma_wait3A_41 : memref<632x16xf32, #tpu.memory_space<hbm>>)
      tpu.yield
    }) : () -> ()
    return
  }
}

#map = affine_map<(d0, d1) -> (0, 0, 0)>
#map1 = affine_map<(d0, d1) -> (0, 0)>
module attributes {stable_mosaic.version = 14 : i64} {
  func.func @k(%arg0: i32, %arg1: i32, %arg2: memref<2x10112x128xf32, #tpu.memory_space<hbm>>, %arg3: memref<16x80x128xi32, #tpu.memory_space<hbm>>, %arg4: memref<16x80x128xi32, #tpu.memory_space<hbm>>, %arg5: memref<10112x64xf32, #tpu.memory_space<hbm>>, %arg6: memref<2x10112x128xf32, #tpu.memory_space<hbm>>, %arg7: memref<2x20x128xi32, #tpu.memory_space<vmem>>, %arg8: memref<2x20x128xi32, #tpu.memory_space<vmem>>, %arg9: memref<128x64xf32, #tpu.memory_space<vmem>>, %arg10: memref<128x64xf32, #tpu.memory_space<vmem>>, %arg11: memref<128x64xf32, #tpu.memory_space<vmem>>, %arg12: memref<128x64xf32, #tpu.memory_space<vmem>>, %arg13: memref<10112x64xf32, #tpu.memory_space<vmem_shared>>, %arg14: memref<10112x64xf32, #tpu.memory_space<vmem_shared>>, %arg15: memref<!tpu.dma_semaphore, #tpu.memory_space<semaphore_mem>>, %arg16: memref<!tpu.dma_semaphore, #tpu.memory_space<semaphore_mem>>, %arg17: memref<!tpu.dma_semaphore, #tpu.memory_space<semaphore_mem>>, %arg18: memref<!tpu.dma_semaphore, #tpu.memory_space<semaphore_mem>>, %arg19: memref<!tpu.dma_semaphore, #tpu.memory_space<semaphore_mem>>, %arg20: memref<!tpu.dma_semaphore, #tpu.memory_space<semaphore_mem>>, %arg21: memref<!tpu.dma_semaphore, #tpu.memory_space<semaphore_mem>>, %arg22: memref<!tpu.dma_semaphore, #tpu.memory_space<semaphore_mem>>) attributes {dimension_semantics = [#tpu.dimension_semantics<core_parallel>, #tpu.dimension_semantics<subcore_parallel>], iteration_bounds = array<i64: 2, 16>, scalar_prefetch = 0 : i64, scratch_operands = 16 : i64, tpu.core_type = #tpu.core_type<sc_vector_subcore>, window_params = [{transform_indices = #map}, {transform_indices = #map}, {transform_indices = #map}, {transform_indices = #map1}, {transform_indices = #map}]} {
    %mul3A = arith.constant 632 : i32
    %mul3A_0 = arith.muli %arg1, %mul3A : i32
    "tpu.region"() ({
      %run_scoped3A = tpu.sem_alloc : memref<!tpu.dma_semaphore, #tpu.memory_space<semaphore_mem>>
      %dma_start3A = arith.constant 0 : i32
      %dma_start3A_76 = tpu.memref_slice %arg13[%mul3A_0, %dma_start3A] : memref<10112x64xf32, #tpu.memory_space<vmem_shared>> -> memref<632x64xf32, #tpu.memory_space<vmem_shared>>
      %dma_start3A_77 = arith.constant 0 : i32
      %dma_start3A_78 = tpu.memref_slice %arg2[%arg0, %mul3A_0, %dma_start3A_77] : memref<2x10112x128xf32, #tpu.memory_space<hbm>> -> memref<1x632x64xf32, #tpu.memory_space<hbm>>
      %dma_start3A_79 = tpu.memref_squeeze %dma_start3A_78 : memref<1x632x64xf32, #tpu.memory_space<hbm>> -> memref<632x64xf32, #tpu.memory_space<hbm>>
      tpu.enqueue_dma source(%dma_start3A_79 : memref<632x64xf32, #tpu.memory_space<hbm>>) target(%dma_start3A_76 : memref<632x64xf32, #tpu.memory_space<vmem_shared>>) target_semaphore(%run_scoped3A : memref<!tpu.dma_semaphore, #tpu.memory_space<semaphore_mem>>)
      %dma_wait3A_80 = arith.constant 0 : i32
      %dma_wait3A_81 = tpu.memref_slice %arg13[%mul3A_0, %dma_wait3A_80] : memref<10112x64xf32, #tpu.memory_space<vmem_shared>> -> memref<632x64xf32, #tpu.memory_space<vmem_shared>>
      %dma_wait3A_82 = arith.constant 0 : i32
      %dma_wait3A_83 = tpu.memref_slice %arg2[%arg0, %mul3A_0, %dma_wait3A_82] : memref<2x10112x128xf32, #tpu.memory_space<hbm>> -> memref<1x632x64xf32, #tpu.memory_space<hbm>>
      %dma_wait3A_84 = tpu.memref_squeeze %dma_wait3A_83 : memref<1x632x64xf32, #tpu.memory_space<hbm>> -> memref<632x64xf32, #tpu.memory_space<hbm>>
      tpu.wait_dma2 semaphore(%run_scoped3A : memref<!tpu.dma_semaphore, #tpu.memory_space<semaphore_mem>>) src(%dma_wait3A_84 : memref<632x64xf32, #tpu.memory_space<hbm>>) dst(%dma_wait3A_81 : memref<632x64xf32, #tpu.memory_space<vmem_shared>>)
      tpu.yield
    }) : () -> ()
    "tpu.region"() ({
      %run_scoped3A = tpu.sem_alloc : memref<!tpu.dma_semaphore, #tpu.memory_space<semaphore_mem>>
      %dma_start3A = arith.constant 0 : i32
      %dma_start3A_76 = tpu.memref_slice %arg14[%mul3A_0, %dma_start3A] : memref<10112x64xf32, #tpu.memory_space<vmem_shared>> -> memref<632x64xf32, #tpu.memory_space<vmem_shared>>
      %dma_start3A_77 = arith.constant 0 : i32
      %dma_start3A_78 = tpu.memref_slice %arg5[%mul3A_0, %dma_start3A_77] : memref<10112x64xf32, #tpu.memory_space<hbm>> -> memref<632x64xf32, #tpu.memory_space<hbm>>
      tpu.enqueue_dma source(%dma_start3A_78 : memref<632x64xf32, #tpu.memory_space<hbm>>) target(%dma_start3A_76 : memref<632x64xf32, #tpu.memory_space<vmem_shared>>) target_semaphore(%run_scoped3A : memref<!tpu.dma_semaphore, #tpu.memory_space<semaphore_mem>>)
      %dma_wait3A_79 = arith.constant 0 : i32
      %dma_wait3A_80 = tpu.memref_slice %arg14[%mul3A_0, %dma_wait3A_79] : memref<10112x64xf32, #tpu.memory_space<vmem_shared>> -> memref<632x64xf32, #tpu.memory_space<vmem_shared>>
      %dma_wait3A_81 = arith.constant 0 : i32
      %dma_wait3A_82 = tpu.memref_slice %arg5[%mul3A_0, %dma_wait3A_81] : memref<10112x64xf32, #tpu.memory_space<hbm>> -> memref<632x64xf32, #tpu.memory_space<hbm>>
      tpu.wait_dma2 semaphore(%run_scoped3A : memref<!tpu.dma_semaphore, #tpu.memory_space<semaphore_mem>>) src(%dma_wait3A_82 : memref<632x64xf32, #tpu.memory_space<hbm>>) dst(%dma_wait3A_80 : memref<632x64xf32, #tpu.memory_space<vmem_shared>>)
      tpu.yield
    }) : () -> ()
    %barrier3A = arith.constant 0 : index
    tpu.barrier barrier_id(%barrier3A)
    %scan3A = arith.constant 0 : i32
    %scan3A_1 = arith.constant 4 : i32
    %scan3A_2 = arith.addi %scan3A, %scan3A_1 : i32
    %scan3A_3 = arith.constant 1 : i32
    scf.for %scan3A_76 = %scan3A to %scan3A_2 step %scan3A_3  : i32 {
      %mul3A_77 = arith.constant 1 : i32
      %mul3A_78 = arith.muli %scan3A_76, %mul3A_77 : i32
      %add3A = arith.constant 0 : i32
      %add3A_79 = arith.addi %add3A, %mul3A_78 : i32
      %rem3A = arith.constant 2 : i32
      %rem3A_80 = arith.remsi %add3A_79, %rem3A : i32
      %mul3A_81 = arith.constant 20 : i32
      %mul3A_82 = arith.muli %add3A_79, %mul3A_81 : i32
      "tpu.region"() ({
        %run_scoped3A = tpu.sem_alloc : memref<!tpu.dma_semaphore, #tpu.memory_space<semaphore_mem>>
        %dma_start3A = arith.constant 0 : i32
        %dma_start3A_90 = arith.constant 0 : i32
        %dma_start3A_91 = tpu.memref_slice %arg7[%rem3A_80, %dma_start3A, %dma_start3A_90] : memref<2x20x128xi32, #tpu.memory_space<vmem>> -> memref<1x20x128xi32, #tpu.memory_space<vmem>>
        %dma_start3A_92 = tpu.memref_squeeze %dma_start3A_91 : memref<1x20x128xi32, #tpu.memory_space<vmem>> -> memref<20x128xi32, #tpu.memory_space<vmem>>
        %dma_start3A_93 = arith.constant 0 : i32
        %dma_start3A_94 = tpu.memref_slice %arg3[%arg1, %mul3A_82, %dma_start3A_93] : memref<16x80x128xi32, #tpu.memory_space<hbm>> -> memref<1x20x128xi32, #tpu.memory_space<hbm>>
        %dma_start3A_95 = tpu.memref_squeeze %dma_start3A_94 : memref<1x20x128xi32, #tpu.memory_space<hbm>> -> memref<20x128xi32, #tpu.memory_space<hbm>>
        %dma_start3A_96 = arith.constant 0 : i32
        %dma_start3A_97 = arith.constant 0 : i32
        %dma_start3A_98 = tpu.memref_slice %arg7[%rem3A_80, %dma_start3A_96, %dma_start3A_97] : memref<2x20x128xi32, #tpu.memory_space<vmem>> -> memref<1x20x128xi32, #tpu.memory_space<vmem>>
        %dma_start3A_99 = tpu.memref_squeeze %dma_start3A_98 : memref<1x20x128xi32, #tpu.memory_space<vmem>> -> memref<20x128xi32, #tpu.memory_space<vmem>>
        %dma_start3A_100 = arith.constant 0 : i32
        %dma_start3A_101 = tpu.memref_slice %arg3[%arg1, %mul3A_82, %dma_start3A_100] : memref<16x80x128xi32, #tpu.memory_space<hbm>> -> memref<1x20x128xi32, #tpu.memory_space<hbm>>
        %dma_start3A_102 = tpu.memref_squeeze %dma_start3A_101 : memref<1x20x128xi32, #tpu.memory_space<hbm>> -> memref<20x128xi32, #tpu.memory_space<hbm>>
        tpu.enqueue_dma source(%dma_start3A_102 : memref<20x128xi32, #tpu.memory_space<hbm>>) target(%dma_start3A_99 : memref<20x128xi32, #tpu.memory_space<vmem>>) target_semaphore(%run_scoped3A : memref<!tpu.dma_semaphore, #tpu.memory_space<semaphore_mem>>)
        %dma_wait3A_103 = arith.constant 0 : i32
        %dma_wait3A_104 = arith.constant 0 : i32
        %dma_wait3A_105 = tpu.memref_slice %arg7[%rem3A_80, %dma_wait3A_103, %dma_wait3A_104] : memref<2x20x128xi32, #tpu.memory_space<vmem>> -> memref<1x20x128xi32, #tpu.memory_space<vmem>>
        %dma_wait3A_106 = tpu.memref_squeeze %dma_wait3A_105 : memref<1x20x128xi32, #tpu.memory_space<vmem>> -> memref<20x128xi32, #tpu.memory_space<vmem>>
        %dma_wait3A_107 = arith.constant 0 : i32
        %dma_wait3A_108 = tpu.memref_slice %arg3[%arg1, %mul3A_82, %dma_wait3A_107] : memref<16x80x128xi32, #tpu.memory_space<hbm>> -> memref<1x20x128xi32, #tpu.memory_space<hbm>>
        %dma_wait3A_109 = tpu.memref_squeeze %dma_wait3A_108 : memref<1x20x128xi32, #tpu.memory_space<hbm>> -> memref<20x128xi32, #tpu.memory_space<hbm>>
        %dma_wait3A_110 = arith.constant 0 : i32
        %dma_wait3A_111 = arith.constant 0 : i32
        %dma_wait3A_112 = tpu.memref_slice %arg7[%rem3A_80, %dma_wait3A_110, %dma_wait3A_111] : memref<2x20x128xi32, #tpu.memory_space<vmem>> -> memref<1x20x128xi32, #tpu.memory_space<vmem>>
        %dma_wait3A_113 = tpu.memref_squeeze %dma_wait3A_112 : memref<1x20x128xi32, #tpu.memory_space<vmem>> -> memref<20x128xi32, #tpu.memory_space<vmem>>
        %dma_wait3A_114 = arith.constant 0 : i32
        %dma_wait3A_115 = tpu.memref_slice %arg3[%arg1, %mul3A_82, %dma_wait3A_114] : memref<16x80x128xi32, #tpu.memory_space<hbm>> -> memref<1x20x128xi32, #tpu.memory_space<hbm>>
        %dma_wait3A_116 = tpu.memref_squeeze %dma_wait3A_115 : memref<1x20x128xi32, #tpu.memory_space<hbm>> -> memref<20x128xi32, #tpu.memory_space<hbm>>
        tpu.wait_dma2 semaphore(%run_scoped3A : memref<!tpu.dma_semaphore, #tpu.memory_space<semaphore_mem>>) src(%dma_wait3A_116 : memref<20x128xi32, #tpu.memory_space<hbm>>) dst(%dma_wait3A_113 : memref<20x128xi32, #tpu.memory_space<vmem>>)
        tpu.yield
      }) : () -> ()
      %mul3A_83 = arith.constant 20 : i32
      %mul3A_84 = arith.muli %add3A_79, %mul3A_83 : i32
      "tpu.region"() ({
        %run_scoped3A = tpu.sem_alloc : memref<!tpu.dma_semaphore, #tpu.memory_space<semaphore_mem>>
        %dma_start3A = arith.constant 0 : i32
        %dma_start3A_90 = arith.constant 0 : i32
        %dma_start3A_91 = tpu.memref_slice %arg8[%rem3A_80, %dma_start3A, %dma_start3A_90] : memref<2x20x128xi32, #tpu.memory_space<vmem>> -> memref<1x20x128xi32, #tpu.memory_space<vmem>>
        %dma_start3A_92 = tpu.memref_squeeze %dma_start3A_91 : memref<1x20x128xi32, #tpu.memory_space<vmem>> -> memref<20x128xi32, #tpu.memory_space<vmem>>
        %dma_start3A_93 = arith.constant 0 : i32
        %dma_start3A_94 = tpu.memref_slice %arg4[%arg1, %mul3A_84, %dma_start3A_93] : memref<16x80x128xi32, #tpu.memory_space<hbm>> -> memref<1x20x128xi32, #tpu.memory_space<hbm>>
        %dma_start3A_95 = tpu.memref_squeeze %dma_start3A_94 : memref<1x20x128xi32, #tpu.memory_space<hbm>> -> memref<20x128xi32, #tpu.memory_space<hbm>>
        %dma_start3A_96 = arith.constant 0 : i32
        %dma_start3A_97 = arith.constant 0 : i32
        %dma_start3A_98 = tpu.memref_slice %arg8[%rem3A_80, %dma_start3A_96, %dma_start3A_97] : memref<2x20x128xi32, #tpu.memory_space<vmem>> -> memref<1x20x128xi32, #tpu.memory_space<vmem>>
        %dma_start3A_99 = tpu.memref_squeeze %dma_start3A_98 : memref<1x20x128xi32, #tpu.memory_space<vmem>> -> memref<20x128xi32, #tpu.memory_space<vmem>>
        %dma_start3A_100 = arith.constant 0 : i32
        %dma_start3A_101 = tpu.memref_slice %arg4[%arg1, %mul3A_84, %dma_start3A_100] : memref<16x80x128xi32, #tpu.memory_space<hbm>> -> memref<1x20x128xi32, #tpu.memory_space<hbm>>
        %dma_start3A_102 = tpu.memref_squeeze %dma_start3A_101 : memref<1x20x128xi32, #tpu.memory_space<hbm>> -> memref<20x128xi32, #tpu.memory_space<hbm>>
        tpu.enqueue_dma source(%dma_start3A_102 : memref<20x128xi32, #tpu.memory_space<hbm>>) target(%dma_start3A_99 : memref<20x128xi32, #tpu.memory_space<vmem>>) target_semaphore(%run_scoped3A : memref<!tpu.dma_semaphore, #tpu.memory_space<semaphore_mem>>)
        %dma_wait3A_103 = arith.constant 0 : i32
        %dma_wait3A_104 = arith.constant 0 : i32
        %dma_wait3A_105 = tpu.memref_slice %arg8[%rem3A_80, %dma_wait3A_103, %dma_wait3A_104] : memref<2x20x128xi32, #tpu.memory_space<vmem>> -> memref<1x20x128xi32, #tpu.memory_space<vmem>>
        %dma_wait3A_106 = tpu.memref_squeeze %dma_wait3A_105 : memref<1x20x128xi32, #tpu.memory_space<vmem>> -> memref<20x128xi32, #tpu.memory_space<vmem>>
        %dma_wait3A_107 = arith.constant 0 : i32
        %dma_wait3A_108 = tpu.memref_slice %arg4[%arg1, %mul3A_84, %dma_wait3A_107] : memref<16x80x128xi32, #tpu.memory_space<hbm>> -> memref<1x20x128xi32, #tpu.memory_space<hbm>>
        %dma_wait3A_109 = tpu.memref_squeeze %dma_wait3A_108 : memref<1x20x128xi32, #tpu.memory_space<hbm>> -> memref<20x128xi32, #tpu.memory_space<hbm>>
        %dma_wait3A_110 = arith.constant 0 : i32
        %dma_wait3A_111 = arith.constant 0 : i32
        %dma_wait3A_112 = tpu.memref_slice %arg8[%rem3A_80, %dma_wait3A_110, %dma_wait3A_111] : memref<2x20x128xi32, #tpu.memory_space<vmem>> -> memref<1x20x128xi32, #tpu.memory_space<vmem>>
        %dma_wait3A_113 = tpu.memref_squeeze %dma_wait3A_112 : memref<1x20x128xi32, #tpu.memory_space<vmem>> -> memref<20x128xi32, #tpu.memory_space<vmem>>
        %dma_wait3A_114 = arith.constant 0 : i32
        %dma_wait3A_115 = tpu.memref_slice %arg4[%arg1, %mul3A_84, %dma_wait3A_114] : memref<16x80x128xi32, #tpu.memory_space<hbm>> -> memref<1x20x128xi32, #tpu.memory_space<hbm>>
        %dma_wait3A_116 = tpu.memref_squeeze %dma_wait3A_115 : memref<1x20x128xi32, #tpu.memory_space<hbm>> -> memref<20x128xi32, #tpu.memory_space<hbm>>
        tpu.wait_dma2 semaphore(%run_scoped3A : memref<!tpu.dma_semaphore, #tpu.memory_space<semaphore_mem>>) src(%dma_wait3A_116 : memref<20x128xi32, #tpu.memory_space<hbm>>) dst(%dma_wait3A_113 : memref<20x128xi32, #tpu.memory_space<vmem>>)
        tpu.yield
      }) : () -> ()
      %scan3A_85 = arith.constant 0 : i32
      %scan3A_86 = arith.constant 5 : i32
      %scan3A_87 = arith.addi %scan3A_85, %scan3A_86 : i32
      %scan3A_88 = arith.constant 1 : i32
      scf.for %scan3A_90 = %scan3A_85 to %scan3A_87 step %scan3A_88  : i32 {
        %mul3A_91 = arith.constant 4 : i32
        %mul3A_92 = arith.muli %scan3A_90, %mul3A_91 : i32
        %add3A_93 = arith.constant 0 : i32
        %add3A_94 = arith.addi %add3A_93, %mul3A_92 : i32
        %gt3A = arith.constant 0 : i32
        %gt3A_95 = arith.cmpi sgt, %add3A_79, %gt3A : i32
        %gt3A_96 = arith.constant 0 : i32
        %gt3A_97 = arith.cmpi sgt, %add3A_94, %gt3A_96 : i32
        %or3A = arith.ori %gt3A_95, %gt3A_97 : i1
        %convert_element_type3A = arith.extui %or3A : i1 to i32
        %cond3A = arith.constant 0 : i32
        %cond3A_98 = arith.cmpi ne, %convert_element_type3A, %cond3A : i32
        scf.if %cond3A_98 {
          %dma_wait3A_210 = arith.constant 0 : i32
          %dma_wait3A_211 = arith.constant 0 : i32
          %dma_wait3A_212 = tpu.memref_slice %arg8[%rem3A_80, %dma_wait3A_210, %dma_wait3A_211] : memref<2x20x128xi32, #tpu.memory_space<vmem>> -> memref<1x1x128xi32, #tpu.memory_space<vmem>>
          %dma_wait3A_213 = tpu.memref_squeeze %dma_wait3A_212 : memref<1x1x128xi32, #tpu.memory_space<vmem>> -> memref<128xi32, #tpu.memory_space<vmem>>
          %dma_wait3A_214 = arith.constant 0 : i32
          %dma_wait3A_215 = arith.constant 0 : i32
          %dma_wait3A_216 = tpu.memref_slice %arg14[%dma_wait3A_214, %dma_wait3A_215] : memref<10112x64xf32, #tpu.memory_space<vmem_shared>> -> memref<10112x64xf32, #tpu.memory_space<vmem_shared>>
          tpu.wait_indirect_dma semaphore(%arg19 : memref<!tpu.dma_semaphore, #tpu.memory_space<semaphore_mem>>) src(%arg9 : memref<128x64xf32, #tpu.memory_space<vmem>>) dst(%dma_wait3A_216 : memref<10112x64xf32, #tpu.memory_space<vmem_shared>>)
        } else {
        }
        %add3A_99 = arith.constant 0 : i32
        %add3A_100 = arith.addi %add3A_94, %add3A_99 : i32
        %dma_start3A = arith.constant 0 : i32
        %dma_start3A_101 = tpu.memref_slice %arg7[%rem3A_80, %add3A_100, %dma_start3A] : memref<2x20x128xi32, #tpu.memory_space<vmem>> -> memref<1x1x128xi32, #tpu.memory_space<vmem>>
        %dma_start3A_102 = tpu.memref_squeeze %dma_start3A_101 : memref<1x1x128xi32, #tpu.memory_space<vmem>> -> memref<128xi32, #tpu.memory_space<vmem>>
        %dma_start3A_103 = arith.constant 0 : i32
        %dma_start3A_104 = arith.constant 0 : i32
        %dma_start3A_105 = tpu.memref_slice %arg13[%dma_start3A_103, %dma_start3A_104] : memref<10112x64xf32, #tpu.memory_space<vmem_shared>> -> memref<10112x64xf32, #tpu.memory_space<vmem_shared>>
        tpu.enqueue_indirect_dma source(%dma_start3A_105 : memref<10112x64xf32, #tpu.memory_space<vmem_shared>>) target(%arg9 : memref<128x64xf32, #tpu.memory_space<vmem>>) offsets(%dma_start3A_102 : memref<128xi32, #tpu.memory_space<vmem>>) semaphore(%arg15 : memref<!tpu.dma_semaphore, #tpu.memory_space<semaphore_mem>>)
        %gt3A_106 = arith.constant 0 : i32
        %gt3A_107 = arith.cmpi sgt, %add3A_79, %gt3A_106 : i32
        %gt3A_108 = arith.constant 0 : i32
        %gt3A_109 = arith.cmpi sgt, %add3A_94, %gt3A_108 : i32
        %or3A_110 = arith.ori %gt3A_107, %gt3A_109 : i1
        %convert_element_type3A_111 = arith.extui %or3A_110 : i1 to i32
        %cond3A_112 = arith.constant 0 : i32
        %cond3A_113 = arith.cmpi ne, %convert_element_type3A_111, %cond3A_112 : i32
        scf.if %cond3A_113 {
          %dma_wait3A_210 = arith.constant 0 : i32
          %dma_wait3A_211 = arith.constant 0 : i32
          %dma_wait3A_212 = tpu.memref_slice %arg8[%rem3A_80, %dma_wait3A_210, %dma_wait3A_211] : memref<2x20x128xi32, #tpu.memory_space<vmem>> -> memref<1x1x128xi32, #tpu.memory_space<vmem>>
          %dma_wait3A_213 = tpu.memref_squeeze %dma_wait3A_212 : memref<1x1x128xi32, #tpu.memory_space<vmem>> -> memref<128xi32, #tpu.memory_space<vmem>>
          %dma_wait3A_214 = arith.constant 0 : i32
          %dma_wait3A_215 = arith.constant 0 : i32
          %dma_wait3A_216 = tpu.memref_slice %arg14[%dma_wait3A_214, %dma_wait3A_215] : memref<10112x64xf32, #tpu.memory_space<vmem_shared>> -> memref<10112x64xf32, #tpu.memory_space<vmem_shared>>
          tpu.wait_indirect_dma semaphore(%arg20 : memref<!tpu.dma_semaphore, #tpu.memory_space<semaphore_mem>>) src(%arg10 : memref<128x64xf32, #tpu.memory_space<vmem>>) dst(%dma_wait3A_216 : memref<10112x64xf32, #tpu.memory_space<vmem_shared>>)
        } else {
        }
        %add3A_114 = arith.constant 1 : i32
        %add3A_115 = arith.addi %add3A_94, %add3A_114 : i32
        %dma_start3A_116 = arith.constant 0 : i32
        %dma_start3A_117 = tpu.memref_slice %arg7[%rem3A_80, %add3A_115, %dma_start3A_116] : memref<2x20x128xi32, #tpu.memory_space<vmem>> -> memref<1x1x128xi32, #tpu.memory_space<vmem>>
        %dma_start3A_118 = tpu.memref_squeeze %dma_start3A_117 : memref<1x1x128xi32, #tpu.memory_space<vmem>> -> memref<128xi32, #tpu.memory_space<vmem>>
        %dma_start3A_119 = arith.constant 0 : i32
        %dma_start3A_120 = arith.constant 0 : i32
        %dma_start3A_121 = tpu.memref_slice %arg13[%dma_start3A_119, %dma_start3A_120] : memref<10112x64xf32, #tpu.memory_space<vmem_shared>> -> memref<10112x64xf32, #tpu.memory_space<vmem_shared>>
        tpu.enqueue_indirect_dma source(%dma_start3A_121 : memref<10112x64xf32, #tpu.memory_space<vmem_shared>>) target(%arg10 : memref<128x64xf32, #tpu.memory_space<vmem>>) offsets(%dma_start3A_118 : memref<128xi32, #tpu.memory_space<vmem>>) semaphore(%arg16 : memref<!tpu.dma_semaphore, #tpu.memory_space<semaphore_mem>>)
        %gt3A_122 = arith.constant 0 : i32
        %gt3A_123 = arith.cmpi sgt, %add3A_79, %gt3A_122 : i32
        %gt3A_124 = arith.constant 0 : i32
        %gt3A_125 = arith.cmpi sgt, %add3A_94, %gt3A_124 : i32
        %or3A_126 = arith.ori %gt3A_123, %gt3A_125 : i1
        %convert_element_type3A_127 = arith.extui %or3A_126 : i1 to i32
        %cond3A_128 = arith.constant 0 : i32
        %cond3A_129 = arith.cmpi ne, %convert_element_type3A_127, %cond3A_128 : i32
        scf.if %cond3A_129 {
          %dma_wait3A_210 = arith.constant 0 : i32
          %dma_wait3A_211 = arith.constant 0 : i32
          %dma_wait3A_212 = tpu.memref_slice %arg8[%rem3A_80, %dma_wait3A_210, %dma_wait3A_211] : memref<2x20x128xi32, #tpu.memory_space<vmem>> -> memref<1x1x128xi32, #tpu.memory_space<vmem>>
          %dma_wait3A_213 = tpu.memref_squeeze %dma_wait3A_212 : memref<1x1x128xi32, #tpu.memory_space<vmem>> -> memref<128xi32, #tpu.memory_space<vmem>>
          %dma_wait3A_214 = arith.constant 0 : i32
          %dma_wait3A_215 = arith.constant 0 : i32
          %dma_wait3A_216 = tpu.memref_slice %arg14[%dma_wait3A_214, %dma_wait3A_215] : memref<10112x64xf32, #tpu.memory_space<vmem_shared>> -> memref<10112x64xf32, #tpu.memory_space<vmem_shared>>
          tpu.wait_indirect_dma semaphore(%arg21 : memref<!tpu.dma_semaphore, #tpu.memory_space<semaphore_mem>>) src(%arg11 : memref<128x64xf32, #tpu.memory_space<vmem>>) dst(%dma_wait3A_216 : memref<10112x64xf32, #tpu.memory_space<vmem_shared>>)
        } else {
        }
        %add3A_130 = arith.constant 2 : i32
        %add3A_131 = arith.addi %add3A_94, %add3A_130 : i32
        %dma_start3A_132 = arith.constant 0 : i32
        %dma_start3A_133 = tpu.memref_slice %arg7[%rem3A_80, %add3A_131, %dma_start3A_132] : memref<2x20x128xi32, #tpu.memory_space<vmem>> -> memref<1x1x128xi32, #tpu.memory_space<vmem>>
        %dma_start3A_134 = tpu.memref_squeeze %dma_start3A_133 : memref<1x1x128xi32, #tpu.memory_space<vmem>> -> memref<128xi32, #tpu.memory_space<vmem>>
        %dma_start3A_135 = arith.constant 0 : i32
        %dma_start3A_136 = arith.constant 0 : i32
        %dma_start3A_137 = tpu.memref_slice %arg13[%dma_start3A_135, %dma_start3A_136] : memref<10112x64xf32, #tpu.memory_space<vmem_shared>> -> memref<10112x64xf32, #tpu.memory_space<vmem_shared>>
        tpu.enqueue_indirect_dma source(%dma_start3A_137 : memref<10112x64xf32, #tpu.memory_space<vmem_shared>>) target(%arg11 : memref<128x64xf32, #tpu.memory_space<vmem>>) offsets(%dma_start3A_134 : memref<128xi32, #tpu.memory_space<vmem>>) semaphore(%arg17 : memref<!tpu.dma_semaphore, #tpu.memory_space<semaphore_mem>>)
        %gt3A_138 = arith.constant 0 : i32
        %gt3A_139 = arith.cmpi sgt, %add3A_79, %gt3A_138 : i32
        %gt3A_140 = arith.constant 0 : i32
        %gt3A_141 = arith.cmpi sgt, %add3A_94, %gt3A_140 : i32
        %or3A_142 = arith.ori %gt3A_139, %gt3A_141 : i1
        %convert_element_type3A_143 = arith.extui %or3A_142 : i1 to i32
        %cond3A_144 = arith.constant 0 : i32
        %cond3A_145 = arith.cmpi ne, %convert_element_type3A_143, %cond3A_144 : i32
        scf.if %cond3A_145 {
          %dma_wait3A_210 = arith.constant 0 : i32
          %dma_wait3A_211 = arith.constant 0 : i32
          %dma_wait3A_212 = tpu.memref_slice %arg8[%rem3A_80, %dma_wait3A_210, %dma_wait3A_211] : memref<2x20x128xi32, #tpu.memory_space<vmem>> -> memref<1x1x128xi32, #tpu.memory_space<vmem>>
          %dma_wait3A_213 = tpu.memref_squeeze %dma_wait3A_212 : memref<1x1x128xi32, #tpu.memory_space<vmem>> -> memref<128xi32, #tpu.memory_space<vmem>>
          %dma_wait3A_214 = arith.constant 0 : i32
          %dma_wait3A_215 = arith.constant 0 : i32
          %dma_wait3A_216 = tpu.memref_slice %arg14[%dma_wait3A_214, %dma_wait3A_215] : memref<10112x64xf32, #tpu.memory_space<vmem_shared>> -> memref<10112x64xf32, #tpu.memory_space<vmem_shared>>
          tpu.wait_indirect_dma semaphore(%arg22 : memref<!tpu.dma_semaphore, #tpu.memory_space<semaphore_mem>>) src(%arg12 : memref<128x64xf32, #tpu.memory_space<vmem>>) dst(%dma_wait3A_216 : memref<10112x64xf32, #tpu.memory_space<vmem_shared>>)
        } else {
        }
        %add3A_146 = arith.constant 3 : i32
        %add3A_147 = arith.addi %add3A_94, %add3A_146 : i32
        %dma_start3A_148 = arith.constant 0 : i32
        %dma_start3A_149 = tpu.memref_slice %arg7[%rem3A_80, %add3A_147, %dma_start3A_148] : memref<2x20x128xi32, #tpu.memory_space<vmem>> -> memref<1x1x128xi32, #tpu.memory_space<vmem>>
        %dma_start3A_150 = tpu.memref_squeeze %dma_start3A_149 : memref<1x1x128xi32, #tpu.memory_space<vmem>> -> memref<128xi32, #tpu.memory_space<vmem>>
        %dma_start3A_151 = arith.constant 0 : i32
        %dma_start3A_152 = arith.constant 0 : i32
        %dma_start3A_153 = tpu.memref_slice %arg13[%dma_start3A_151, %dma_start3A_152] : memref<10112x64xf32, #tpu.memory_space<vmem_shared>> -> memref<10112x64xf32, #tpu.memory_space<vmem_shared>>
        tpu.enqueue_indirect_dma source(%dma_start3A_153 : memref<10112x64xf32, #tpu.memory_space<vmem_shared>>) target(%arg12 : memref<128x64xf32, #tpu.memory_space<vmem>>) offsets(%dma_start3A_150 : memref<128xi32, #tpu.memory_space<vmem>>) semaphore(%arg18 : memref<!tpu.dma_semaphore, #tpu.memory_space<semaphore_mem>>)
        %dma_wait3A_154 = arith.constant 0 : i32
        %dma_wait3A_155 = tpu.memref_slice %arg7[%rem3A_80, %add3A_100, %dma_wait3A_154] : memref<2x20x128xi32, #tpu.memory_space<vmem>> -> memref<1x1x128xi32, #tpu.memory_space<vmem>>
        %dma_wait3A_156 = tpu.memref_squeeze %dma_wait3A_155 : memref<1x1x128xi32, #tpu.memory_space<vmem>> -> memref<128xi32, #tpu.memory_space<vmem>>
        %dma_wait3A_157 = arith.constant 0 : i32
        %dma_wait3A_158 = arith.constant 0 : i32
        %dma_wait3A_159 = tpu.memref_slice %arg13[%dma_wait3A_157, %dma_wait3A_158] : memref<10112x64xf32, #tpu.memory_space<vmem_shared>> -> memref<10112x64xf32, #tpu.memory_space<vmem_shared>>
        tpu.wait_indirect_dma semaphore(%arg15 : memref<!tpu.dma_semaphore, #tpu.memory_space<semaphore_mem>>) src(%dma_wait3A_159 : memref<10112x64xf32, #tpu.memory_space<vmem_shared>>) dst(%arg9 : memref<128x64xf32, #tpu.memory_space<vmem>>)
        %add3A_160 = arith.constant 0 : i32
        %add3A_161 = arith.addi %add3A_94, %add3A_160 : i32
        %dma_start3A_162 = arith.constant 0 : i32
        %dma_start3A_163 = tpu.memref_slice %arg8[%rem3A_80, %add3A_161, %dma_start3A_162] : memref<2x20x128xi32, #tpu.memory_space<vmem>> -> memref<1x1x128xi32, #tpu.memory_space<vmem>>
        %dma_start3A_164 = tpu.memref_squeeze %dma_start3A_163 : memref<1x1x128xi32, #tpu.memory_space<vmem>> -> memref<128xi32, #tpu.memory_space<vmem>>
        %dma_start3A_165 = arith.constant 0 : i32
        %dma_start3A_166 = arith.constant 0 : i32
        %dma_start3A_167 = tpu.memref_slice %arg14[%dma_start3A_165, %dma_start3A_166] : memref<10112x64xf32, #tpu.memory_space<vmem_shared>> -> memref<10112x64xf32, #tpu.memory_space<vmem_shared>>
        tpu.enqueue_indirect_dma source(%arg9 : memref<128x64xf32, #tpu.memory_space<vmem>>) target(%dma_start3A_167 : memref<10112x64xf32, #tpu.memory_space<vmem_shared>>) offsets(%dma_start3A_164 : memref<128xi32, #tpu.memory_space<vmem>>) semaphore(%arg19 : memref<!tpu.dma_semaphore, #tpu.memory_space<semaphore_mem>>) {add = true}
        %dma_wait3A_168 = arith.constant 0 : i32
        %dma_wait3A_169 = tpu.memref_slice %arg7[%rem3A_80, %add3A_115, %dma_wait3A_168] : memref<2x20x128xi32, #tpu.memory_space<vmem>> -> memref<1x1x128xi32, #tpu.memory_space<vmem>>
        %dma_wait3A_170 = tpu.memref_squeeze %dma_wait3A_169 : memref<1x1x128xi32, #tpu.memory_space<vmem>> -> memref<128xi32, #tpu.memory_space<vmem>>
        %dma_wait3A_171 = arith.constant 0 : i32
        %dma_wait3A_172 = arith.constant 0 : i32
        %dma_wait3A_173 = tpu.memref_slice %arg13[%dma_wait3A_171, %dma_wait3A_172] : memref<10112x64xf32, #tpu.memory_space<vmem_shared>> -> memref<10112x64xf32, #tpu.memory_space<vmem_shared>>
        tpu.wait_indirect_dma semaphore(%arg16 : memref<!tpu.dma_semaphore, #tpu.memory_space<semaphore_mem>>) src(%dma_wait3A_173 : memref<10112x64xf32, #tpu.memory_space<vmem_shared>>) dst(%arg10 : memref<128x64xf32, #tpu.memory_space<vmem>>)
        %add3A_174 = arith.constant 1 : i32
        %add3A_175 = arith.addi %add3A_94, %add3A_174 : i32
        %dma_start3A_176 = arith.constant 0 : i32
        %dma_start3A_177 = tpu.memref_slice %arg8[%rem3A_80, %add3A_175, %dma_start3A_176] : memref<2x20x128xi32, #tpu.memory_space<vmem>> -> memref<1x1x128xi32, #tpu.memory_space<vmem>>
        %dma_start3A_178 = tpu.memref_squeeze %dma_start3A_177 : memref<1x1x128xi32, #tpu.memory_space<vmem>> -> memref<128xi32, #tpu.memory_space<vmem>>
        %dma_start3A_179 = arith.constant 0 : i32
        %dma_start3A_180 = arith.constant 0 : i32
        %dma_start3A_181 = tpu.memref_slice %arg14[%dma_start3A_179, %dma_start3A_180] : memref<10112x64xf32, #tpu.memory_space<vmem_shared>> -> memref<10112x64xf32, #tpu.memory_space<vmem_shared>>
        tpu.enqueue_indirect_dma source(%arg10 : memref<128x64xf32, #tpu.memory_space<vmem>>) target(%dma_start3A_181 : memref<10112x64xf32, #tpu.memory_space<vmem_shared>>) offsets(%dma_start3A_178 : memref<128xi32, #tpu.memory_space<vmem>>) semaphore(%arg20 : memref<!tpu.dma_semaphore, #tpu.memory_space<semaphore_mem>>) {add = true}
        %dma_wait3A_182 = arith.constant 0 : i32
        %dma_wait3A_183 = tpu.memref_slice %arg7[%rem3A_80, %add3A_131, %dma_wait3A_182] : memref<2x20x128xi32, #tpu.memory_space<vmem>> -> memref<1x1x128xi32, #tpu.memory_space<vmem>>
        %dma_wait3A_184 = tpu.memref_squeeze %dma_wait3A_183 : memref<1x1x128xi32, #tpu.memory_space<vmem>> -> memref<128xi32, #tpu.memory_space<vmem>>
        %dma_wait3A_185 = arith.constant 0 : i32
        %dma_wait3A_186 = arith.constant 0 : i32
        %dma_wait3A_187 = tpu.memref_slice %arg13[%dma_wait3A_185, %dma_wait3A_186] : memref<10112x64xf32, #tpu.memory_space<vmem_shared>> -> memref<10112x64xf32, #tpu.memory_space<vmem_shared>>
        tpu.wait_indirect_dma semaphore(%arg17 : memref<!tpu.dma_semaphore, #tpu.memory_space<semaphore_mem>>) src(%dma_wait3A_187 : memref<10112x64xf32, #tpu.memory_space<vmem_shared>>) dst(%arg11 : memref<128x64xf32, #tpu.memory_space<vmem>>)
        %add3A_188 = arith.constant 2 : i32
        %add3A_189 = arith.addi %add3A_94, %add3A_188 : i32
        %dma_start3A_190 = arith.constant 0 : i32
        %dma_start3A_191 = tpu.memref_slice %arg8[%rem3A_80, %add3A_189, %dma_start3A_190] : memref<2x20x128xi32, #tpu.memory_space<vmem>> -> memref<1x1x128xi32, #tpu.memory_space<vmem>>
        %dma_start3A_192 = tpu.memref_squeeze %dma_start3A_191 : memref<1x1x128xi32, #tpu.memory_space<vmem>> -> memref<128xi32, #tpu.memory_space<vmem>>
        %dma_start3A_193 = arith.constant 0 : i32
        %dma_start3A_194 = arith.constant 0 : i32
        %dma_start3A_195 = tpu.memref_slice %arg14[%dma_start3A_193, %dma_start3A_194] : memref<10112x64xf32, #tpu.memory_space<vmem_shared>> -> memref<10112x64xf32, #tpu.memory_space<vmem_shared>>
        tpu.enqueue_indirect_dma source(%arg11 : memref<128x64xf32, #tpu.memory_space<vmem>>) target(%dma_start3A_195 : memref<10112x64xf32, #tpu.memory_space<vmem_shared>>) offsets(%dma_start3A_192 : memref<128xi32, #tpu.memory_space<vmem>>) semaphore(%arg21 : memref<!tpu.dma_semaphore, #tpu.memory_space<semaphore_mem>>) {add = true}
        %dma_wait3A_196 = arith.constant 0 : i32
        %dma_wait3A_197 = tpu.memref_slice %arg7[%rem3A_80, %add3A_147, %dma_wait3A_196] : memref<2x20x128xi32, #tpu.memory_space<vmem>> -> memref<1x1x128xi32, #tpu.memory_space<vmem>>
        %dma_wait3A_198 = tpu.memref_squeeze %dma_wait3A_197 : memref<1x1x128xi32, #tpu.memory_space<vmem>> -> memref<128xi32, #tpu.memory_space<vmem>>
        %dma_wait3A_199 = arith.constant 0 : i32
        %dma_wait3A_200 = arith.constant 0 : i32
        %dma_wait3A_201 = tpu.memref_slice %arg13[%dma_wait3A_199, %dma_wait3A_200] : memref<10112x64xf32, #tpu.memory_space<vmem_shared>> -> memref<10112x64xf32, #tpu.memory_space<vmem_shared>>
        tpu.wait_indirect_dma semaphore(%arg18 : memref<!tpu.dma_semaphore, #tpu.memory_space<semaphore_mem>>) src(%dma_wait3A_201 : memref<10112x64xf32, #tpu.memory_space<vmem_shared>>) dst(%arg12 : memref<128x64xf32, #tpu.memory_space<vmem>>)
        %add3A_202 = arith.constant 3 : i32
        %add3A_203 = arith.addi %add3A_94, %add3A_202 : i32
        %dma_start3A_204 = arith.constant 0 : i32
        %dma_start3A_205 = tpu.memref_slice %arg8[%rem3A_80, %add3A_203, %dma_start3A_204] : memref<2x20x128xi32, #tpu.memory_space<vmem>> -> memref<1x1x128xi32, #tpu.memory_space<vmem>>
        %dma_start3A_206 = tpu.memref_squeeze %dma_start3A_205 : memref<1x1x128xi32, #tpu.memory_space<vmem>> -> memref<128xi32, #tpu.memory_space<vmem>>
        %dma_start3A_207 = arith.constant 0 : i32
        %dma_start3A_208 = arith.constant 0 : i32
        %dma_start3A_209 = tpu.memref_slice %arg14[%dma_start3A_207, %dma_start3A_208] : memref<10112x64xf32, #tpu.memory_space<vmem_shared>> -> memref<10112x64xf32, #tpu.memory_space<vmem_shared>>
        tpu.enqueue_indirect_dma source(%arg12 : memref<128x64xf32, #tpu.memory_space<vmem>>) target(%dma_start3A_209 : memref<10112x64xf32, #tpu.memory_space<vmem_shared>>) offsets(%dma_start3A_206 : memref<128xi32, #tpu.memory_space<vmem>>) semaphore(%arg22 : memref<!tpu.dma_semaphore, #tpu.memory_space<semaphore_mem>>) {add = true}
      }
      %scan3A_89 = arith.constant 5 : i32
    }
    %scan3A_4 = arith.constant 4 : i32
    %dma_wait3A = arith.constant 0 : i32
    %dma_wait3A_5 = arith.constant 0 : i32
    %dma_wait3A_6 = arith.constant 0 : i32
    %dma_wait3A_7 = tpu.memref_slice %arg8[%dma_wait3A, %dma_wait3A_5, %dma_wait3A_6] : memref<2x20x128xi32, #tpu.memory_space<vmem>> -> memref<1x1x128xi32, #tpu.memory_space<vmem>>
    %dma_wait3A_8 = tpu.memref_squeeze %dma_wait3A_7 : memref<1x1x128xi32, #tpu.memory_space<vmem>> -> memref<128xi32, #tpu.memory_space<vmem>>
    %dma_wait3A_9 = arith.constant 0 : i32
    %dma_wait3A_10 = arith.constant 0 : i32
    %dma_wait3A_11 = tpu.memref_slice %arg14[%dma_wait3A_9, %dma_wait3A_10] : memref<10112x64xf32, #tpu.memory_space<vmem_shared>> -> memref<10112x64xf32, #tpu.memory_space<vmem_shared>>
    tpu.wait_indirect_dma semaphore(%arg19 : memref<!tpu.dma_semaphore, #tpu.memory_space<semaphore_mem>>) src(%arg9 : memref<128x64xf32, #tpu.memory_space<vmem>>) dst(%dma_wait3A_11 : memref<10112x64xf32, #tpu.memory_space<vmem_shared>>)
    %dma_wait3A_12 = arith.constant 0 : i32
    %dma_wait3A_13 = arith.constant 0 : i32
    %dma_wait3A_14 = arith.constant 0 : i32
    %dma_wait3A_15 = tpu.memref_slice %arg8[%dma_wait3A_12, %dma_wait3A_13, %dma_wait3A_14] : memref<2x20x128xi32, #tpu.memory_space<vmem>> -> memref<1x1x128xi32, #tpu.memory_space<vmem>>
    %dma_wait3A_16 = tpu.memref_squeeze %dma_wait3A_15 : memref<1x1x128xi32, #tpu.memory_space<vmem>> -> memref<128xi32, #tpu.memory_space<vmem>>
    %dma_wait3A_17 = arith.constant 0 : i32
    %dma_wait3A_18 = arith.constant 0 : i32
    %dma_wait3A_19 = tpu.memref_slice %arg14[%dma_wait3A_17, %dma_wait3A_18] : memref<10112x64xf32, #tpu.memory_space<vmem_shared>> -> memref<10112x64xf32, #tpu.memory_space<vmem_shared>>
    tpu.wait_indirect_dma semaphore(%arg20 : memref<!tpu.dma_semaphore, #tpu.memory_space<semaphore_mem>>) src(%arg10 : memref<128x64xf32, #tpu.memory_space<vmem>>) dst(%dma_wait3A_19 : memref<10112x64xf32, #tpu.memory_space<vmem_shared>>)
    %dma_wait3A_20 = arith.constant 0 : i32
    %dma_wait3A_21 = arith.constant 0 : i32
    %dma_wait3A_22 = arith.constant 0 : i32
    %dma_wait3A_23 = tpu.memref_slice %arg8[%dma_wait3A_20, %dma_wait3A_21, %dma_wait3A_22] : memref<2x20x128xi32, #tpu.memory_space<vmem>> -> memref<1x1x128xi32, #tpu.memory_space<vmem>>
    %dma_wait3A_24 = tpu.memref_squeeze %dma_wait3A_23 : memref<1x1x128xi32, #tpu.memory_space<vmem>> -> memref<128xi32, #tpu.memory_space<vmem>>
    %dma_wait3A_25 = arith.constant 0 : i32
    %dma_wait3A_26 = arith.constant 0 : i32
    %dma_wait3A_27 = tpu.memref_slice %arg14[%dma_wait3A_25, %dma_wait3A_26] : memref<10112x64xf32, #tpu.memory_space<vmem_shared>> -> memref<10112x64xf32, #tpu.memory_space<vmem_shared>>
    tpu.wait_indirect_dma semaphore(%arg21 : memref<!tpu.dma_semaphore, #tpu.memory_space<semaphore_mem>>) src(%arg11 : memref<128x64xf32, #tpu.memory_space<vmem>>) dst(%dma_wait3A_27 : memref<10112x64xf32, #tpu.memory_space<vmem_shared>>)
    %dma_wait3A_28 = arith.constant 0 : i32
    %dma_wait3A_29 = arith.constant 0 : i32
    %dma_wait3A_30 = arith.constant 0 : i32
    %dma_wait3A_31 = tpu.memref_slice %arg8[%dma_wait3A_28, %dma_wait3A_29, %dma_wait3A_30] : memref<2x20x128xi32, #tpu.memory_space<vmem>> -> memref<1x1x128xi32, #tpu.memory_space<vmem>>
    %dma_wait3A_32 = tpu.memref_squeeze %dma_wait3A_31 : memref<1x1x128xi32, #tpu.memory_space<vmem>> -> memref<128xi32, #tpu.memory_space<vmem>>
    %dma_wait3A_33 = arith.constant 0 : i32
    %dma_wait3A_34 = arith.constant 0 : i32
    %dma_wait3A_35 = tpu.memref_slice %arg14[%dma_wait3A_33, %dma_wait3A_34] : memref<10112x64xf32, #tpu.memory_space<vmem_shared>> -> memref<10112x64xf32, #tpu.memory_space<vmem_shared>>
    tpu.wait_indirect_dma semaphore(%arg22 : memref<!tpu.dma_semaphore, #tpu.memory_space<semaphore_mem>>) src(%arg12 : memref<128x64xf32, #tpu.memory_space<vmem>>) dst(%dma_wait3A_35 : memref<10112x64xf32, #tpu.memory_space<vmem_shared>>)
    %barrier3A_36 = arith.constant 0 : index
    tpu.barrier barrier_id(%barrier3A_36)
    "tpu.region"() ({
      %run_scoped3A = tpu.sem_alloc : memref<!tpu.dma_semaphore, #tpu.memory_space<semaphore_mem>>
      %dma_start3A = arith.constant 0 : i32
      %dma_start3A_76 = tpu.memref_slice %arg6[%arg0, %mul3A_0, %dma_start3A] : memref<2x10112x128xf32, #tpu.memory_space<hbm>> -> memref<1x632x64xf32, #tpu.memory_space<hbm>>
      %dma_start3A_77 = tpu.memref_squeeze %dma_start3A_76 : memref<1x632x64xf32, #tpu.memory_space<hbm>> -> memref<632x64xf32, #tpu.memory_space<hbm>>
      %dma_start3A_78 = arith.constant 0 : i32
      %dma_start3A_79 = tpu.memref_slice %arg14[%mul3A_0, %dma_start3A_78] : memref<10112x64xf32, #tpu.memory_space<vmem_shared>> -> memref<632x64xf32, #tpu.memory_space<vmem_shared>>
      tpu.enqueue_dma source(%dma_start3A_79 : memref<632x64xf32, #tpu.memory_space<vmem_shared>>) target(%dma_start3A_77 : memref<632x64xf32, #tpu.memory_space<hbm>>) target_semaphore(%run_scoped3A : memref<!tpu.dma_semaphore, #tpu.memory_space<semaphore_mem>>)
      %dma_wait3A_80 = arith.constant 0 : i32
      %dma_wait3A_81 = tpu.memref_slice %arg6[%arg0, %mul3A_0, %dma_wait3A_80] : memref<2x10112x128xf32, #tpu.memory_space<hbm>> -> memref<1x632x64xf32, #tpu.memory_space<hbm>>
      %dma_wait3A_82 = tpu.memref_squeeze %dma_wait3A_81 : memref<1x632x64xf32, #tpu.memory_space<hbm>> -> memref<632x64xf32, #tpu.memory_space<hbm>>
      %dma_wait3A_83 = arith.constant 0 : i32
      %dma_wait3A_84 = tpu.memref_slice %arg14[%mul3A_0, %dma_wait3A_83] : memref<10112x64xf32, #tpu.memory_space<vmem_shared>> -> memref<632x64xf32, #tpu.memory_space<vmem_shared>>
      tpu.wait_dma2 semaphore(%run_scoped3A : memref<!tpu.dma_semaphore, #tpu.memory_space<semaphore_mem>>) src(%dma_wait3A_84 : memref<632x64xf32, #tpu.memory_space<vmem_shared>>) dst(%dma_wait3A_82 : memref<632x64xf32, #tpu.memory_space<hbm>>)
      tpu.yield
    }) : () -> ()
    "tpu.region"() ({
      %run_scoped3A = tpu.sem_alloc : memref<!tpu.dma_semaphore, #tpu.memory_space<semaphore_mem>>
      %dma_start3A = arith.constant 0 : i32
      %dma_start3A_76 = tpu.memref_slice %arg13[%mul3A_0, %dma_start3A] : memref<10112x64xf32, #tpu.memory_space<vmem_shared>> -> memref<632x64xf32, #tpu.memory_space<vmem_shared>>
      %dma_start3A_77 = arith.constant 64 : i32
      %dma_start3A_78 = tpu.memref_slice %arg2[%arg0, %mul3A_0, %dma_start3A_77] : memref<2x10112x128xf32, #tpu.memory_space<hbm>> -> memref<1x632x64xf32, #tpu.memory_space<hbm>>
      %dma_start3A_79 = tpu.memref_squeeze %dma_start3A_78 : memref<1x632x64xf32, #tpu.memory_space<hbm>> -> memref<632x64xf32, #tpu.memory_space<hbm>>
      tpu.enqueue_dma source(%dma_start3A_79 : memref<632x64xf32, #tpu.memory_space<hbm>>) target(%dma_start3A_76 : memref<632x64xf32, #tpu.memory_space<vmem_shared>>) target_semaphore(%run_scoped3A : memref<!tpu.dma_semaphore, #tpu.memory_space<semaphore_mem>>)
      %dma_wait3A_80 = arith.constant 0 : i32
      %dma_wait3A_81 = tpu.memref_slice %arg13[%mul3A_0, %dma_wait3A_80] : memref<10112x64xf32, #tpu.memory_space<vmem_shared>> -> memref<632x64xf32, #tpu.memory_space<vmem_shared>>
      %dma_wait3A_82 = arith.constant 64 : i32
      %dma_wait3A_83 = tpu.memref_slice %arg2[%arg0, %mul3A_0, %dma_wait3A_82] : memref<2x10112x128xf32, #tpu.memory_space<hbm>> -> memref<1x632x64xf32, #tpu.memory_space<hbm>>
      %dma_wait3A_84 = tpu.memref_squeeze %dma_wait3A_83 : memref<1x632x64xf32, #tpu.memory_space<hbm>> -> memref<632x64xf32, #tpu.memory_space<hbm>>
      tpu.wait_dma2 semaphore(%run_scoped3A : memref<!tpu.dma_semaphore, #tpu.memory_space<semaphore_mem>>) src(%dma_wait3A_84 : memref<632x64xf32, #tpu.memory_space<hbm>>) dst(%dma_wait3A_81 : memref<632x64xf32, #tpu.memory_space<vmem_shared>>)
      tpu.yield
    }) : () -> ()
    "tpu.region"() ({
      %run_scoped3A = tpu.sem_alloc : memref<!tpu.dma_semaphore, #tpu.memory_space<semaphore_mem>>
      %dma_start3A = arith.constant 0 : i32
      %dma_start3A_76 = tpu.memref_slice %arg14[%mul3A_0, %dma_start3A] : memref<10112x64xf32, #tpu.memory_space<vmem_shared>> -> memref<632x64xf32, #tpu.memory_space<vmem_shared>>
      %dma_start3A_77 = arith.constant 0 : i32
      %dma_start3A_78 = tpu.memref_slice %arg5[%mul3A_0, %dma_start3A_77] : memref<10112x64xf32, #tpu.memory_space<hbm>> -> memref<632x64xf32, #tpu.memory_space<hbm>>
      tpu.enqueue_dma source(%dma_start3A_78 : memref<632x64xf32, #tpu.memory_space<hbm>>) target(%dma_start3A_76 : memref<632x64xf32, #tpu.memory_space<vmem_shared>>) target_semaphore(%run_scoped3A : memref<!tpu.dma_semaphore, #tpu.memory_space<semaphore_mem>>)
      %dma_wait3A_79 = arith.constant 0 : i32
      %dma_wait3A_80 = tpu.memref_slice %arg14[%mul3A_0, %dma_wait3A_79] : memref<10112x64xf32, #tpu.memory_space<vmem_shared>> -> memref<632x64xf32, #tpu.memory_space<vmem_shared>>
      %dma_wait3A_81 = arith.constant 0 : i32
      %dma_wait3A_82 = tpu.memref_slice %arg5[%mul3A_0, %dma_wait3A_81] : memref<10112x64xf32, #tpu.memory_space<hbm>> -> memref<632x64xf32, #tpu.memory_space<hbm>>
      tpu.wait_dma2 semaphore(%run_scoped3A : memref<!tpu.dma_semaphore, #tpu.memory_space<semaphore_mem>>) src(%dma_wait3A_82 : memref<632x64xf32, #tpu.memory_space<hbm>>) dst(%dma_wait3A_80 : memref<632x64xf32, #tpu.memory_space<vmem_shared>>)
      tpu.yield
    }) : () -> ()
    %barrier3A_37 = arith.constant 0 : index
    tpu.barrier barrier_id(%barrier3A_37)
    %scan3A_38 = arith.constant 0 : i32
    %scan3A_39 = arith.constant 4 : i32
    %scan3A_40 = arith.addi %scan3A_38, %scan3A_39 : i32
    %scan3A_41 = arith.constant 1 : i32
    scf.for %scan3A_76 = %scan3A_38 to %scan3A_40 step %scan3A_41  : i32 {
      %mul3A_77 = arith.constant 1 : i32
      %mul3A_78 = arith.muli %scan3A_76, %mul3A_77 : i32
      %add3A = arith.constant 0 : i32
      %add3A_79 = arith.addi %add3A, %mul3A_78 : i32
      %rem3A = arith.constant 2 : i32
      %rem3A_80 = arith.remsi %add3A_79, %rem3A : i32
      %mul3A_81 = arith.constant 20 : i32
      %mul3A_82 = arith.muli %add3A_79, %mul3A_81 : i32
      "tpu.region"() ({
        %run_scoped3A = tpu.sem_alloc : memref<!tpu.dma_semaphore, #tpu.memory_space<semaphore_mem>>
        %dma_start3A = arith.constant 0 : i32
        %dma_start3A_90 = arith.constant 0 : i32
        %dma_start3A_91 = tpu.memref_slice %arg7[%rem3A_80, %dma_start3A, %dma_start3A_90] : memref<2x20x128xi32, #tpu.memory_space<vmem>> -> memref<1x20x128xi32, #tpu.memory_space<vmem>>
        %dma_start3A_92 = tpu.memref_squeeze %dma_start3A_91 : memref<1x20x128xi32, #tpu.memory_space<vmem>> -> memref<20x128xi32, #tpu.memory_space<vmem>>
        %dma_start3A_93 = arith.constant 0 : i32
        %dma_start3A_94 = tpu.memref_slice %arg3[%arg1, %mul3A_82, %dma_start3A_93] : memref<16x80x128xi32, #tpu.memory_space<hbm>> -> memref<1x20x128xi32, #tpu.memory_space<hbm>>
        %dma_start3A_95 = tpu.memref_squeeze %dma_start3A_94 : memref<1x20x128xi32, #tpu.memory_space<hbm>> -> memref<20x128xi32, #tpu.memory_space<hbm>>
        %dma_start3A_96 = arith.constant 0 : i32
        %dma_start3A_97 = arith.constant 0 : i32
        %dma_start3A_98 = tpu.memref_slice %arg7[%rem3A_80, %dma_start3A_96, %dma_start3A_97] : memref<2x20x128xi32, #tpu.memory_space<vmem>> -> memref<1x20x128xi32, #tpu.memory_space<vmem>>
        %dma_start3A_99 = tpu.memref_squeeze %dma_start3A_98 : memref<1x20x128xi32, #tpu.memory_space<vmem>> -> memref<20x128xi32, #tpu.memory_space<vmem>>
        %dma_start3A_100 = arith.constant 0 : i32
        %dma_start3A_101 = tpu.memref_slice %arg3[%arg1, %mul3A_82, %dma_start3A_100] : memref<16x80x128xi32, #tpu.memory_space<hbm>> -> memref<1x20x128xi32, #tpu.memory_space<hbm>>
        %dma_start3A_102 = tpu.memref_squeeze %dma_start3A_101 : memref<1x20x128xi32, #tpu.memory_space<hbm>> -> memref<20x128xi32, #tpu.memory_space<hbm>>
        tpu.enqueue_dma source(%dma_start3A_102 : memref<20x128xi32, #tpu.memory_space<hbm>>) target(%dma_start3A_99 : memref<20x128xi32, #tpu.memory_space<vmem>>) target_semaphore(%run_scoped3A : memref<!tpu.dma_semaphore, #tpu.memory_space<semaphore_mem>>)
        %dma_wait3A_103 = arith.constant 0 : i32
        %dma_wait3A_104 = arith.constant 0 : i32
        %dma_wait3A_105 = tpu.memref_slice %arg7[%rem3A_80, %dma_wait3A_103, %dma_wait3A_104] : memref<2x20x128xi32, #tpu.memory_space<vmem>> -> memref<1x20x128xi32, #tpu.memory_space<vmem>>
        %dma_wait3A_106 = tpu.memref_squeeze %dma_wait3A_105 : memref<1x20x128xi32, #tpu.memory_space<vmem>> -> memref<20x128xi32, #tpu.memory_space<vmem>>
        %dma_wait3A_107 = arith.constant 0 : i32
        %dma_wait3A_108 = tpu.memref_slice %arg3[%arg1, %mul3A_82, %dma_wait3A_107] : memref<16x80x128xi32, #tpu.memory_space<hbm>> -> memref<1x20x128xi32, #tpu.memory_space<hbm>>
        %dma_wait3A_109 = tpu.memref_squeeze %dma_wait3A_108 : memref<1x20x128xi32, #tpu.memory_space<hbm>> -> memref<20x128xi32, #tpu.memory_space<hbm>>
        %dma_wait3A_110 = arith.constant 0 : i32
        %dma_wait3A_111 = arith.constant 0 : i32
        %dma_wait3A_112 = tpu.memref_slice %arg7[%rem3A_80, %dma_wait3A_110, %dma_wait3A_111] : memref<2x20x128xi32, #tpu.memory_space<vmem>> -> memref<1x20x128xi32, #tpu.memory_space<vmem>>
        %dma_wait3A_113 = tpu.memref_squeeze %dma_wait3A_112 : memref<1x20x128xi32, #tpu.memory_space<vmem>> -> memref<20x128xi32, #tpu.memory_space<vmem>>
        %dma_wait3A_114 = arith.constant 0 : i32
        %dma_wait3A_115 = tpu.memref_slice %arg3[%arg1, %mul3A_82, %dma_wait3A_114] : memref<16x80x128xi32, #tpu.memory_space<hbm>> -> memref<1x20x128xi32, #tpu.memory_space<hbm>>
        %dma_wait3A_116 = tpu.memref_squeeze %dma_wait3A_115 : memref<1x20x128xi32, #tpu.memory_space<hbm>> -> memref<20x128xi32, #tpu.memory_space<hbm>>
        tpu.wait_dma2 semaphore(%run_scoped3A : memref<!tpu.dma_semaphore, #tpu.memory_space<semaphore_mem>>) src(%dma_wait3A_116 : memref<20x128xi32, #tpu.memory_space<hbm>>) dst(%dma_wait3A_113 : memref<20x128xi32, #tpu.memory_space<vmem>>)
        tpu.yield
      }) : () -> ()
      %mul3A_83 = arith.constant 20 : i32
      %mul3A_84 = arith.muli %add3A_79, %mul3A_83 : i32
      "tpu.region"() ({
        %run_scoped3A = tpu.sem_alloc : memref<!tpu.dma_semaphore, #tpu.memory_space<semaphore_mem>>
        %dma_start3A = arith.constant 0 : i32
        %dma_start3A_90 = arith.constant 0 : i32
        %dma_start3A_91 = tpu.memref_slice %arg8[%rem3A_80, %dma_start3A, %dma_start3A_90] : memref<2x20x128xi32, #tpu.memory_space<vmem>> -> memref<1x20x128xi32, #tpu.memory_space<vmem>>
        %dma_start3A_92 = tpu.memref_squeeze %dma_start3A_91 : memref<1x20x128xi32, #tpu.memory_space<vmem>> -> memref<20x128xi32, #tpu.memory_space<vmem>>
        %dma_start3A_93 = arith.constant 0 : i32
        %dma_start3A_94 = tpu.memref_slice %arg4[%arg1, %mul3A_84, %dma_start3A_93] : memref<16x80x128xi32, #tpu.memory_space<hbm>> -> memref<1x20x128xi32, #tpu.memory_space<hbm>>
        %dma_start3A_95 = tpu.memref_squeeze %dma_start3A_94 : memref<1x20x128xi32, #tpu.memory_space<hbm>> -> memref<20x128xi32, #tpu.memory_space<hbm>>
        %dma_start3A_96 = arith.constant 0 : i32
        %dma_start3A_97 = arith.constant 0 : i32
        %dma_start3A_98 = tpu.memref_slice %arg8[%rem3A_80, %dma_start3A_96, %dma_start3A_97] : memref<2x20x128xi32, #tpu.memory_space<vmem>> -> memref<1x20x128xi32, #tpu.memory_space<vmem>>
        %dma_start3A_99 = tpu.memref_squeeze %dma_start3A_98 : memref<1x20x128xi32, #tpu.memory_space<vmem>> -> memref<20x128xi32, #tpu.memory_space<vmem>>
        %dma_start3A_100 = arith.constant 0 : i32
        %dma_start3A_101 = tpu.memref_slice %arg4[%arg1, %mul3A_84, %dma_start3A_100] : memref<16x80x128xi32, #tpu.memory_space<hbm>> -> memref<1x20x128xi32, #tpu.memory_space<hbm>>
        %dma_start3A_102 = tpu.memref_squeeze %dma_start3A_101 : memref<1x20x128xi32, #tpu.memory_space<hbm>> -> memref<20x128xi32, #tpu.memory_space<hbm>>
        tpu.enqueue_dma source(%dma_start3A_102 : memref<20x128xi32, #tpu.memory_space<hbm>>) target(%dma_start3A_99 : memref<20x128xi32, #tpu.memory_space<vmem>>) target_semaphore(%run_scoped3A : memref<!tpu.dma_semaphore, #tpu.memory_space<semaphore_mem>>)
        %dma_wait3A_103 = arith.constant 0 : i32
        %dma_wait3A_104 = arith.constant 0 : i32
        %dma_wait3A_105 = tpu.memref_slice %arg8[%rem3A_80, %dma_wait3A_103, %dma_wait3A_104] : memref<2x20x128xi32, #tpu.memory_space<vmem>> -> memref<1x20x128xi32, #tpu.memory_space<vmem>>
        %dma_wait3A_106 = tpu.memref_squeeze %dma_wait3A_105 : memref<1x20x128xi32, #tpu.memory_space<vmem>> -> memref<20x128xi32, #tpu.memory_space<vmem>>
        %dma_wait3A_107 = arith.constant 0 : i32
        %dma_wait3A_108 = tpu.memref_slice %arg4[%arg1, %mul3A_84, %dma_wait3A_107] : memref<16x80x128xi32, #tpu.memory_space<hbm>> -> memref<1x20x128xi32, #tpu.memory_space<hbm>>
        %dma_wait3A_109 = tpu.memref_squeeze %dma_wait3A_108 : memref<1x20x128xi32, #tpu.memory_space<hbm>> -> memref<20x128xi32, #tpu.memory_space<hbm>>
        %dma_wait3A_110 = arith.constant 0 : i32
        %dma_wait3A_111 = arith.constant 0 : i32
        %dma_wait3A_112 = tpu.memref_slice %arg8[%rem3A_80, %dma_wait3A_110, %dma_wait3A_111] : memref<2x20x128xi32, #tpu.memory_space<vmem>> -> memref<1x20x128xi32, #tpu.memory_space<vmem>>
        %dma_wait3A_113 = tpu.memref_squeeze %dma_wait3A_112 : memref<1x20x128xi32, #tpu.memory_space<vmem>> -> memref<20x128xi32, #tpu.memory_space<vmem>>
        %dma_wait3A_114 = arith.constant 0 : i32
        %dma_wait3A_115 = tpu.memref_slice %arg4[%arg1, %mul3A_84, %dma_wait3A_114] : memref<16x80x128xi32, #tpu.memory_space<hbm>> -> memref<1x20x128xi32, #tpu.memory_space<hbm>>
        %dma_wait3A_116 = tpu.memref_squeeze %dma_wait3A_115 : memref<1x20x128xi32, #tpu.memory_space<hbm>> -> memref<20x128xi32, #tpu.memory_space<hbm>>
        tpu.wait_dma2 semaphore(%run_scoped3A : memref<!tpu.dma_semaphore, #tpu.memory_space<semaphore_mem>>) src(%dma_wait3A_116 : memref<20x128xi32, #tpu.memory_space<hbm>>) dst(%dma_wait3A_113 : memref<20x128xi32, #tpu.memory_space<vmem>>)
        tpu.yield
      }) : () -> ()
      %scan3A_85 = arith.constant 0 : i32
      %scan3A_86 = arith.constant 5 : i32
      %scan3A_87 = arith.addi %scan3A_85, %scan3A_86 : i32
      %scan3A_88 = arith.constant 1 : i32
      scf.for %scan3A_90 = %scan3A_85 to %scan3A_87 step %scan3A_88  : i32 {
        %mul3A_91 = arith.constant 4 : i32
        %mul3A_92 = arith.muli %scan3A_90, %mul3A_91 : i32
        %add3A_93 = arith.constant 0 : i32
        %add3A_94 = arith.addi %add3A_93, %mul3A_92 : i32
        %gt3A = arith.constant 0 : i32
        %gt3A_95 = arith.cmpi sgt, %add3A_79, %gt3A : i32
        %gt3A_96 = arith.constant 0 : i32
        %gt3A_97 = arith.cmpi sgt, %add3A_94, %gt3A_96 : i32
        %or3A = arith.ori %gt3A_95, %gt3A_97 : i1
        %convert_element_type3A = arith.extui %or3A : i1 to i32
        %cond3A = arith.constant 0 : i32
        %cond3A_98 = arith.cmpi ne, %convert_element_type3A, %cond3A : i32
        scf.if %cond3A_98 {
          %dma_wait3A_210 = arith.constant 0 : i32
          %dma_wait3A_211 = arith.constant 0 : i32
          %dma_wait3A_212 = tpu.memref_slice %arg8[%rem3A_80, %dma_wait3A_210, %dma_wait3A_211] : memref<2x20x128xi32, #tpu.memory_space<vmem>> -> memref<1x1x128xi32, #tpu.memory_space<vmem>>
          %dma_wait3A_213 = tpu.memref_squeeze %dma_wait3A_212 : memref<1x1x128xi32, #tpu.memory_space<vmem>> -> memref<128xi32, #tpu.memory_space<vmem>>
          %dma_wait3A_214 = arith.constant 0 : i32
          %dma_wait3A_215 = arith.constant 0 : i32
          %dma_wait3A_216 = tpu.memref_slice %arg14[%dma_wait3A_214, %dma_wait3A_215] : memref<10112x64xf32, #tpu.memory_space<vmem_shared>> -> memref<10112x64xf32, #tpu.memory_space<vmem_shared>>
          tpu.wait_indirect_dma semaphore(%arg19 : memref<!tpu.dma_semaphore, #tpu.memory_space<semaphore_mem>>) src(%arg9 : memref<128x64xf32, #tpu.memory_space<vmem>>) dst(%dma_wait3A_216 : memref<10112x64xf32, #tpu.memory_space<vmem_shared>>)
        } else {
        }
        %add3A_99 = arith.constant 0 : i32
        %add3A_100 = arith.addi %add3A_94, %add3A_99 : i32
        %dma_start3A = arith.constant 0 : i32
        %dma_start3A_101 = tpu.memref_slice %arg7[%rem3A_80, %add3A_100, %dma_start3A] : memref<2x20x128xi32, #tpu.memory_space<vmem>> -> memref<1x1x128xi32, #tpu.memory_space<vmem>>
        %dma_start3A_102 = tpu.memref_squeeze %dma_start3A_101 : memref<1x1x128xi32, #tpu.memory_space<vmem>> -> memref<128xi32, #tpu.memory_space<vmem>>
        %dma_start3A_103 = arith.constant 0 : i32
        %dma_start3A_104 = arith.constant 0 : i32
        %dma_start3A_105 = tpu.memref_slice %arg13[%dma_start3A_103, %dma_start3A_104] : memref<10112x64xf32, #tpu.memory_space<vmem_shared>> -> memref<10112x64xf32, #tpu.memory_space<vmem_shared>>
        tpu.enqueue_indirect_dma source(%dma_start3A_105 : memref<10112x64xf32, #tpu.memory_space<vmem_shared>>) target(%arg9 : memref<128x64xf32, #tpu.memory_space<vmem>>) offsets(%dma_start3A_102 : memref<128xi32, #tpu.memory_space<vmem>>) semaphore(%arg15 : memref<!tpu.dma_semaphore, #tpu.memory_space<semaphore_mem>>)
        %gt3A_106 = arith.constant 0 : i32
        %gt3A_107 = arith.cmpi sgt, %add3A_79, %gt3A_106 : i32
        %gt3A_108 = arith.constant 0 : i32
        %gt3A_109 = arith.cmpi sgt, %add3A_94, %gt3A_108 : i32
        %or3A_110 = arith.ori %gt3A_107, %gt3A_109 : i1
        %convert_element_type3A_111 = arith.extui %or3A_110 : i1 to i32
        %cond3A_112 = arith.constant 0 : i32
        %cond3A_113 = arith.cmpi ne, %convert_element_type3A_111, %cond3A_112 : i32
        scf.if %cond3A_113 {
          %dma_wait3A_210 = arith.constant 0 : i32
          %dma_wait3A_211 = arith.constant 0 : i32
          %dma_wait3A_212 = tpu.memref_slice %arg8[%rem3A_80, %dma_wait3A_210, %dma_wait3A_211] : memref<2x20x128xi32, #tpu.memory_space<vmem>> -> memref<1x1x128xi32, #tpu.memory_space<vmem>>
          %dma_wait3A_213 = tpu.memref_squeeze %dma_wait3A_212 : memref<1x1x128xi32, #tpu.memory_space<vmem>> -> memref<128xi32, #tpu.memory_space<vmem>>
          %dma_wait3A_214 = arith.constant 0 : i32
          %dma_wait3A_215 = arith.constant 0 : i32
          %dma_wait3A_216 = tpu.memref_slice %arg14[%dma_wait3A_214, %dma_wait3A_215] : memref<10112x64xf32, #tpu.memory_space<vmem_shared>> -> memref<10112x64xf32, #tpu.memory_space<vmem_shared>>
          tpu.wait_indirect_dma semaphore(%arg20 : memref<!tpu.dma_semaphore, #tpu.memory_space<semaphore_mem>>) src(%arg10 : memref<128x64xf32, #tpu.memory_space<vmem>>) dst(%dma_wait3A_216 : memref<10112x64xf32, #tpu.memory_space<vmem_shared>>)
        } else {
        }
        %add3A_114 = arith.constant 1 : i32
        %add3A_115 = arith.addi %add3A_94, %add3A_114 : i32
        %dma_start3A_116 = arith.constant 0 : i32
        %dma_start3A_117 = tpu.memref_slice %arg7[%rem3A_80, %add3A_115, %dma_start3A_116] : memref<2x20x128xi32, #tpu.memory_space<vmem>> -> memref<1x1x128xi32, #tpu.memory_space<vmem>>
        %dma_start3A_118 = tpu.memref_squeeze %dma_start3A_117 : memref<1x1x128xi32, #tpu.memory_space<vmem>> -> memref<128xi32, #tpu.memory_space<vmem>>
        %dma_start3A_119 = arith.constant 0 : i32
        %dma_start3A_120 = arith.constant 0 : i32
        %dma_start3A_121 = tpu.memref_slice %arg13[%dma_start3A_119, %dma_start3A_120] : memref<10112x64xf32, #tpu.memory_space<vmem_shared>> -> memref<10112x64xf32, #tpu.memory_space<vmem_shared>>
        tpu.enqueue_indirect_dma source(%dma_start3A_121 : memref<10112x64xf32, #tpu.memory_space<vmem_shared>>) target(%arg10 : memref<128x64xf32, #tpu.memory_space<vmem>>) offsets(%dma_start3A_118 : memref<128xi32, #tpu.memory_space<vmem>>) semaphore(%arg16 : memref<!tpu.dma_semaphore, #tpu.memory_space<semaphore_mem>>)
        %gt3A_122 = arith.constant 0 : i32
        %gt3A_123 = arith.cmpi sgt, %add3A_79, %gt3A_122 : i32
        %gt3A_124 = arith.constant 0 : i32
        %gt3A_125 = arith.cmpi sgt, %add3A_94, %gt3A_124 : i32
        %or3A_126 = arith.ori %gt3A_123, %gt3A_125 : i1
        %convert_element_type3A_127 = arith.extui %or3A_126 : i1 to i32
        %cond3A_128 = arith.constant 0 : i32
        %cond3A_129 = arith.cmpi ne, %convert_element_type3A_127, %cond3A_128 : i32
        scf.if %cond3A_129 {
          %dma_wait3A_210 = arith.constant 0 : i32
          %dma_wait3A_211 = arith.constant 0 : i32
          %dma_wait3A_212 = tpu.memref_slice %arg8[%rem3A_80, %dma_wait3A_210, %dma_wait3A_211] : memref<2x20x128xi32, #tpu.memory_space<vmem>> -> memref<1x1x128xi32, #tpu.memory_space<vmem>>
          %dma_wait3A_213 = tpu.memref_squeeze %dma_wait3A_212 : memref<1x1x128xi32, #tpu.memory_space<vmem>> -> memref<128xi32, #tpu.memory_space<vmem>>
          %dma_wait3A_214 = arith.constant 0 : i32
          %dma_wait3A_215 = arith.constant 0 : i32
          %dma_wait3A_216 = tpu.memref_slice %arg14[%dma_wait3A_214, %dma_wait3A_215] : memref<10112x64xf32, #tpu.memory_space<vmem_shared>> -> memref<10112x64xf32, #tpu.memory_space<vmem_shared>>
          tpu.wait_indirect_dma semaphore(%arg21 : memref<!tpu.dma_semaphore, #tpu.memory_space<semaphore_mem>>) src(%arg11 : memref<128x64xf32, #tpu.memory_space<vmem>>) dst(%dma_wait3A_216 : memref<10112x64xf32, #tpu.memory_space<vmem_shared>>)
        } else {
        }
        %add3A_130 = arith.constant 2 : i32
        %add3A_131 = arith.addi %add3A_94, %add3A_130 : i32
        %dma_start3A_132 = arith.constant 0 : i32
        %dma_start3A_133 = tpu.memref_slice %arg7[%rem3A_80, %add3A_131, %dma_start3A_132] : memref<2x20x128xi32, #tpu.memory_space<vmem>> -> memref<1x1x128xi32, #tpu.memory_space<vmem>>
        %dma_start3A_134 = tpu.memref_squeeze %dma_start3A_133 : memref<1x1x128xi32, #tpu.memory_space<vmem>> -> memref<128xi32, #tpu.memory_space<vmem>>
        %dma_start3A_135 = arith.constant 0 : i32
        %dma_start3A_136 = arith.constant 0 : i32
        %dma_start3A_137 = tpu.memref_slice %arg13[%dma_start3A_135, %dma_start3A_136] : memref<10112x64xf32, #tpu.memory_space<vmem_shared>> -> memref<10112x64xf32, #tpu.memory_space<vmem_shared>>
        tpu.enqueue_indirect_dma source(%dma_start3A_137 : memref<10112x64xf32, #tpu.memory_space<vmem_shared>>) target(%arg11 : memref<128x64xf32, #tpu.memory_space<vmem>>) offsets(%dma_start3A_134 : memref<128xi32, #tpu.memory_space<vmem>>) semaphore(%arg17 : memref<!tpu.dma_semaphore, #tpu.memory_space<semaphore_mem>>)
        %gt3A_138 = arith.constant 0 : i32
        %gt3A_139 = arith.cmpi sgt, %add3A_79, %gt3A_138 : i32
        %gt3A_140 = arith.constant 0 : i32
        %gt3A_141 = arith.cmpi sgt, %add3A_94, %gt3A_140 : i32
        %or3A_142 = arith.ori %gt3A_139, %gt3A_141 : i1
        %convert_element_type3A_143 = arith.extui %or3A_142 : i1 to i32
        %cond3A_144 = arith.constant 0 : i32
        %cond3A_145 = arith.cmpi ne, %convert_element_type3A_143, %cond3A_144 : i32
        scf.if %cond3A_145 {
          %dma_wait3A_210 = arith.constant 0 : i32
          %dma_wait3A_211 = arith.constant 0 : i32
          %dma_wait3A_212 = tpu.memref_slice %arg8[%rem3A_80, %dma_wait3A_210, %dma_wait3A_211] : memref<2x20x128xi32, #tpu.memory_space<vmem>> -> memref<1x1x128xi32, #tpu.memory_space<vmem>>
          %dma_wait3A_213 = tpu.memref_squeeze %dma_wait3A_212 : memref<1x1x128xi32, #tpu.memory_space<vmem>> -> memref<128xi32, #tpu.memory_space<vmem>>
          %dma_wait3A_214 = arith.constant 0 : i32
          %dma_wait3A_215 = arith.constant 0 : i32
          %dma_wait3A_216 = tpu.memref_slice %arg14[%dma_wait3A_214, %dma_wait3A_215] : memref<10112x64xf32, #tpu.memory_space<vmem_shared>> -> memref<10112x64xf32, #tpu.memory_space<vmem_shared>>
          tpu.wait_indirect_dma semaphore(%arg22 : memref<!tpu.dma_semaphore, #tpu.memory_space<semaphore_mem>>) src(%arg12 : memref<128x64xf32, #tpu.memory_space<vmem>>) dst(%dma_wait3A_216 : memref<10112x64xf32, #tpu.memory_space<vmem_shared>>)
        } else {
        }
        %add3A_146 = arith.constant 3 : i32
        %add3A_147 = arith.addi %add3A_94, %add3A_146 : i32
        %dma_start3A_148 = arith.constant 0 : i32
        %dma_start3A_149 = tpu.memref_slice %arg7[%rem3A_80, %add3A_147, %dma_start3A_148] : memref<2x20x128xi32, #tpu.memory_space<vmem>> -> memref<1x1x128xi32, #tpu.memory_space<vmem>>
        %dma_start3A_150 = tpu.memref_squeeze %dma_start3A_149 : memref<1x1x128xi32, #tpu.memory_space<vmem>> -> memref<128xi32, #tpu.memory_space<vmem>>
        %dma_start3A_151 = arith.constant 0 : i32
        %dma_start3A_152 = arith.constant 0 : i32
        %dma_start3A_153 = tpu.memref_slice %arg13[%dma_start3A_151, %dma_start3A_152] : memref<10112x64xf32, #tpu.memory_space<vmem_shared>> -> memref<10112x64xf32, #tpu.memory_space<vmem_shared>>
        tpu.enqueue_indirect_dma source(%dma_start3A_153 : memref<10112x64xf32, #tpu.memory_space<vmem_shared>>) target(%arg12 : memref<128x64xf32, #tpu.memory_space<vmem>>) offsets(%dma_start3A_150 : memref<128xi32, #tpu.memory_space<vmem>>) semaphore(%arg18 : memref<!tpu.dma_semaphore, #tpu.memory_space<semaphore_mem>>)
        %dma_wait3A_154 = arith.constant 0 : i32
        %dma_wait3A_155 = tpu.memref_slice %arg7[%rem3A_80, %add3A_100, %dma_wait3A_154] : memref<2x20x128xi32, #tpu.memory_space<vmem>> -> memref<1x1x128xi32, #tpu.memory_space<vmem>>
        %dma_wait3A_156 = tpu.memref_squeeze %dma_wait3A_155 : memref<1x1x128xi32, #tpu.memory_space<vmem>> -> memref<128xi32, #tpu.memory_space<vmem>>
        %dma_wait3A_157 = arith.constant 0 : i32
        %dma_wait3A_158 = arith.constant 0 : i32
        %dma_wait3A_159 = tpu.memref_slice %arg13[%dma_wait3A_157, %dma_wait3A_158] : memref<10112x64xf32, #tpu.memory_space<vmem_shared>> -> memref<10112x64xf32, #tpu.memory_space<vmem_shared>>
        tpu.wait_indirect_dma semaphore(%arg15 : memref<!tpu.dma_semaphore, #tpu.memory_space<semaphore_mem>>) src(%dma_wait3A_159 : memref<10112x64xf32, #tpu.memory_space<vmem_shared>>) dst(%arg9 : memref<128x64xf32, #tpu.memory_space<vmem>>)
        %add3A_160 = arith.constant 0 : i32
        %add3A_161 = arith.addi %add3A_94, %add3A_160 : i32
        %dma_start3A_162 = arith.constant 0 : i32
        %dma_start3A_163 = tpu.memref_slice %arg8[%rem3A_80, %add3A_161, %dma_start3A_162] : memref<2x20x128xi32, #tpu.memory_space<vmem>> -> memref<1x1x128xi32, #tpu.memory_space<vmem>>
        %dma_start3A_164 = tpu.memref_squeeze %dma_start3A_163 : memref<1x1x128xi32, #tpu.memory_space<vmem>> -> memref<128xi32, #tpu.memory_space<vmem>>
        %dma_start3A_165 = arith.constant 0 : i32
        %dma_start3A_166 = arith.constant 0 : i32
        %dma_start3A_167 = tpu.memref_slice %arg14[%dma_start3A_165, %dma_start3A_166] : memref<10112x64xf32, #tpu.memory_space<vmem_shared>> -> memref<10112x64xf32, #tpu.memory_space<vmem_shared>>
        tpu.enqueue_indirect_dma source(%arg9 : memref<128x64xf32, #tpu.memory_space<vmem>>) target(%dma_start3A_167 : memref<10112x64xf32, #tpu.memory_space<vmem_shared>>) offsets(%dma_start3A_164 : memref<128xi32, #tpu.memory_space<vmem>>) semaphore(%arg19 : memref<!tpu.dma_semaphore, #tpu.memory_space<semaphore_mem>>) {add = true}
        %dma_wait3A_168 = arith.constant 0 : i32
        %dma_wait3A_169 = tpu.memref_slice %arg7[%rem3A_80, %add3A_115, %dma_wait3A_168] : memref<2x20x128xi32, #tpu.memory_space<vmem>> -> memref<1x1x128xi32, #tpu.memory_space<vmem>>
        %dma_wait3A_170 = tpu.memref_squeeze %dma_wait3A_169 : memref<1x1x128xi32, #tpu.memory_space<vmem>> -> memref<128xi32, #tpu.memory_space<vmem>>
        %dma_wait3A_171 = arith.constant 0 : i32
        %dma_wait3A_172 = arith.constant 0 : i32
        %dma_wait3A_173 = tpu.memref_slice %arg13[%dma_wait3A_171, %dma_wait3A_172] : memref<10112x64xf32, #tpu.memory_space<vmem_shared>> -> memref<10112x64xf32, #tpu.memory_space<vmem_shared>>
        tpu.wait_indirect_dma semaphore(%arg16 : memref<!tpu.dma_semaphore, #tpu.memory_space<semaphore_mem>>) src(%dma_wait3A_173 : memref<10112x64xf32, #tpu.memory_space<vmem_shared>>) dst(%arg10 : memref<128x64xf32, #tpu.memory_space<vmem>>)
        %add3A_174 = arith.constant 1 : i32
        %add3A_175 = arith.addi %add3A_94, %add3A_174 : i32
        %dma_start3A_176 = arith.constant 0 : i32
        %dma_start3A_177 = tpu.memref_slice %arg8[%rem3A_80, %add3A_175, %dma_start3A_176] : memref<2x20x128xi32, #tpu.memory_space<vmem>> -> memref<1x1x128xi32, #tpu.memory_space<vmem>>
        %dma_start3A_178 = tpu.memref_squeeze %dma_start3A_177 : memref<1x1x128xi32, #tpu.memory_space<vmem>> -> memref<128xi32, #tpu.memory_space<vmem>>
        %dma_start3A_179 = arith.constant 0 : i32
        %dma_start3A_180 = arith.constant 0 : i32
        %dma_start3A_181 = tpu.memref_slice %arg14[%dma_start3A_179, %dma_start3A_180] : memref<10112x64xf32, #tpu.memory_space<vmem_shared>> -> memref<10112x64xf32, #tpu.memory_space<vmem_shared>>
        tpu.enqueue_indirect_dma source(%arg10 : memref<128x64xf32, #tpu.memory_space<vmem>>) target(%dma_start3A_181 : memref<10112x64xf32, #tpu.memory_space<vmem_shared>>) offsets(%dma_start3A_178 : memref<128xi32, #tpu.memory_space<vmem>>) semaphore(%arg20 : memref<!tpu.dma_semaphore, #tpu.memory_space<semaphore_mem>>) {add = true}
        %dma_wait3A_182 = arith.constant 0 : i32
        %dma_wait3A_183 = tpu.memref_slice %arg7[%rem3A_80, %add3A_131, %dma_wait3A_182] : memref<2x20x128xi32, #tpu.memory_space<vmem>> -> memref<1x1x128xi32, #tpu.memory_space<vmem>>
        %dma_wait3A_184 = tpu.memref_squeeze %dma_wait3A_183 : memref<1x1x128xi32, #tpu.memory_space<vmem>> -> memref<128xi32, #tpu.memory_space<vmem>>
        %dma_wait3A_185 = arith.constant 0 : i32
        %dma_wait3A_186 = arith.constant 0 : i32
        %dma_wait3A_187 = tpu.memref_slice %arg13[%dma_wait3A_185, %dma_wait3A_186] : memref<10112x64xf32, #tpu.memory_space<vmem_shared>> -> memref<10112x64xf32, #tpu.memory_space<vmem_shared>>
        tpu.wait_indirect_dma semaphore(%arg17 : memref<!tpu.dma_semaphore, #tpu.memory_space<semaphore_mem>>) src(%dma_wait3A_187 : memref<10112x64xf32, #tpu.memory_space<vmem_shared>>) dst(%arg11 : memref<128x64xf32, #tpu.memory_space<vmem>>)
        %add3A_188 = arith.constant 2 : i32
        %add3A_189 = arith.addi %add3A_94, %add3A_188 : i32
        %dma_start3A_190 = arith.constant 0 : i32
        %dma_start3A_191 = tpu.memref_slice %arg8[%rem3A_80, %add3A_189, %dma_start3A_190] : memref<2x20x128xi32, #tpu.memory_space<vmem>> -> memref<1x1x128xi32, #tpu.memory_space<vmem>>
        %dma_start3A_192 = tpu.memref_squeeze %dma_start3A_191 : memref<1x1x128xi32, #tpu.memory_space<vmem>> -> memref<128xi32, #tpu.memory_space<vmem>>
        %dma_start3A_193 = arith.constant 0 : i32
        %dma_start3A_194 = arith.constant 0 : i32
        %dma_start3A_195 = tpu.memref_slice %arg14[%dma_start3A_193, %dma_start3A_194] : memref<10112x64xf32, #tpu.memory_space<vmem_shared>> -> memref<10112x64xf32, #tpu.memory_space<vmem_shared>>
        tpu.enqueue_indirect_dma source(%arg11 : memref<128x64xf32, #tpu.memory_space<vmem>>) target(%dma_start3A_195 : memref<10112x64xf32, #tpu.memory_space<vmem_shared>>) offsets(%dma_start3A_192 : memref<128xi32, #tpu.memory_space<vmem>>) semaphore(%arg21 : memref<!tpu.dma_semaphore, #tpu.memory_space<semaphore_mem>>) {add = true}
        %dma_wait3A_196 = arith.constant 0 : i32
        %dma_wait3A_197 = tpu.memref_slice %arg7[%rem3A_80, %add3A_147, %dma_wait3A_196] : memref<2x20x128xi32, #tpu.memory_space<vmem>> -> memref<1x1x128xi32, #tpu.memory_space<vmem>>
        %dma_wait3A_198 = tpu.memref_squeeze %dma_wait3A_197 : memref<1x1x128xi32, #tpu.memory_space<vmem>> -> memref<128xi32, #tpu.memory_space<vmem>>
        %dma_wait3A_199 = arith.constant 0 : i32
        %dma_wait3A_200 = arith.constant 0 : i32
        %dma_wait3A_201 = tpu.memref_slice %arg13[%dma_wait3A_199, %dma_wait3A_200] : memref<10112x64xf32, #tpu.memory_space<vmem_shared>> -> memref<10112x64xf32, #tpu.memory_space<vmem_shared>>
        tpu.wait_indirect_dma semaphore(%arg18 : memref<!tpu.dma_semaphore, #tpu.memory_space<semaphore_mem>>) src(%dma_wait3A_201 : memref<10112x64xf32, #tpu.memory_space<vmem_shared>>) dst(%arg12 : memref<128x64xf32, #tpu.memory_space<vmem>>)
        %add3A_202 = arith.constant 3 : i32
        %add3A_203 = arith.addi %add3A_94, %add3A_202 : i32
        %dma_start3A_204 = arith.constant 0 : i32
        %dma_start3A_205 = tpu.memref_slice %arg8[%rem3A_80, %add3A_203, %dma_start3A_204] : memref<2x20x128xi32, #tpu.memory_space<vmem>> -> memref<1x1x128xi32, #tpu.memory_space<vmem>>
        %dma_start3A_206 = tpu.memref_squeeze %dma_start3A_205 : memref<1x1x128xi32, #tpu.memory_space<vmem>> -> memref<128xi32, #tpu.memory_space<vmem>>
        %dma_start3A_207 = arith.constant 0 : i32
        %dma_start3A_208 = arith.constant 0 : i32
        %dma_start3A_209 = tpu.memref_slice %arg14[%dma_start3A_207, %dma_start3A_208] : memref<10112x64xf32, #tpu.memory_space<vmem_shared>> -> memref<10112x64xf32, #tpu.memory_space<vmem_shared>>
        tpu.enqueue_indirect_dma source(%arg12 : memref<128x64xf32, #tpu.memory_space<vmem>>) target(%dma_start3A_209 : memref<10112x64xf32, #tpu.memory_space<vmem_shared>>) offsets(%dma_start3A_206 : memref<128xi32, #tpu.memory_space<vmem>>) semaphore(%arg22 : memref<!tpu.dma_semaphore, #tpu.memory_space<semaphore_mem>>) {add = true}
      }
      %scan3A_89 = arith.constant 5 : i32
    }
    %scan3A_42 = arith.constant 4 : i32
    %dma_wait3A_43 = arith.constant 0 : i32
    %dma_wait3A_44 = arith.constant 0 : i32
    %dma_wait3A_45 = arith.constant 0 : i32
    %dma_wait3A_46 = tpu.memref_slice %arg8[%dma_wait3A_43, %dma_wait3A_44, %dma_wait3A_45] : memref<2x20x128xi32, #tpu.memory_space<vmem>> -> memref<1x1x128xi32, #tpu.memory_space<vmem>>
    %dma_wait3A_47 = tpu.memref_squeeze %dma_wait3A_46 : memref<1x1x128xi32, #tpu.memory_space<vmem>> -> memref<128xi32, #tpu.memory_space<vmem>>
    %dma_wait3A_48 = arith.constant 0 : i32
    %dma_wait3A_49 = arith.constant 0 : i32
    %dma_wait3A_50 = tpu.memref_slice %arg14[%dma_wait3A_48, %dma_wait3A_49] : memref<10112x64xf32, #tpu.memory_space<vmem_shared>> -> memref<10112x64xf32, #tpu.memory_space<vmem_shared>>
    tpu.wait_indirect_dma semaphore(%arg19 : memref<!tpu.dma_semaphore, #tpu.memory_space<semaphore_mem>>) src(%arg9 : memref<128x64xf32, #tpu.memory_space<vmem>>) dst(%dma_wait3A_50 : memref<10112x64xf32, #tpu.memory_space<vmem_shared>>)
    %dma_wait3A_51 = arith.constant 0 : i32
    %dma_wait3A_52 = arith.constant 0 : i32
    %dma_wait3A_53 = arith.constant 0 : i32
    %dma_wait3A_54 = tpu.memref_slice %arg8[%dma_wait3A_51, %dma_wait3A_52, %dma_wait3A_53] : memref<2x20x128xi32, #tpu.memory_space<vmem>> -> memref<1x1x128xi32, #tpu.memory_space<vmem>>
    %dma_wait3A_55 = tpu.memref_squeeze %dma_wait3A_54 : memref<1x1x128xi32, #tpu.memory_space<vmem>> -> memref<128xi32, #tpu.memory_space<vmem>>
    %dma_wait3A_56 = arith.constant 0 : i32
    %dma_wait3A_57 = arith.constant 0 : i32
    %dma_wait3A_58 = tpu.memref_slice %arg14[%dma_wait3A_56, %dma_wait3A_57] : memref<10112x64xf32, #tpu.memory_space<vmem_shared>> -> memref<10112x64xf32, #tpu.memory_space<vmem_shared>>
    tpu.wait_indirect_dma semaphore(%arg20 : memref<!tpu.dma_semaphore, #tpu.memory_space<semaphore_mem>>) src(%arg10 : memref<128x64xf32, #tpu.memory_space<vmem>>) dst(%dma_wait3A_58 : memref<10112x64xf32, #tpu.memory_space<vmem_shared>>)
    %dma_wait3A_59 = arith.constant 0 : i32
    %dma_wait3A_60 = arith.constant 0 : i32
    %dma_wait3A_61 = arith.constant 0 : i32
    %dma_wait3A_62 = tpu.memref_slice %arg8[%dma_wait3A_59, %dma_wait3A_60, %dma_wait3A_61] : memref<2x20x128xi32, #tpu.memory_space<vmem>> -> memref<1x1x128xi32, #tpu.memory_space<vmem>>
    %dma_wait3A_63 = tpu.memref_squeeze %dma_wait3A_62 : memref<1x1x128xi32, #tpu.memory_space<vmem>> -> memref<128xi32, #tpu.memory_space<vmem>>
    %dma_wait3A_64 = arith.constant 0 : i32
    %dma_wait3A_65 = arith.constant 0 : i32
    %dma_wait3A_66 = tpu.memref_slice %arg14[%dma_wait3A_64, %dma_wait3A_65] : memref<10112x64xf32, #tpu.memory_space<vmem_shared>> -> memref<10112x64xf32, #tpu.memory_space<vmem_shared>>
    tpu.wait_indirect_dma semaphore(%arg21 : memref<!tpu.dma_semaphore, #tpu.memory_space<semaphore_mem>>) src(%arg11 : memref<128x64xf32, #tpu.memory_space<vmem>>) dst(%dma_wait3A_66 : memref<10112x64xf32, #tpu.memory_space<vmem_shared>>)
    %dma_wait3A_67 = arith.constant 0 : i32
    %dma_wait3A_68 = arith.constant 0 : i32
    %dma_wait3A_69 = arith.constant 0 : i32
    %dma_wait3A_70 = tpu.memref_slice %arg8[%dma_wait3A_67, %dma_wait3A_68, %dma_wait3A_69] : memref<2x20x128xi32, #tpu.memory_space<vmem>> -> memref<1x1x128xi32, #tpu.memory_space<vmem>>
    %dma_wait3A_71 = tpu.memref_squeeze %dma_wait3A_70 : memref<1x1x128xi32, #tpu.memory_space<vmem>> -> memref<128xi32, #tpu.memory_space<vmem>>
    %dma_wait3A_72 = arith.constant 0 : i32
    %dma_wait3A_73 = arith.constant 0 : i32
    %dma_wait3A_74 = tpu.memref_slice %arg14[%dma_wait3A_72, %dma_wait3A_73] : memref<10112x64xf32, #tpu.memory_space<vmem_shared>> -> memref<10112x64xf32, #tpu.memory_space<vmem_shared>>
    tpu.wait_indirect_dma semaphore(%arg22 : memref<!tpu.dma_semaphore, #tpu.memory_space<semaphore_mem>>) src(%arg12 : memref<128x64xf32, #tpu.memory_space<vmem>>) dst(%dma_wait3A_74 : memref<10112x64xf32, #tpu.memory_space<vmem_shared>>)
    %barrier3A_75 = arith.constant 0 : index
    tpu.barrier barrier_id(%barrier3A_75)
    "tpu.region"() ({
      %run_scoped3A = tpu.sem_alloc : memref<!tpu.dma_semaphore, #tpu.memory_space<semaphore_mem>>
      %dma_start3A = arith.constant 64 : i32
      %dma_start3A_76 = tpu.memref_slice %arg6[%arg0, %mul3A_0, %dma_start3A] : memref<2x10112x128xf32, #tpu.memory_space<hbm>> -> memref<1x632x64xf32, #tpu.memory_space<hbm>>
      %dma_start3A_77 = tpu.memref_squeeze %dma_start3A_76 : memref<1x632x64xf32, #tpu.memory_space<hbm>> -> memref<632x64xf32, #tpu.memory_space<hbm>>
      %dma_start3A_78 = arith.constant 0 : i32
      %dma_start3A_79 = tpu.memref_slice %arg14[%mul3A_0, %dma_start3A_78] : memref<10112x64xf32, #tpu.memory_space<vmem_shared>> -> memref<632x64xf32, #tpu.memory_space<vmem_shared>>
      tpu.enqueue_dma source(%dma_start3A_79 : memref<632x64xf32, #tpu.memory_space<vmem_shared>>) target(%dma_start3A_77 : memref<632x64xf32, #tpu.memory_space<hbm>>) target_semaphore(%run_scoped3A : memref<!tpu.dma_semaphore, #tpu.memory_space<semaphore_mem>>)
      %dma_wait3A_80 = arith.constant 64 : i32
      %dma_wait3A_81 = tpu.memref_slice %arg6[%arg0, %mul3A_0, %dma_wait3A_80] : memref<2x10112x128xf32, #tpu.memory_space<hbm>> -> memref<1x632x64xf32, #tpu.memory_space<hbm>>
      %dma_wait3A_82 = tpu.memref_squeeze %dma_wait3A_81 : memref<1x632x64xf32, #tpu.memory_space<hbm>> -> memref<632x64xf32, #tpu.memory_space<hbm>>
      %dma_wait3A_83 = arith.constant 0 : i32
      %dma_wait3A_84 = tpu.memref_slice %arg14[%mul3A_0, %dma_wait3A_83] : memref<10112x64xf32, #tpu.memory_space<vmem_shared>> -> memref<632x64xf32, #tpu.memory_space<vmem_shared>>
      tpu.wait_dma2 semaphore(%run_scoped3A : memref<!tpu.dma_semaphore, #tpu.memory_space<semaphore_mem>>) src(%dma_wait3A_84 : memref<632x64xf32, #tpu.memory_space<vmem_shared>>) dst(%dma_wait3A_82 : memref<632x64xf32, #tpu.memory_space<hbm>>)
      tpu.yield
    }) : () -> ()
    return
  }
}

module attributes {stable_mosaic.version = 14 : i64} {
  func.func @body(%arg0: i32, %arg1: memref<2000x256xf32, #tpu.memory_space<vmem>>, %arg2: memref<256x256xf32, #tpu.memory_space<vmem>>, %arg3: memref<2000x256xf32, #tpu.memory_space<vmem>>) attributes {dimension_semantics = [#tpu.dimension_semantics<arbitrary>], iteration_bounds = array<i64: 5>, scalar_prefetch = 0 : i64, scratch_operands = 0 : i64, tpu.core_type = #tpu.core_type<tc>, window_params = [{transform_indices = @transform_0, window_bounds = array<i64: 2000, 256>}, {pipeline_mode = #tpu.pipeline_mode<synchronous>, transform_indices = @transform_1, window_bounds = array<i64: 256, 256>}, {transform_indices = @transform_2, window_bounds = array<i64: 2000, 256>}]} {
    %get3A = arith.constant 0 : index
    %get3A_0 = arith.constant 0 : index
    %get3A_1 = vector.load %arg1[%get3A, %get3A_0] : memref<2000x256xf32, #tpu.memory_space<vmem>>, vector<2000x256xf32>
    %get3A_2 = arith.constant 0 : index
    %get3A_3 = arith.constant 0 : index
    %get3A_4 = vector.load %arg2[%get3A_2, %get3A_3] : memref<256x256xf32, #tpu.memory_space<vmem>>, vector<256x256xf32>
    %dot_general3A = arith.constant dense<0.000000e+00> : vector<2000x256xf32>
    %dot_general3A_5 = tpu.matmul %get3A_1, %get3A_4, %dot_general3A {dimension_numbers = #tpu.dot_dimension_numbers<[1], [0], [0], [1], [0, 0, 1, 1], [], []>, transpose_lhs_hint = false} : vector<2000x256xf32>, vector<256x256xf32>, vector<2000x256xf32> -> vector<2000x256xf32>
    %swap3A = arith.constant 0 : index
    %swap3A_6 = arith.constant 0 : index
    %swap3A_7 = vector.load %arg3[%swap3A, %swap3A_6] : memref<2000x256xf32, #tpu.memory_space<vmem>>, vector<2000x256xf32>
    tpu.vector_store %arg3[%swap3A, %swap3A_6], %dot_general3A_5 {strides = array<i32>} : memref<2000x256xf32, #tpu.memory_space<vmem>>, vector<2000x256xf32>,
    return
  }
  func.func @transform_0(%arg0: i32) -> (i32, i32) {
    %c0_i32 = arith.constant 0 : i32
    %c0_i32_0 = arith.constant 0 : i32
    return %arg0, %c0_i32 : i32, i32
  }
  func.func @transform_1(%arg0: i32) -> (i32, i32) {
    %c0_i32 = arith.constant 0 : i32
    %c0_i32_0 = arith.constant 0 : i32
    %c0_i32_1 = arith.constant 0 : i32
    return %c0_i32, %c0_i32_0 : i32, i32
  }
  func.func @transform_2(%arg0: i32) -> (i32, i32) {
    %c0_i32 = arith.constant 0 : i32
    %c0_i32_0 = arith.constant 0 : i32
    return %arg0, %c0_i32 : i32, i32
  }
}

module attributes {stable_mosaic.version = 14 : i64} {
  func.func @body(%arg0: i32, %arg1: memref<2000x256xf32, #tpu.memory_space<vmem>>, %arg2: memref<2x2000x16xf32, #tpu.memory_space<vmem>>, %arg3: memref<2x2000x128xf32, #tpu.memory_space<vmem>>, %arg4: memref<2000x1xf32, #tpu.memory_space<vmem>>) attributes {dimension_semantics = [#tpu.dimension_semantics<arbitrary>], iteration_bounds = array<i64: 5>, scalar_prefetch = 0 : i64, scratch_operands = 0 : i64, tpu.core_type = #tpu.core_type<tc>, window_params = [{transform_indices = @transform_0, window_bounds = array<i64: 2000, 256>}, {transform_indices = @transform_1, window_bounds = array<i64: 2, 2000, 16>}, {transform_indices = @transform_2, window_bounds = array<i64: 2, 2000, 128>}, {transform_indices = @transform_3, window_bounds = array<i64: 2000, 1>}]} {
    %get3A = arith.constant 0 : index
    %get3A_0 = arith.constant 0 : index
    %get3A_1 = arith.constant 0 : index
    %get3A_2 = vector.load %arg2[%get3A, %get3A_0, %get3A_1] : memref<2x2000x16xf32, #tpu.memory_space<vmem>>, vector<1x2000x1xf32>
    %get3A_3 = vector.shape_cast %get3A_2 : vector<1x2000x1xf32> to vector<2000x1xf32>
    %get3A_4 = arith.constant 1 : index
    %get3A_5 = arith.constant 0 : index
    %get3A_6 = arith.constant 0 : index
    %get3A_7 = vector.load %arg2[%get3A_4, %get3A_5, %get3A_6] : memref<2x2000x16xf32, #tpu.memory_space<vmem>>, vector<1x2000x1xf32>
    %get3A_8 = vector.shape_cast %get3A_7 : vector<1x2000x1xf32> to vector<2000x1xf32>
    %add3A = arith.addf %get3A_3, %get3A_8 : vector<2000x1xf32>
    %add3A_9 = arith.constant 1.000000e+00 : f32
    %add3A_10 = vector.broadcast %add3A_9 : f32 to vector<2000x1xf32>
    %add3A_11 = arith.addf %add3A, %add3A_10 : vector<2000x1xf32>
    %rsqrt3A = math.rsqrt %add3A_11 : vector<2000x1xf32>
    %get3A_12 = arith.constant 0 : index
    %get3A_13 = arith.constant 0 : index
    %get3A_14 = vector.load %arg1[%get3A_12, %get3A_13] : memref<2000x256xf32, #tpu.memory_space<vmem>>, vector<2000x256xf32>
    %mul3A = vector.broadcast %rsqrt3A : vector<2000x1xf32> to vector<2000x256xf32>
    %mul3A_15 = arith.mulf %get3A_14, %mul3A : vector<2000x256xf32>
    %slice3A = vector.extract_strided_slice %mul3A_15 {offsets = [0, 0], sizes = [2000, 128], strides = [1, 1]} : vector<2000x256xf32> to vector<2000x128xf32>
    %slice3A_16 = vector.extract_strided_slice %mul3A_15 {offsets = [0, 128], sizes = [2000, 128], strides = [1, 1]} : vector<2000x256xf32> to vector<2000x128xf32>
    %stack3A = vector.shape_cast %slice3A : vector<2000x128xf32> to vector<1x2000x128xf32>
    %stack3A_17 = vector.shape_cast %slice3A_16 : vector<2000x128xf32> to vector<1x2000x128xf32>
    %stack3A_18 = tpu.concatenate %stack3A, %stack3A_17 in 0 : vector<1x2000x128xf32>, vector<1x2000x128xf32> -> vector<2x2000x128xf32>
    %swap3A = arith.constant 0 : index
    %swap3A_19 = arith.constant 0 : index
    %swap3A_20 = arith.constant 0 : index
    %swap3A_21 = vector.load %arg3[%swap3A, %swap3A_19, %swap3A_20] : memref<2x2000x128xf32, #tpu.memory_space<vmem>>, vector<2x2000x128xf32>
    tpu.vector_store %arg3[%swap3A, %swap3A_19, %swap3A_20], %stack3A_18 {strides = array<i32>} : memref<2x2000x128xf32, #tpu.memory_space<vmem>>, vector<2x2000x128xf32>,
    %swap3A_22 = arith.constant 0 : index
    %swap3A_23 = arith.constant 0 : index
    %swap3A_24 = vector.load %arg4[%swap3A_22, %swap3A_23] : memref<2000x1xf32, #tpu.memory_space<vmem>>, vector<2000x1xf32>
    tpu.vector_store %arg4[%swap3A_22, %swap3A_23], %rsqrt3A {strides = array<i32>} : memref<2000x1xf32, #tpu.memory_space<vmem>>, vector<2000x1xf32>,
    return
  }
  func.func @transform_0(%arg0: i32) -> (i32, i32) {
    %c0_i32 = arith.constant 0 : i32
    %c0_i32_0 = arith.constant 0 : i32
    return %arg0, %c0_i32 : i32, i32
  }
  func.func @transform_1(%arg0: i32) -> (i32, i32, i32) {
    %c0_i32 = arith.constant 0 : i32
    %c0_i32_0 = arith.constant 0 : i32
    %c0_i32_1 = arith.constant 0 : i32
    return %c0_i32, %arg0, %c0_i32_0 : i32, i32, i32
  }
  func.func @transform_2(%arg0: i32) -> (i32, i32, i32) {
    %c0_i32 = arith.constant 0 : i32
    %c0_i32_0 = arith.constant 0 : i32
    %c0_i32_1 = arith.constant 0 : i32
    return %c0_i32, %arg0, %c0_i32_0 : i32, i32, i32
  }
  func.func @transform_3(%arg0: i32) -> (i32, i32) {
    %c0_i32 = arith.constant 0 : i32
    %c0_i32_0 = arith.constant 0 : i32
    return %arg0, %c0_i32 : i32, i32
  }
}

module attributes {stable_mosaic.version = 14 : i64} {
  func.func @body(%arg0: i32, %arg1: memref<2x2000x128xf32, #tpu.memory_space<vmem>>, %arg2: memref<2x2000x128xf32, #tpu.memory_space<vmem>>, %arg3: memref<2000x1xf32, #tpu.memory_space<vmem>>, %arg4: memref<1x256xf32, #tpu.memory_space<vmem>>, %arg5: memref<256x2xf32, #tpu.memory_space<vmem>>, %arg6: memref<2000x16xf32, #tpu.memory_space<vmem>>) attributes {dimension_semantics = [#tpu.dimension_semantics<arbitrary>], iteration_bounds = array<i64: 5>, scalar_prefetch = 0 : i64, scratch_operands = 0 : i64, tpu.core_type = #tpu.core_type<tc>, window_params = [{transform_indices = @transform_0, window_bounds = array<i64: 2, 2000, 128>}, {transform_indices = @transform_1, window_bounds = array<i64: 2, 2000, 128>}, {transform_indices = @transform_2, window_bounds = array<i64: 2000, 1>}, {pipeline_mode = #tpu.pipeline_mode<synchronous>, transform_indices = @transform_3, window_bounds = array<i64: 1, 256>}, {pipeline_mode = #tpu.pipeline_mode<synchronous>, transform_indices = @transform_4, window_bounds = array<i64: 256, 2>}, {transform_indices = @transform_5, window_bounds = array<i64: 2000, 16>}]} {
    %get3A = arith.constant 0 : index
    %get3A_0 = arith.constant 0 : index
    %get3A_1 = vector.load %arg3[%get3A, %get3A_0] : memref<2000x1xf32, #tpu.memory_space<vmem>>, vector<2000x1xf32>
    %get3A_2 = arith.constant 0 : index
    %get3A_3 = arith.constant 0 : index
    %get3A_4 = arith.constant 0 : index
    %get3A_5 = vector.load %arg1[%get3A_2, %get3A_3, %get3A_4] : memref<2x2000x128xf32, #tpu.memory_space<vmem>>, vector<1x2000x128xf32>
    %get3A_6 = vector.shape_cast %get3A_5 : vector<1x2000x128xf32> to vector<2000x128xf32>
    %get3A_7 = arith.constant 0 : index
    %get3A_8 = arith.constant 0 : index
    %get3A_9 = arith.constant 0 : index
    %get3A_10 = vector.load %arg2[%get3A_7, %get3A_8, %get3A_9] : memref<2x2000x128xf32, #tpu.memory_space<vmem>>, vector<1x2000x128xf32>
    %get3A_11 = vector.shape_cast %get3A_10 : vector<1x2000x128xf32> to vector<2000x128xf32>
    %add3A = arith.addf %get3A_6, %get3A_11 : vector<2000x128xf32>
    %mul3A = vector.broadcast %get3A_1 : vector<2000x1xf32> to vector<2000x128xf32>
    %mul3A_12 = arith.mulf %mul3A, %add3A : vector<2000x128xf32>
    %get3A_13 = arith.constant 0 : index
    %get3A_14 = arith.constant 0 : index
    %get3A_15 = vector.load %arg4[%get3A_13, %get3A_14] : memref<1x256xf32, #tpu.memory_space<vmem>>, vector<1x128xf32>
    %get3A_16 = vector.shape_cast %get3A_15 : vector<1x128xf32> to vector<128xf32>
    %broadcast_in_dim3A = vector.shape_cast %get3A_16 : vector<128xf32> to vector<1x128xf32>
    %add3A_17 = vector.broadcast %broadcast_in_dim3A : vector<1x128xf32> to vector<2000x128xf32>
    %add3A_18 = arith.addf %mul3A_12, %add3A_17 : vector<2000x128xf32>
    %max3A = arith.constant 0.000000e+00 : f32
    %max3A_19 = vector.broadcast %max3A : f32 to vector<2000x128xf32>
    %max3A_20 = arith.maximumf %add3A_18, %max3A_19 : vector<2000x128xf32>
    %get3A_21 = arith.constant 1 : index
    %get3A_22 = arith.constant 0 : index
    %get3A_23 = arith.constant 0 : index
    %get3A_24 = vector.load %arg1[%get3A_21, %get3A_22, %get3A_23] : memref<2x2000x128xf32, #tpu.memory_space<vmem>>, vector<1x2000x128xf32>
    %get3A_25 = vector.shape_cast %get3A_24 : vector<1x2000x128xf32> to vector<2000x128xf32>
    %get3A_26 = arith.constant 1 : index
    %get3A_27 = arith.constant 0 : index
    %get3A_28 = arith.constant 0 : index
    %get3A_29 = vector.load %arg2[%get3A_26, %get3A_27, %get3A_28] : memref<2x2000x128xf32, #tpu.memory_space<vmem>>, vector<1x2000x128xf32>
    %get3A_30 = vector.shape_cast %get3A_29 : vector<1x2000x128xf32> to vector<2000x128xf32>
    %add3A_31 = arith.addf %get3A_25, %get3A_30 : vector<2000x128xf32>
    %mul3A_32 = vector.broadcast %get3A_1 : vector<2000x1xf32> to vector<2000x128xf32>
    %mul3A_33 = arith.mulf %mul3A_32, %add3A_31 : vector<2000x128xf32>
    %get3A_34 = arith.constant 0 : index
    %get3A_35 = arith.constant 128 : index
    %get3A_36 = vector.load %arg4[%get3A_34, %get3A_35] : memref<1x256xf32, #tpu.memory_space<vmem>>, vector<1x128xf32>
    %get3A_37 = vector.shape_cast %get3A_36 : vector<1x128xf32> to vector<128xf32>
    %broadcast_in_dim3A_38 = vector.shape_cast %get3A_37 : vector<128xf32> to vector<1x128xf32>
    %add3A_39 = vector.broadcast %broadcast_in_dim3A_38 : vector<1x128xf32> to vector<2000x128xf32>
    %add3A_40 = arith.addf %mul3A_33, %add3A_39 : vector<2000x128xf32>
    %max3A_41 = arith.constant 0.000000e+00 : f32
    %max3A_42 = vector.broadcast %max3A_41 : f32 to vector<2000x128xf32>
    %max3A_43 = arith.maximumf %add3A_40, %max3A_42 : vector<2000x128xf32>
    %get3A_44 = arith.constant 0 : index
    %get3A_45 = arith.constant 0 : index
    %get3A_46 = vector.load %arg5[%get3A_44, %get3A_45] : memref<256x2xf32, #tpu.memory_space<vmem>>, vector<128x2xf32>
    %dot_general3A = arith.constant dense<0.000000e+00> : vector<2000x2xf32>
    %dot_general3A_47 = tpu.matmul %max3A_20, %get3A_46, %dot_general3A {dimension_numbers = #tpu.dot_dimension_numbers<[1], [0], [0], [1], [0, 0, 1, 1], [], []>, transpose_lhs_hint = false} : vector<2000x128xf32>, vector<128x2xf32>, vector<2000x2xf32> -> vector<2000x2xf32>
    %get3A_48 = arith.constant 128 : index
    %get3A_49 = arith.constant 0 : index
    %get3A_50 = vector.load %arg5[%get3A_48, %get3A_49] : memref<256x2xf32, #tpu.memory_space<vmem>>, vector<128x2xf32>
    %dot_general3A_51 = arith.constant dense<0.000000e+00> : vector<2000x2xf32>
    %dot_general3A_52 = tpu.matmul %max3A_43, %get3A_50, %dot_general3A_51 {dimension_numbers = #tpu.dot_dimension_numbers<[1], [0], [0], [1], [0, 0, 1, 1], [], []>, transpose_lhs_hint = false} : vector<2000x128xf32>, vector<128x2xf32>, vector<2000x2xf32> -> vector<2000x2xf32>
    %add3A_53 = arith.addf %dot_general3A_47, %dot_general3A_52 : vector<2000x2xf32>
    %mul3A_54 = vector.broadcast %get3A_1 : vector<2000x1xf32> to vector<2000x2xf32>
    %mul3A_55 = arith.mulf %add3A_53, %mul3A_54 : vector<2000x2xf32>
    %broadcast_in_dim3A_56 = arith.constant 0.000000e+00 : f32
    %broadcast_in_dim3A_57 = vector.broadcast %broadcast_in_dim3A_56 : f32 to vector<2000x14xf32>
    %concatenate3A = tpu.concatenate %mul3A_55, %broadcast_in_dim3A_57 in 1 : vector<2000x2xf32>, vector<2000x14xf32> -> vector<2000x16xf32>
    %swap3A = arith.constant 0 : index
    %swap3A_58 = arith.constant 0 : index
    %swap3A_59 = vector.load %arg6[%swap3A, %swap3A_58] : memref<2000x16xf32, #tpu.memory_space<vmem>>, vector<2000x16xf32>
    tpu.vector_store %arg6[%swap3A, %swap3A_58], %concatenate3A {strides = array<i32>} : memref<2000x16xf32, #tpu.memory_space<vmem>>, vector<2000x16xf32>,
    return
  }
  func.func @transform_0(%arg0: i32) -> (i32, i32, i32) {
    %c0_i32 = arith.constant 0 : i32
    %c0_i32_0 = arith.constant 0 : i32
    %c0_i32_1 = arith.constant 0 : i32
    return %c0_i32, %arg0, %c0_i32_0 : i32, i32, i32
  }
  func.func @transform_1(%arg0: i32) -> (i32, i32, i32) {
    %c0_i32 = arith.constant 0 : i32
    %c0_i32_0 = arith.constant 0 : i32
    %c0_i32_1 = arith.constant 0 : i32
    return %c0_i32, %arg0, %c0_i32_0 : i32, i32, i32
  }
  func.func @transform_2(%arg0: i32) -> (i32, i32) {
    %c0_i32 = arith.constant 0 : i32
    %c0_i32_0 = arith.constant 0 : i32
    return %arg0, %c0_i32 : i32, i32
  }
  func.func @transform_3(%arg0: i32) -> (i32, i32) {
    %c0_i32 = arith.constant 0 : i32
    %c0_i32_0 = arith.constant 0 : i32
    %c0_i32_1 = arith.constant 0 : i32
    return %c0_i32, %c0_i32_0 : i32, i32
  }
  func.func @transform_4(%arg0: i32) -> (i32, i32) {
    %c0_i32 = arith.constant 0 : i32
    %c0_i32_0 = arith.constant 0 : i32
    %c0_i32_1 = arith.constant 0 : i32
    return %c0_i32, %c0_i32_0 : i32, i32
  }
  func.func @transform_5(%arg0: i32) -> (i32, i32) {
    %c0_i32 = arith.constant 0 : i32
    %c0_i32_0 = arith.constant 0 : i32
    return %arg0, %c0_i32 : i32, i32
  }
}

module attributes {stable_mosaic.version = 14 : i64} {
  func.func @body(%arg0: i32, %arg1: memref<2x2000x16xf32, #tpu.memory_space<vmem>>, %arg2: memref<2000x16xf32, #tpu.memory_space<vmem>>, %arg3: memref<2000x1xf32, #tpu.memory_space<vmem>>, %arg4: memref<1x2xf32, #tpu.memory_space<vmem>>, %arg5: memref<2000x2xf32, #tpu.memory_space<vmem>>) attributes {dimension_semantics = [#tpu.dimension_semantics<arbitrary>], iteration_bounds = array<i64: 5>, scalar_prefetch = 0 : i64, scratch_operands = 0 : i64, tpu.core_type = #tpu.core_type<tc>, window_params = [{transform_indices = @transform_0, window_bounds = array<i64: 2, 2000, 16>}, {transform_indices = @transform_1, window_bounds = array<i64: 2000, 16>}, {transform_indices = @transform_2, window_bounds = array<i64: 2000, 1>}, {pipeline_mode = #tpu.pipeline_mode<synchronous>, transform_indices = @transform_3, window_bounds = array<i64: 1, 2>}, {transform_indices = @transform_4, window_bounds = array<i64: 2000, 2>}]} {
    %get3A = arith.constant 0 : index
    %get3A_0 = arith.constant 0 : index
    %get3A_1 = arith.constant 0 : index
    %get3A_2 = vector.load %arg1[%get3A, %get3A_0, %get3A_1] : memref<2x2000x16xf32, #tpu.memory_space<vmem>>, vector<1x2000x16xf32>
    %get3A_3 = vector.shape_cast %get3A_2 : vector<1x2000x16xf32> to vector<2000x16xf32>
    %get3A_4 = arith.constant 1 : index
    %get3A_5 = arith.constant 0 : index
    %get3A_6 = arith.constant 0 : index
    %get3A_7 = vector.load %arg1[%get3A_4, %get3A_5, %get3A_6] : memref<2x2000x16xf32, #tpu.memory_space<vmem>>, vector<1x2000x16xf32>
    %get3A_8 = vector.shape_cast %get3A_7 : vector<1x2000x16xf32> to vector<2000x16xf32>
    %add3A = arith.addf %get3A_3, %get3A_8 : vector<2000x16xf32>
    %get3A_9 = arith.constant 0 : index
    %get3A_10 = arith.constant 0 : index
    %get3A_11 = vector.load %arg2[%get3A_9, %get3A_10] : memref<2000x16xf32, #tpu.memory_space<vmem>>, vector<2000x16xf32>
    %add3A_12 = arith.addf %add3A, %get3A_11 : vector<2000x16xf32>
    %get3A_13 = arith.constant 0 : index
    %get3A_14 = arith.constant 0 : index
    %get3A_15 = vector.load %arg3[%get3A_13, %get3A_14] : memref<2000x1xf32, #tpu.memory_space<vmem>>, vector<2000x1xf32>
    %mul3A = vector.broadcast %get3A_15 : vector<2000x1xf32> to vector<2000x16xf32>
    %mul3A_16 = arith.mulf %add3A_12, %mul3A : vector<2000x16xf32>
    %slice3A = vector.extract_strided_slice %mul3A_16 {offsets = [0, 0], sizes = [2000, 2], strides = [1, 1]} : vector<2000x16xf32> to vector<2000x2xf32>
    %get3A_17 = arith.constant 0 : index
    %get3A_18 = arith.constant 0 : index
    %get3A_19 = vector.load %arg4[%get3A_17, %get3A_18] : memref<1x2xf32, #tpu.memory_space<vmem>>, vector<1x2xf32>
    %get3A_20 = vector.shape_cast %get3A_19 : vector<1x2xf32> to vector<2xf32>
    %broadcast_in_dim3A = vector.shape_cast %get3A_20 : vector<2xf32> to vector<1x2xf32>
    %add3A_21 = vector.broadcast %broadcast_in_dim3A : vector<1x2xf32> to vector<2000x2xf32>
    %add3A_22 = arith.addf %slice3A, %add3A_21 : vector<2000x2xf32>
    %swap3A = arith.constant 0 : index
    %swap3A_23 = arith.constant 0 : index
    %swap3A_24 = vector.load %arg5[%swap3A, %swap3A_23] : memref<2000x2xf32, #tpu.memory_space<vmem>>, vector<2000x2xf32>
    tpu.vector_store %arg5[%swap3A, %swap3A_23], %add3A_22 {strides = array<i32>} : memref<2000x2xf32, #tpu.memory_space<vmem>>, vector<2000x2xf32>,
    return
  }
  func.func @transform_0(%arg0: i32) -> (i32, i32, i32) {
    %c0_i32 = arith.constant 0 : i32
    %c0_i32_0 = arith.constant 0 : i32
    %c0_i32_1 = arith.constant 0 : i32
    return %c0_i32, %arg0, %c0_i32_0 : i32, i32, i32
  }
  func.func @transform_1(%arg0: i32) -> (i32, i32) {
    %c0_i32 = arith.constant 0 : i32
    %c0_i32_0 = arith.constant 0 : i32
    return %arg0, %c0_i32 : i32, i32
  }
  func.func @transform_2(%arg0: i32) -> (i32, i32) {
    %c0_i32 = arith.constant 0 : i32
    %c0_i32_0 = arith.constant 0 : i32
    return %arg0, %c0_i32 : i32, i32
  }
  func.func @transform_3(%arg0: i32) -> (i32, i32) {
    %c0_i32 = arith.constant 0 : i32
    %c0_i32_0 = arith.constant 0 : i32
    %c0_i32_1 = arith.constant 0 : i32
    return %c0_i32, %c0_i32_0 : i32, i32
  }
  func.func @transform_4(%arg0: i32) -> (i32, i32) {
    %c0_i32 = arith.constant 0 : i32
    %c0_i32_0 = arith.constant 0 : i32
    return %arg0, %c0_i32 : i32, i32
  }
}

</mosaic_0001>

<sc_bundles>
// kernel: kernel.12.cloned.1.call-start
scs
__scs_entry_jumppad:
0x0: {  	(pc) =	sbr.rel $0x88, $3  }
0x1: {  	(tag) =	ssettag $0x0;
	lr =	simm.s32 $0x1  }
0x2: {  	[smem:$0x3F9B] =	sst lr;
	_ =	strace $0xD0000000  }
0x3: {  	_ = 	snop  }
0x4: {  	_ = 	snop  }
0x5: {  	_ = 	snop  }
0x6: {  	_ = 	snop  }
0x7: {  	_ = 	snop  }
__scs_overlays_trampoline_lowered:
0x8: {  	[smem:$0x3FAA] =	sst s0  }
0x9: {  	[smem:$0x3FAB] =	sst s1  }
0xa: {  	[smem:$0x3FAC] =	sst s2  }
0xb: {  	[smem:$0x3FAD] =	sst s3  }
0xc: {  	[smem:$0x3FAE] =	sst s4  }
0xd: {  	[smem:$0x3FAF] =	sst s5  }
0xe: {  	[smem:$0x3FB0] =	sst s6  }
0xf: {  	[smem:$0x3FB1] =	sst s7  }
0x10: {  	[smem:$0x3FB2] =	sst s8  }
0x11: {  	[smem:$0x3FB3] =	sst s9;
	s0 =	simm.s32 @!p0 $0x0  }
0x12: {  	s1 =	sld [smem:$0x3F99];
	s0 =	simm.s32 @p0 $0x1  }
0x13: {  	[smem:$0x3FB4] =	sst s0;
	s0 =	simm.s32 @!p1 $0x0  }
0x14: {  	s2 =	sld [smem:$0x3F98];
	s0 =	simm.s32 @p1 $0x1  }
0x15: {  	[smem:$0x3FB5] =	sst s0;
	s0 =	simm.s32 @!p2 $0x0  }
0x16: {  	s3 =	sld [smem:$0x3FDB];
	s0 =	simm.s32 @p2 $0x1  }
0x17: {  	s4 =	simm.s32 $0x1BF5;
	[smem:$0x3FB7] =	sst s0  }
0x18: {  	s0 =	sld [smem:$0x3F9A];
	_ =	swait.ge [sflag:s4], $0x0  }
0x19: {  	s7 =	sld [smem:$0x3F9B]  }
0x1a: {  	s8 =	sadd.s32 $0xFFFFE003, lr  }
0x1b: {  	s9 =	sadd.s32 $0xFFFFFEF7, lr;
	s5 =	simm.s32 $0xFFFFFFFF;
	p2 =	slt.u32 s8, $0xFFFFF086  }
0x1c: {  	p1 =	slt.u32 s9, $0xF7A;
	s5 =	simm.s32 @!p2 $0x0  }
0x1d: {  	s5 =	simm.s32 @p1 $0x1;
	p0 =	seq.s32 s7, s2  }
0x1e: {  	s7 =	smul.u32 @!p0 $0xF7A, s2;
	p2 =	seq.s32 @!p0 s5, $0x0  }
0x1f: {  	s9 =	smul.u32 $0xF7A, s1;
	s8 =	simm.s32 @!p0 $0x1BF5;
	p2 =	por !p2, p0  }
0x20: {  	[sflag:s8] =	ssyncset.s32 @!p0 $0xFFFFF086;
	s6 =	sadd.s32 @!p0 s3, s7;
	s7 =	simm.s32 @!p0 $0x108  }
0x21: {  	s3 =	sadd.s32 s3, s9;
	s6 =	sadd.s32 @!p0 $0x88, s6;
	s7 =	simm.s32 @p2 $0x1082  }
0x22: {  	[simem:s7], [sflag:s8] =	dma.local @!p0 [hbm:s6], $0xF7A  }
0x23: {  	s9 =	sor.u32 $0xD0000000, s2;
	s6 =	simm.s32 $0x108;
	_ =	swait.ge @!p0 [sflag:s8], $0x0  }
0x24: {  	s3 =	sadd.s32 $0x88, s3;
	s6 =	simm.s32 @!p1 $0x1082;
	[sflag:s4] =	ssyncset.s32 $0xFFFFF086  }
0x25: {  	[simem:s6], [sflag:s4] =	dma.local [hbm:s3], $0xF7A  }
0x26: {  	[smem:$0x3F9B] =	sst s1;
	(tag) =	ssettag s2;
	_ =	strace s9  }
0x27: {  	s1 =	sld [smem:$0x3FAB]  }
0x28: {  	s2 =	sld [smem:$0x3FAC]  }
0x29: {  	s4 =	sld [smem:$0x3FAE]  }
0x2a: {  	p0 =	seq.s32 s5, $0x0;
	s5 =	sld [smem:$0x3FAF]  }
0x2b: {  	s6 =	sld [smem:$0x3FB0]  }
0x2c: {  	s7 =	sld [smem:$0x3FB1]  }
0x2d: {  	s3 =	simm.s32 $0x108;
	s8 =	sld [smem:$0x3FB2]  }
0x2e: {  	s3 =	simm.s32 @!p0 $0x1082;
	s9 =	sld [smem:$0x3FB3]  }
0x2f: {  	lr =	sadd.s32 s0, s3;
	s0 =	sld [smem:$0x3FAA]  }
0x30: {  	s3 =	sld [smem:$0x3FAD]  }
0x31: {  	[smem:$0x3FB6] =	sst s10  }
0x32: {  	s10 =	sld [smem:$0x3FB4];
	_ =	sdelay $0x3  }
0x33: {  	p0 =	seq.s32 s10, $0x1;
	s10 =	sld [smem:$0x3FB6];
	_ =	sdelay $0x3  }
0x34: {  	[smem:$0x3FB6] =	sst s10  }
0x35: {  	s10 =	sld [smem:$0x3FB5];
	_ =	sdelay $0x3  }
0x36: {  	p1 =	seq.s32 s10, $0x1;
	s10 =	sld [smem:$0x3FB6];
	_ =	sdelay $0x3  }
0x37: {  	[smem:$0x3FB6] =	sst s10  }
0x38: {  	s10 =	sld [smem:$0x3FB7]  }
0x39: {  	_ = 	snop;
	(pc) =	sbr.ind lr, $3  }
0x3a: {  	_ = 	snop  }
0x3b: {  	_ = 	snop  }
0x3c: {  	p2 =	seq.s32 s10, $0x1;
	s10 =	sld [smem:$0x3FB6]  }
0x3d: {  	_ =	shalt  }
0x3e: {  	_ =	shalt  }
0x3f: {  	_ =	shalt  }
0x40: {  	_ =	shalt  }
0x41: {  	_ =	shalt  }
0x42: {  	_ =	shalt  }
0x43: {  	_ =	shalt  }
0x44: {  	_ =	shalt  }
0x45: {  	_ =	shalt  }
0x46: {  	_ =	shalt  }
0x47: {  	_ =	shalt  }
0x48: {  	_ =	shalt  }
0x49: {  	_ =	shalt  }
0x4a: {  	_ =	shalt  }
0x4b: {  	_ =	shalt  }
0x4c: {  	_ =	shalt  }
0x4d: {  	_ =	shalt  }
0x4e: {  	_ =	shalt  }
0x4f: {  	_ =	shalt  }
0x50: {  	_ =	shalt  }
0x51: {  	_ =	shalt  }
0x52: {  	_ =	shalt  }
0x53: {  	_ =	shalt  }
0x54: {  	_ =	shalt  }
0x55: {  	_ =	shalt  }
0x56: {  	_ =	shalt  }
0x57: {  	_ =	shalt  }
0x58: {  	_ =	shalt  }
0x59: {  	_ =	shalt  }
0x5a: {  	_ =	shalt  }
0x5b: {  	_ =	shalt  }
0x5c: {  	_ =	shalt  }
0x5d: {  	_ =	shalt  }
0x5e: {  	_ =	shalt  }
0x5f: {  	_ =	shalt  }
0x60: {  	_ =	shalt  }
0x61: {  	_ =	shalt  }
0x62: {  	_ =	shalt  }
0x63: {  	_ =	shalt  }
0x64: {  	_ =	shalt  }
0x65: {  	_ =	shalt  }
0x66: {  	_ =	shalt  }
0x67: {  	_ =	shalt  }
0x68: {  	_ =	shalt  }
0x69: {  	_ =	shalt  }
0x6a: {  	_ =	shalt  }
0x6b: {  	_ =	shalt  }
0x6c: {  	_ =	shalt  }
0x6d: {  	_ =	shalt  }
0x6e: {  	_ =	shalt  }
0x6f: {  	_ =	shalt  }
0x70: {  	_ =	shalt  }
0x71: {  	_ =	shalt  }
0x72: {  	_ =	shalt  }
0x73: {  	_ =	shalt  }
0x74: {  	_ =	shalt  }
0x75: {  	_ =	shalt  }
0x76: {  	_ =	shalt  }
0x77: {  	_ =	shalt  }
0x78: {  	_ =	shalt  }
0x79: {  	_ =	shalt  }
0x7a: {  	_ =	shalt  }
0x7b: {  	_ =	shalt  }
0x7c: {  	_ =	shalt  }
0x7d: {  	_ =	shalt  }
0x7e: {  	_ =	shalt  }
0x7f: {  	_ =	shalt  }
0x80: {  	_ =	shalt  }
0x81: {  	_ =	shalt  }
0x82: {  	_ =	shalt  }
0x83: {  	_ =	shalt  }
0x84: {  	_ =	shalt  }
0x85: {  	_ =	shalt  }
0x86: {  	_ =	shalt  }
0x87: {  	_ =	shalt  }
.Lfunc_end0:
.L_simem_size_0:
called_computation.1_lowered:
.L_overlay_start_0:
0x88: {  	s2 =	sld [smem:$0x3FD9]  }
0x89: {  	s3 =	sld [smem:$0x3FFE];
	_ =	sdelay $0x1  }
0x8a: {  	s1 =	srdreg.scid  }
0x8b: {  	s0 =	sand.u32 $0x1, s1  }
0x8c: {  	s16 =	sshll.u32 s0, $0xA;
	s2 =	sadd.s32 s3, s2  }
0x8d: {  	s2 =	sadd.s32 s2, s16  }
0x8e: {  	[smem:$0x3FC2] =	sst s2  }
0x8f: {  	_ = 	snop  }
0x90: {  	(tm) =	ssettm $0x1  }
0x91: {  	s17 =	sld [smem:$0x3FFB];
	_ =	sdelay $0x3  }
0x92: {  	_ =	strace s17  }
0x93: {  	s2 =	sld [smem:$0x3FFC];
	_ =	sdelay $0x3  }
0x94: {  	_ =	strace s2  }
0x95: {  	s2 =	sld [smem:$0x3FFD];
	_ =	sdelay $0x3  }
0x96: {  	_ =	strace s2  }
0x97: {  	_ =	strace $0x8FFFFFFF  }
0x98: {  	s18 =	sld [smem:$0x3FDB];
	_ =	sdelay $0x1  }
0x99: {  	s19 =	simm.s32 $_scs_section_size  }
0x9a: {  	s4 =	simm.s32 $_size__tile_overlayer_lowered;
	s5 =	simm.s32 $_tile_overlayer_lowered  }
0x9b: {  	s22 =	simm.s32 $0x1BFF;
	s21 =	sshll.u32 s5, $0x1;
	s2 =	sadd.s32 s19, s18  }
0x9c: {  	s6 =	simm.s32 $0x0;
	s20 =	sshll.u32 s4, $0x1;
	s4 =	sadd.s32 s21, s2  }
0x9d: {  	[timem:s6], [sflag:s22] =	dma.local [hbm:s4], s20  }
0x9e: {  	_ =	swait.ge [sflag:s22], s20  }
0x9f: {  	s3 =	ssub.s32 $0x0, s20;
	[sflag:s22] =	ssyncset.done $0x0  }
0xa0: {  	[sflag:s22] =	ssyncadd.s32 s3;
	_ =	sdelay $0x1  }
0xa1: {  	s23 =	simm.s32 $0x1B8B  }
0xa2: {  	_ =	swait.ge [sflag:s23], $0x1  }
0xa3: {  	[sflag:s23] =	ssyncset.done $0x0  }
0xa4: {  	s25 =	simm.s32 $0x1B8E;
	s24 =	sld [smem:$0x3FFE];
	[sflag:s23] =	ssyncadd.s32 $0xFFFFFFFF  }
0xa5: {  	s26 =	simm.s32 $execute0_lowered;
	[smem:$0x3FD2] =	sst s25  }
0xa6: {  	s4 =	sshll.u32 s26, $0x1;
	_ =	strace $0x80000049;
	[dreg:$0x1] =	wrdreg $0xFFFFFFFF  }
0xa7: {  	s28 =	simm.s32 $_size_execute0_lowered;
	s2 =	sadd.s32 s2, s4;
	[dreg:$0x0] =	wrdreg $0x0  }
0xa8: {  	s4 =	sshll.u32 s28, $0x1;
	[dreg:$0x2] =	wrdreg s2  }
0xa9: {  	[dreg:$0x3] =	wrdreg s4  }
0xaa: {  	[dreg:$0x4] =	wrdreg $0xC0  }
0xab: {  	_ =	task [dreg:s6], $0x5FFFF  }
0xac: {  	[dreg:$0x1] =	wrdreg $0xFFFFFFFF  }
0xad: {  	[dreg:$0x0] =	wrdreg $0x60  }
0xae: {  	[dreg:$0x2] =	wrdreg s24  }
0xaf: {  	[dreg:$0x3] =	wrdreg $0xA8000  }
0xb0: {  	[dreg:$0x4] =	wrdreg $0x146000  }
0xb1: {  	[dreg:$0x5] =	wrdreg $0x9  }
0xb2: {  	_ =	task.clear_ibuf [dreg:s6], $0x6FFFF;
	_ =	strace $0x90000049  }
0xb3: {  	s29 =	simm.s32 $0x9;
	_ =	strace $0x8000004B  }
0xb4: {  	_ =	swait.ge [sflag:s29], $0x1  }
0xb5: {  	[sflag:s29] =	ssyncadd.s32 $0xFFFFFFFF  }
0xb6: {  	_ =	strace $0x9000004B  }
0xb7: {  	_ =	sfence  }
0xb8: {  	s30 =	sld [smem:$0x0];
	_ =	sdelay $0x2  }
0xb9: {  	s31 =	sshll.u32 s1, $0xD;
	s1 =	sshrl.u32 s1, $0x2  }
0xba: {  	s3 =	sand.u32 $0x4000, s31;
	s1 =	sadd.s32 s1, s30  }
0xbb: {  	s0 =	sor.u32 s3, s0;
	s1 =	sshll.u32 s1, $0x11  }
0xbc: {  	s0 =	sor.u32 s1, s0  }
0xbd: {  	s0 =	sadd.s32 $0x8F2B, s0  }
0xbe: {  	[sflag:s0] =	ssyncadd.remote.s32 $0x1  }
0xbf: {  	_ =	sfence.sel $0xFFFF  }
0xc0: {  	[dreg:$0x0] =	wrdreg $0xFFFFFFFF;
	(pc) =	sbr.abs _section_cstart, $3  }
0xc1: {  	[dreg:$0x1] =	wrdreg $0xFFFFFFFF  }
0xc2: {  	_ =	task.clear_ibuf [dreg:s6], $0x2FFFF;
	_ =	strace $0x9FFFFFFF  }
0xc3: {  	(tm) =	ssettm $0x7FFFFFFF  }
tec
execute0_lowered:
.L_overlay_start_1:
0x0: {  	(tag) =	ssettag $0x1  }
0x1: {  	s0 =	rddreg [dreg:$0x0]  }
0x2: {  	s1 =	rddreg [dreg:$0x1]  }
0x3: {  	s3 =	rddreg [dreg:$0x2]  }
0x4: {  	s4 =	simm.s32 $0x0;
	s13 =	stileid.u32;
	s2 =	srdreg.scid  }
0x5: {  	s16 =	simm.s32 $0x1;
	s19 =	simm.s32 $0x9;
	s21 =	simm.s32 $0x80  }
0x6: {  	s22 =	simm.s32 $0x8800;
	s28 =	simm.s32 $0x6800;
	s29 =	simm.s32 $0x4  }
0x7: {  	[smem:$0x7FF] =	sst s4;
	s7 =	smul.u32 $0x9E00, s13;
	s2 =	sand.u32 $0x1, s2  }
0x8: {  	s9 =	sadd.s32 $0x69A00, s0;
	s5 =	sadd.s32 $0x1C00, s0;
	s11 =	smul.u32 $0x13C00, s13  }
0x9: {  	s6 =	sadd.s32 $0x6C00, s0;
	s25 =	sshll.u32 s13, $0x6;
	_ =	strace $0x8000004A  }
0xa: {  	s8 =	smul.u32 $0x13C000, s2;
	s2 =	ssub.s32 $0x2, s2;
	s10 =	sshrl.u32 s7, $0x3  }
0xb: {  	s12 =	sshrl.u32 s2, $0x1;
	s23 =	sadd.s32 s7, s1;
	s7 =	sadd.s32 s7, s3  }
0xc: {  	s10 =	sadd.s32 s10, s0;
	s0 =	sadd.s32 $0xB8A00, s0;
	s2 =	ssub.s32 s2, s12  }
0xd: {  	s8 =	sadd.s32 s11, s8;
	s31 =	sshrl.u32 s23, $0x3;
	s11 =	simm.s32 $0x10  }
0xe: {  	s7 =	sshrl.u32 s7, $0x3;
	s23 =	simm.s32 $0x2800;
	[dreg:$0xa] =	wrdreg s31  }
0xf: {  	s24 =	sshrl.u32 s8, $0x3;
	s30 =	smax.u32 s2, $0x1;
	[dreg:$0xb] =	wrdreg s7  }
0x10: {  	s8 =	sor.u32 $0x1C09, s25;
	s17 =	sadd.s32 $0x10C00, s10;
	[dreg:$0x9] =	wrdreg s30  }
0x11: {  	s10 =	smul.u32 $0x2800, s13;
	s14 =	sadd.s32 s9, s24;
	[dreg:$0x5] =	wrdreg s17  }
0x12: {  	s26 =	sor.u32 $0x8, s24;
	s12 =	sadd.s32 s0, s24;
	[dreg:$0x4] =	wrdreg s14  }
0x13: {  	s25 =	simm.s32 $0x4800;
	[dreg:$0x6] =	wrdreg s12;
	s9 =	sadd.s32 s9, s26  }
0x14: {  	s24 =	simm.s32 $0x2;
	s0 =	sadd.s32 s0, s26;
	[dreg:$0x7] =	wrdreg s9  }
0x15: {  	s26 =	simm.s32 $0x3;
	[dreg:$0x8] =	wrdreg s0;
	s9 =	simm.s32 $0x8  }
.LBB2_1:
0x16: {  	s0 =	rddreg [dreg:$0x4]  }
0x17: {  	s2 =	rddreg [dreg:$0xa]  }
0x18: {  	[spmem:s2@s9], [sflag:s8] =	dma.strided [hbm:s0@s11], $0x13C0, s16, $0x8   }
0x19: {  	_ =	swait.ge [sflag:s19], $0x13C0  }
0x1a: {  	[sflag:s19] =	ssyncset.done $0x0  }
0x1b: {  	[sflag:s19] =	ssyncadd.s32 $0xFFFFEC40  }
0x1c: {  	[spmem:s7], [sflag:s8] =	dma.local [hbm:s17], $0x13C0  }
0x1d: {  	_ =	swait.ge [sflag:s19], $0x13C0  }
0x1e: {  	[sflag:s19] =	ssyncset.done $0x0  }
0x1f: {  	[sflag:s19] =	ssyncadd.s32 $0xFFFFEC40  }
0x20: {  	s2 =	simm.s32 $0x0;
	[bflag:$0x0] =	sbarrier.arrive $0xFFFF  }
.LBB2_2:
0x21: {  	s7 =	smul.u32 $0xA00, s2;
	_ =	sdelay $0x1  }
0x22: {  	s9 =	sand.u32 $0x1, s2;
	s11 =	sadd.s32 s10, s7  }
0x23: {  	p0 =	seq.s32 s9, $0x1;
	s7 =	simm.s32 $0xA00;
	s20 =	sshrl.u32 s11, $0x3  }
0x24: {  	s12 =	simm.s32 $0x0;
	s7 =	simm.s32 @!p0 $0x0;
	s11 =	sadd.s32 s5, s20  }
0x25: {  	[tilespmem:s7], [sflag:$0x9] =	stream.linear.gather [hbm4b:s11+s12], $0xA00, $0x38;
	[tilespmem:$0x1E400] =	vst v63  }
0x26: {  	_ =	swait.ge [sflag:s19], $0xA00  }
0x27: {  	[sflag:s19] =	ssyncset.done $0x0  }
0x28: {  	s30 =	sor.u32 $0x1400, s7;
	s9 =	sadd.s32 s6, s20;
	[sflag:s19] =	ssyncadd.s32 $0xFFFFF600  }
0x29: {  	[tilespmem:s30], [sflag:$0x9] =	stream.linear.gather [hbm4b:s9+s12], $0xA00, $0x38;
	[tilespmem:$0x1E400] =	vst v63  }
0x2a: {  	s31 =	sor.u32 s2, s12;
	_ =	swait.ge [sflag:s19], $0xA00  }
0x2b: {  	p0 =	sne.s32 s31, $0x0;
	[sflag:s19] =	ssyncset.done $0x0  }
0x2c: {  	s9 =	simm.s32 @p0 $0x5;
	[sflag:s19] =	ssyncadd.s32 $0xFFFFF600  }
0x2d: {  	s13 =	simm.s32 @p0 $0x6;
	_ =	swait.ge @p0 [sflag:s9], $0x2000  }
0x2e: {  	s14 =	simm.s32 @p0 $0x80;
	s11 =	sor.u32 $0x100, s7;
	[sflag:s9] =	ssyncset.done @p0 $0x0  }
0x2f: {  	s12 =	simm.s32 @p0 $0x2800;
	[sflag:s9] =	ssyncadd.s32 @p0 $0xFFFFE000;
	s9 =	sadd.s32 @p0 $0xFFFFFF00, s11  }
0x30: {  	[tilespmem:s12], [sflag:$0x1] =	stream.indirect.gather @p0 [spmem:s1], $0x40, s9, s14, $0xb8;
	[tilespmem:$0x1E400] =	vst v63  }
0x31: {  	_ =	swait.ge @p0 [sflag:s13], $0x2000  }
0x32: {  	s9 =	simm.s32 @p0 $0x7;
	[sflag:s13] =	ssyncset.done @p0 $0x0  }
0x33: {  	s12 =	sadd.s32 @p0 $0xFFFFFF80, s11;
	[sflag:s13] =	ssyncadd.s32 @p0 $0xFFFFE000;
	s13 =	simm.s32 @p0 $0x4800  }
0x34: {  	[tilespmem:s13], [sflag:$0x2] =	stream.indirect.gather @p0 [spmem:s1], $0x40, s12, s14, $0xb8;
	[tilespmem:$0x1E400] =	vst v63  }
0x35: {  	_ =	swait.ge @p0 [sflag:s9], $0x2000  }
0x36: {  	[sflag:s9] =	ssyncset.done @p0 $0x0  }
0x37: {  	s12 =	simm.s32 @p0 $0x8;
	[sflag:s9] =	ssyncadd.s32 @p0 $0xFFFFE000;
	s9 =	simm.s32 @p0 $0x6800  }
0x38: {  	[tilespmem:s9], [sflag:$0x3] =	stream.indirect.gather @p0 [spmem:s1], $0x40, s11, s14, $0xb8;
	[tilespmem:$0x1E400] =	vst v63  }
0x39: {  	_ =	swait.ge @p0 [sflag:s12], $0x2000  }
0x3a: {  	[sflag:s12] =	ssyncset.done @p0 $0x0  }
0x3b: {  	s9 =	simm.s32 @!p0 $0x80;
	[sflag:s12] =	ssyncadd.s32 @p0 $0xFFFFE000;
	s12 =	simm.s32 @!p0 $0x2800  }
0x3c: {  	[tilespmem:s12], [sflag:$0x1] =	stream.indirect.gather @!p0 [spmem:s1], $0x40, s7, s9, $0xb8;
	[tilespmem:$0x1E400] =	vst v63  }
0x3d: {  	s13 =	simm.s32 $0x180;
	s14 =	simm.s32 @!p0 $0x4800;
	s12 =	sor.u32 $0x80, s7  }
0x3e: {  	[tilespmem:s14], [sflag:$0x2] =	stream.indirect.gather @!p0 [spmem:s1], $0x40, s12, s9, $0xb8;
	[tilespmem:$0x1E400] =	vst v63  }
0x3f: {  	s13 =	simm.s32 @!p0 $0x180;
	s14 =	simm.s32 @!p0 $0x6800  }
0x40: {  	[tilespmem:s14], [sflag:$0x3] =	stream.indirect.gather @!p0 [spmem:s1], $0x40, s11, s9, $0xb8;
	[tilespmem:$0x1E400] =	vst v63  }
0x41: {  	s15 =	sadd.s32 s7, s13;
	s9 =	sadd.s32 @p0 $0x180, s7  }
0x42: {  	[tilespmem:s22], [sflag:$0x4] =	stream.indirect.gather [spmem:s1], $0x40, s15, s21, $0xb8;
	[tilespmem:$0x1E400] =	vst v63  }
0x43: {  	s14 =	smov.u32 s7;
	s13 =	sadd.s32 @p0 $0xFFFFFE80, s9;
	_ =	swait.ge [sflag:s16], $0x2000  }
0x44: {  	s14 =	smov.u32 @p0 s13;
	[sflag:s16] =	ssyncset.done $0x0  }
0x45: {  	s13 =	sadd.s32 $0x1400, s14;
	[sflag:s16] =	ssyncadd.s32 $0xFFFFE000  }
0x46: {  	[spmem:s3] =	stream.indirect.scatter.add.f32 [tilespmem:s23], [sflag:$0x5], $0x40, s13, s21, $0xb8;
	[tilespmem:$0x1E400] =	vst v63  }
0x47: {  	s14 =	smov.u32 s12;
	s13 =	sadd.s32 @p0 $0xFFFFFF00, s9;
	_ =	swait.ge [sflag:s24], $0x2000  }
0x48: {  	s14 =	smov.u32 @p0 s13;
	[sflag:s24] =	ssyncset.done $0x0  }
0x49: {  	s18 =	smov.u32 s11;
	s13 =	sadd.s32 $0x1400, s14;
	[sflag:s24] =	ssyncadd.s32 $0xFFFFE000  }
0x4a: {  	[spmem:s3] =	stream.indirect.scatter.add.f32 [tilespmem:s25], [sflag:$0x6], $0x40, s13, s21, $0xb8;
	[tilespmem:$0x1E400] =	vst v63  }
0x4b: {  	s15 =	sadd.s32 $0x1400, s15;
	s14 =	sadd.s32 @p0 $0xFFFFFF80, s9;
	_ =	swait.ge [sflag:s26], $0x2000  }
0x4c: {  	s9 =	simm.s32 $0x580;
	s18 =	smov.u32 @p0 s14;
	[sflag:s26] =	ssyncset.done $0x0  }
0x4d: {  	s14 =	sadd.s32 $0x1400, s18;
	s18 =	simm.s32 $0x1;
	[sflag:s26] =	ssyncadd.s32 $0xFFFFE000  }
0x4e: {  	[spmem:s3] =	stream.indirect.scatter.add.f32 [tilespmem:s28], [sflag:$0x7], $0x40, s14, s21, $0xb8;
	[tilespmem:$0x1E400] =	vst v63  }
0x4f: {  	s13 =	simm.s32 $0x380;
	s30 =	sor.u32 s2, s18;
	_ =	swait.ge [sflag:s29], $0x2000  }
0x50: {  	p0 =	sne.s32 s30, $0x0;
	s14 =	sadd.s32 $0x200, s11;
	[sflag:s29] =	ssyncset.done $0x0  }
.LBB2_3:
0x51: {  	s30 =	simm.s32 @p0 $0x5  }
0x52: {  	[sflag:s29] =	ssyncadd.s32 $0xFFFFE000;
	s31 =	smov.u32 s9;
	s9 =	sadd.s32 $0x200, s9  }
0x53: {  	[spmem:s3] =	stream.indirect.scatter.add.f32 [tilespmem:s22], [sflag:$0x8], $0x40, s15, s21, $0xb8;
	[tilespmem:$0x1E400] =	vst v63  }
0x54: {  	p1 =	sne.s32 s9, $0xB80;
	_ =	swait.ge @p0 [sflag:s30], $0x2000  }
0x55: {  	s0 =	simm.s32 @p0 $0x6;
	s15 =	simm.s32 @p0 $0x2800;
	[sflag:s30] =	ssyncset.done @p0 $0x0  }
0x56: {  	s20 =	simm.s32 @p0 $0x80;
	[sflag:s30] =	ssyncadd.s32 @p0 $0xFFFFE000;
	s30 =	sadd.s32 @p0 $0xFFFFFF00, s14  }
0x57: {  	[tilespmem:s15], [sflag:$0x1] =	stream.indirect.gather @p0 [spmem:s1], $0x40, s30, s20, $0xb8;
	[tilespmem:$0x1E400] =	vst v63  }
0x58: {  	_ =	swait.ge @p0 [sflag:s0], $0x2000  }
0x59: {  	s15 =	simm.s32 @p0 $0x7;
	[sflag:s0] =	ssyncset.done @p0 $0x0  }
0x5a: {  	s30 =	simm.s32 @p0 $0x4800;
	[sflag:s0] =	ssyncadd.s32 @p0 $0xFFFFE000;
	s0 =	sadd.s32 @p0 $0xFFFFFF80, s14  }
0x5b: {  	[tilespmem:s30], [sflag:$0x2] =	stream.indirect.gather @p0 [spmem:s1], $0x40, s0, s20, $0xb8;
	[tilespmem:$0x1E400] =	vst v63  }
0x5c: {  	_ =	swait.ge @p0 [sflag:s15], $0x2000  }
0x5d: {  	[sflag:s15] =	ssyncset.done @p0 $0x0  }
0x5e: {  	s0 =	simm.s32 @p0 $0x6800;
	[sflag:s15] =	ssyncadd.s32 @p0 $0xFFFFE000;
	s15 =	simm.s32 @p0 $0x8  }
0x5f: {  	[tilespmem:s0], [sflag:$0x3] =	stream.indirect.gather @p0 [spmem:s1], $0x40, s14, s20, $0xb8;
	[tilespmem:$0x1E400] =	vst v63  }
0x60: {  	_ =	swait.ge @p0 [sflag:s15], $0x2000  }
0x61: {  	[sflag:s15] =	ssyncset.done @p0 $0x0  }
0x62: {  	s0 =	simm.s32 @!p0 $0x80;
	[sflag:s15] =	ssyncadd.s32 @p0 $0xFFFFE000;
	s15 =	simm.s32 @!p0 $0x2800  }
0x63: {  	[tilespmem:s15], [sflag:$0x1] =	stream.indirect.gather @!p0 [spmem:s1], $0x40, s7, s0, $0xb8;
	[tilespmem:$0x1E400] =	vst v63  }
0x64: {  	s20 =	smov.u32 s13;
	s15 =	simm.s32 @!p0 $0x4800  }
0x65: {  	[tilespmem:s15], [sflag:$0x2] =	stream.indirect.gather @!p0 [spmem:s1], $0x40, s12, s0, $0xb8;
	[tilespmem:$0x1E400] =	vst v63  }
0x66: {  	s20 =	simm.s32 @!p0 $0x180;
	s15 =	simm.s32 @!p0 $0x6800  }
0x67: {  	[tilespmem:s15], [sflag:$0x3] =	stream.indirect.gather @!p0 [spmem:s1], $0x40, s11, s0, $0xb8;
	[tilespmem:$0x1E400] =	vst v63  }
0x68: {  	s0 =	sadd.s32 @p0 s13, s7;
	s15 =	sadd.s32 s7, s20  }
0x69: {  	s13 =	smov.u32 s31;
	s31 =	smov.u32 s7;
	s20 =	sadd.s32 @p0 $0xFFFFFE80, s0  }
0x6a: {  	[tilespmem:s22], [sflag:$0x4] =	stream.indirect.gather [spmem:s1], $0x40, s15, s21, $0xb8;
	[tilespmem:$0x1E400] =	vst v63  }
0x6b: {  	s30 =	sadd.s32 @p0 $0xFFFFFF00, s0;
	s0 =	sadd.s32 @p0 $0xFFFFFF80, s0;
	_ =	swait.ge [sflag:s16], $0x2000  }
0x6c: {  	s31 =	smov.u32 @p0 s20;
	s20 =	smov.u32 s12;
	[sflag:s16] =	ssyncset.done $0x0  }
0x6d: {  	s20 =	smov.u32 @p0 s30;
	s30 =	sadd.s32 $0x1400, s31;
	[sflag:s16] =	ssyncadd.s32 $0xFFFFE000  }
0x6e: {  	[spmem:s3] =	stream.indirect.scatter.add.f32 [tilespmem:s23], [sflag:$0x5], $0x40, s30, s21, $0xb8;
	[tilespmem:$0x1E400] =	vst v63  }
0x6f: {  	s30 =	smov.u32 s11  }
0x70: {  	s30 =	smov.u32 @p0 s0;
	_ =	swait.ge [sflag:s24], $0x2000  }
0x71: {  	[sflag:s24] =	ssyncset.done $0x0  }
0x72: {  	s0 =	sadd.s32 $0x1400, s20;
	[sflag:s24] =	ssyncadd.s32 $0xFFFFE000  }
0x73: {  	[spmem:s3] =	stream.indirect.scatter.add.f32 [tilespmem:s25], [sflag:$0x6], $0x40, s0, s21, $0xb8;
	[tilespmem:$0x1E400] =	vst v63  }
0x74: {  	_ =	swait.ge [sflag:s26], $0x2000  }
.Ltmp0:
0x75: {  	[sflag:s26] =	ssyncset.done $0x0;
	(pc) =	sbr.rel @p1 .LBB2_3-.Ltmp0, $4  }
0x76: {  	s18 =	sadd.s32 $0x1, s18;
	s0 =	sadd.s32 $0x1400, s30;
	[sflag:s26] =	ssyncadd.s32 $0xFFFFE000  }
0x77: {  	[spmem:s3] =	stream.indirect.scatter.add.f32 [tilespmem:s28], [sflag:$0x7], $0x40, s0, s21, $0xb8;
	[tilespmem:$0x1E400] =	vst v63  }
0x78: {  	s14 =	sadd.s32 $0x200, s14;
	s0 =	sor.u32 s2, s18;
	_ =	swait.ge [sflag:s29], $0x2000  }
0x79: {  	s15 =	sadd.s32 $0x1400, s15;
	p0 =	sne.s32 s0, $0x0;
	[sflag:s29] =	ssyncset.done $0x0  }
0x7a: {  	s0 =	simm.s32 @p0 $0x5;
	[sflag:s29] =	ssyncadd.s32 $0xFFFFE000  }
0x7b: {  	[spmem:s3] =	stream.indirect.scatter.add.f32 [tilespmem:s22], [sflag:$0x8], $0x40, s15, s21, $0xb8;
	[tilespmem:$0x1E400] =	vst v63  }
0x7c: {  	_ =	swait.ge @p0 [sflag:s0], $0x2000  }
0x7d: {  	s9 =	simm.s32 @p0 $0x2800;
	s18 =	simm.s32 @p0 $0x80;
	[sflag:s0] =	ssyncset.done @p0 $0x0  }
0x7e: {  	s15 =	simm.s32 @p0 $0x6;
	[sflag:s0] =	ssyncadd.s32 @p0 $0xFFFFE000;
	s0 =	sadd.s32 @p0 $0xFFFFFF00, s14  }
0x7f: {  	[tilespmem:s9], [sflag:$0x1] =	stream.indirect.gather @p0 [spmem:s1], $0x40, s0, s18, $0xb8;
	[tilespmem:$0x1E400] =	vst v63  }
0x80: {  	_ =	swait.ge @p0 [sflag:s15], $0x2000  }
0x81: {  	s0 =	simm.s32 @p0 $0x7;
	[sflag:s15] =	ssyncset.done @p0 $0x0  }
0x82: {  	s9 =	sadd.s32 @p0 $0xFFFFFF80, s14;
	[sflag:s15] =	ssyncadd.s32 @p0 $0xFFFFE000;
	s15 =	simm.s32 @p0 $0x4800  }
0x83: {  	[tilespmem:s15], [sflag:$0x2] =	stream.indirect.gather @p0 [spmem:s1], $0x40, s9, s18, $0xb8;
	[tilespmem:$0x1E400] =	vst v63  }
0x84: {  	_ =	swait.ge @p0 [sflag:s0], $0x2000  }
0x85: {  	[sflag:s0] =	ssyncset.done @p0 $0x0  }
0x86: {  	s9 =	simm.s32 @p0 $0x8;
	[sflag:s0] =	ssyncadd.s32 @p0 $0xFFFFE000;
	s0 =	simm.s32 @p0 $0x6800  }
0x87: {  	[tilespmem:s0], [sflag:$0x3] =	stream.indirect.gather @p0 [spmem:s1], $0x40, s14, s18, $0xb8;
	[tilespmem:$0x1E400] =	vst v63  }
0x88: {  	_ =	swait.ge @p0 [sflag:s9], $0x2000  }
0x89: {  	[sflag:s9] =	ssyncset.done @p0 $0x0  }
0x8a: {  	s0 =	simm.s32 @!p0 $0x80;
	[sflag:s9] =	ssyncadd.s32 @p0 $0xFFFFE000;
	s9 =	simm.s32 @!p0 $0x2800  }
0x8b: {  	[tilespmem:s9], [sflag:$0x1] =	stream.indirect.gather @!p0 [spmem:s1], $0x40, s7, s0, $0xb8;
	[tilespmem:$0x1E400] =	vst v63  }
0x8c: {  	s9 =	simm.s32 @!p0 $0x4800  }
0x8d: {  	[tilespmem:s9], [sflag:$0x2] =	stream.indirect.gather @!p0 [spmem:s1], $0x40, s12, s0, $0xb8;
	[tilespmem:$0x1E400] =	vst v63  }
0x8e: {  	s9 =	simm.s32 @!p0 $0x6800  }
0x8f: {  	[tilespmem:s9], [sflag:$0x3] =	stream.indirect.gather @!p0 [spmem:s1], $0x40, s11, s0, $0xb8;
	[tilespmem:$0x1E400] =	vst v63  }
0x90: {  	s0 =	sadd.s32 @p0 s13, s7;
	s13 =	simm.s32 @!p0 $0x180  }
0x91: {  	s30 =	sadd.s32 s7, s13  }
0x92: {  	[tilespmem:s22], [sflag:$0x4] =	stream.indirect.gather [spmem:s1], $0x40, s30, s21, $0xb8;
	[tilespmem:$0x1E400] =	vst v63  }
0x93: {  	s13 =	sadd.s32 @p0 $0xFFFFFE80, s0;
	_ =	swait.ge [sflag:s16], $0x2000  }
0x94: {  	s7 =	smov.u32 @p0 s13;
	[sflag:s16] =	ssyncset.done $0x0  }
0x95: {  	s7 =	sadd.s32 $0x1400, s7;
	[sflag:s16] =	ssyncadd.s32 $0xFFFFE000  }
0x96: {  	[spmem:s3] =	stream.indirect.scatter.add.f32 [tilespmem:s23], [sflag:$0x5], $0x40, s7, s21, $0xb8;
	[tilespmem:$0x1E400] =	vst v63  }
0x97: {  	s7 =	sadd.s32 @p0 $0xFFFFFF00, s0;
	_ =	swait.ge [sflag:s24], $0x2000  }
0x98: {  	s12 =	smov.u32 @p0 s7;
	[sflag:s24] =	ssyncset.done $0x0  }
0x99: {  	s7 =	sadd.s32 $0x1400, s12;
	[sflag:s24] =	ssyncadd.s32 $0xFFFFE000  }
0x9a: {  	[spmem:s3] =	stream.indirect.scatter.add.f32 [tilespmem:s25], [sflag:$0x6], $0x40, s7, s21, $0xb8;
	[tilespmem:$0x1E400] =	vst v63  }
0x9b: {  	s0 =	sadd.s32 @p0 $0xFFFFFF80, s0;
	_ =	swait.ge [sflag:s26], $0x2000  }
0x9c: {  	s2 =	sadd.s32 $0x1, s2;
	s11 =	smov.u32 @p0 s0;
	[sflag:s26] =	ssyncset.done $0x0  }
0x9d: {  	p0 =	sne.s32 s2, $0x4;
	s0 =	sadd.s32 $0x1400, s11;
	[sflag:s26] =	ssyncadd.s32 $0xFFFFE000  }
0x9e: {  	[spmem:s3] =	stream.indirect.scatter.add.f32 [tilespmem:s28], [sflag:$0x7], $0x40, s0, s21, $0xb8;
	[tilespmem:$0x1E400] =	vst v63  }
.Ltmp1:
0x9f: {  	_ = 	snop;
	(pc) =	sbr.rel @p0 .LBB2_2-.Ltmp1, $4  }
0xa0: {  	_ =	swait.ge [sflag:s29], $0x2000  }
0xa1: {  	[sflag:s29] =	ssyncset.done $0x0  }
0xa2: {  	s31 =	sadd.s32 $0x1400, s30;
	[sflag:s29] =	ssyncadd.s32 $0xFFFFE000  }
0xa3: {  	[spmem:s3] =	stream.indirect.scatter.add.f32 [tilespmem:s22], [sflag:$0x8], $0x40, s31, s21, $0xb8;
	[tilespmem:$0x1E400] =	vst v63  }
0xa4: {  	s0 =	simm.s32 $0x5  }
0xa5: {  	_ =	swait.ge [sflag:s0], $0x2000  }
0xa6: {  	[sflag:s0] =	ssyncset.done $0x0  }
0xa7: {  	s18 =	simm.s32 $0x6;
	[sflag:s0] =	ssyncadd.s32 $0xFFFFE000  }
0xa8: {  	_ =	swait.ge [sflag:s18], $0x2000  }
0xa9: {  	[sflag:s18] =	ssyncset.done $0x0  }
0xaa: {  	s20 =	simm.s32 $0x7;
	[sflag:s18] =	ssyncadd.s32 $0xFFFFE000  }
0xab: {  	_ =	swait.ge [sflag:s20], $0x2000  }
0xac: {  	[sflag:s20] =	ssyncset.done $0x0  }
0xad: {  	s7 =	simm.s32 $0x8;
	[sflag:s20] =	ssyncadd.s32 $0xFFFFE000  }
0xae: {  	_ =	swait.ge [sflag:s7], $0x2000  }
0xaf: {  	[sflag:s7] =	ssyncset.done $0x0  }
0xb0: {  	[sflag:s7] =	ssyncadd.s32 $0xFFFFE000  }
0xb1: {  	[bflag:$0x0] =	sbarrier.arrive $0xFFFF  }
0xb2: {  	s30 =	rddreg [dreg:$0x6]  }
0xb3: {  	s9 =	simm.s32 $0x10;
	s11 =	rddreg [dreg:$0xb]  }
0xb4: {  	[hbm:s30@s9], [sflag:s8] =	dma.strided [spmem:s11@s7], $0x13C0, s16, $0x8   }
0xb5: {  	_ =	swait.ge [sflag:s19], $0x13C0  }
0xb6: {  	[sflag:s19] =	ssyncset.done $0x0;
	s31 =	rddreg [dreg:$0x7]  }
0xb7: {  	s2 =	rddreg [dreg:$0xa];
	[sflag:s19] =	ssyncadd.s32 $0xFFFFEC40  }
0xb8: {  	[spmem:s2@s7], [sflag:s8] =	dma.strided [hbm:s31@s9], $0x13C0, s16, $0x8   }
0xb9: {  	_ =	swait.ge [sflag:s19], $0x13C0  }
0xba: {  	[sflag:s19] =	ssyncset.done $0x0  }
0xbb: {  	[sflag:s19] =	ssyncadd.s32 $0xFFFFEC40  }
0xbc: {  	[spmem:s11], [sflag:s8] =	dma.local [hbm:s17], $0x13C0  }
0xbd: {  	_ =	swait.ge [sflag:s19], $0x13C0  }
0xbe: {  	[sflag:s19] =	ssyncset.done $0x0  }
0xbf: {  	[sflag:s19] =	ssyncadd.s32 $0xFFFFEC40  }
0xc0: {  	s2 =	simm.s32 $0x0;
	s7 =	simm.s32 $0x0;
	[bflag:$0x0] =	sbarrier.arrive $0xFFFF  }
.LBB2_6:
0xc1: {  	s0 =	smul.u32 $0xA00, s7;
	_ =	sdelay $0x1  }
0xc2: {  	s9 =	sand.u32 $0x1, s7;
	s0 =	sadd.s32 s10, s0  }
0xc3: {  	s11 =	simm.s32 $0xA00;
	p0 =	seq.s32 s9, $0x1;
	s0 =	sshrl.u32 s0, $0x3  }
0xc4: {  	s11 =	simm.s32 @!p0 $0x0;
	s17 =	sadd.s32 s5, s0  }
0xc5: {  	[tilespmem:s11], [sflag:$0x9] =	stream.linear.gather [hbm4b:s17+s2], $0xA00, $0x38;
	[tilespmem:$0x1E400] =	vst v63  }
0xc6: {  	_ =	swait.ge [sflag:s19], $0xA00  }
0xc7: {  	[sflag:s19] =	ssyncset.done $0x0  }
0xc8: {  	s18 =	sor.u32 $0x1400, s11;
	s0 =	sadd.s32 s6, s0;
	[sflag:s19] =	ssyncadd.s32 $0xFFFFF600  }
0xc9: {  	[tilespmem:s18], [sflag:$0x9] =	stream.linear.gather [hbm4b:s0+s2], $0xA00, $0x38;
	[tilespmem:$0x1E400] =	vst v63  }
0xca: {  	s20 =	sor.u32 s7, s2;
	_ =	swait.ge [sflag:s19], $0xA00  }
0xcb: {  	p0 =	sne.s32 s20, $0x0;
	[sflag:s19] =	ssyncset.done $0x0  }
0xcc: {  	s0 =	simm.s32 @p0 $0x5;
	[sflag:s19] =	ssyncadd.s32 $0xFFFFF600  }
0xcd: {  	s12 =	sor.u32 $0x100, s11;
	_ =	swait.ge @p0 [sflag:s0], $0x2000  }
0xce: {  	s9 =	simm.s32 @p0 $0x2800;
	s13 =	simm.s32 @p0 $0x6;
	[sflag:s0] =	ssyncset.done @p0 $0x0  }
0xcf: {  	s14 =	simm.s32 @p0 $0x80;
	[sflag:s0] =	ssyncadd.s32 @p0 $0xFFFFE000;
	s0 =	sadd.s32 @p0 $0xFFFFFF00, s12  }
0xd0: {  	[tilespmem:s9], [sflag:$0x1] =	stream.indirect.gather @p0 [spmem:s1], $0x40, s0, s14, $0xb8;
	[tilespmem:$0x1E400] =	vst v63  }
0xd1: {  	_ =	swait.ge @p0 [sflag:s13], $0x2000  }
0xd2: {  	s0 =	simm.s32 @p0 $0x7;
	[sflag:s13] =	ssyncset.done @p0 $0x0  }
0xd3: {  	s9 =	sadd.s32 @p0 $0xFFFFFF80, s12;
	[sflag:s13] =	ssyncadd.s32 @p0 $0xFFFFE000;
	s13 =	simm.s32 @p0 $0x4800  }
0xd4: {  	[tilespmem:s13], [sflag:$0x2] =	stream.indirect.gather @p0 [spmem:s1], $0x40, s9, s14, $0xb8;
	[tilespmem:$0x1E400] =	vst v63  }
0xd5: {  	_ =	swait.ge @p0 [sflag:s0], $0x2000  }
0xd6: {  	[sflag:s0] =	ssyncset.done @p0 $0x0  }
0xd7: {  	s9 =	simm.s32 @p0 $0x8;
	[sflag:s0] =	ssyncadd.s32 @p0 $0xFFFFE000;
	s0 =	simm.s32 @p0 $0x6800  }
0xd8: {  	[tilespmem:s0], [sflag:$0x3] =	stream.indirect.gather @p0 [spmem:s1], $0x40, s12, s14, $0xb8;
	[tilespmem:$0x1E400] =	vst v63  }
0xd9: {  	_ =	swait.ge @p0 [sflag:s9], $0x2000  }
0xda: {  	[sflag:s9] =	ssyncset.done @p0 $0x0  }
0xdb: {  	s0 =	simm.s32 @!p0 $0x80;
	[sflag:s9] =	ssyncadd.s32 @p0 $0xFFFFE000;
	s9 =	simm.s32 @!p0 $0x2800  }
0xdc: {  	[tilespmem:s9], [sflag:$0x1] =	stream.indirect.gather @!p0 [spmem:s1], $0x40, s11, s0, $0xb8;
	[tilespmem:$0x1E400] =	vst v63  }
0xdd: {  	s13 =	sor.u32 $0x80, s11;
	s14 =	simm.s32 @!p0 $0x4800;
	s9 =	simm.s32 $0x180  }
0xde: {  	[tilespmem:s14], [sflag:$0x2] =	stream.indirect.gather @!p0 [spmem:s1], $0x40, s13, s0, $0xb8;
	[tilespmem:$0x1E400] =	vst v63  }
0xdf: {  	s9 =	simm.s32 @!p0 $0x180;
	s14 =	simm.s32 @!p0 $0x6800  }
0xe0: {  	[tilespmem:s14], [sflag:$0x3] =	stream.indirect.gather @!p0 [spmem:s1], $0x40, s12, s0, $0xb8;
	[tilespmem:$0x1E400] =	vst v63  }
0xe1: {  	s20 =	sadd.s32 s11, s9;
	s0 =	sadd.s32 @p0 $0x180, s11  }
0xe2: {  	[tilespmem:s22], [sflag:$0x4] =	stream.indirect.gather [spmem:s1], $0x40, s20, s21, $0xb8;
	[tilespmem:$0x1E400] =	vst v63  }
0xe3: {  	s14 =	smov.u32 s11;
	s9 =	sadd.s32 @p0 $0xFFFFFE80, s0;
	_ =	swait.ge [sflag:s16], $0x2000  }
0xe4: {  	s14 =	smov.u32 @p0 s9;
	[sflag:s16] =	ssyncset.done $0x0  }
0xe5: {  	s9 =	sadd.s32 $0x1400, s14;
	[sflag:s16] =	ssyncadd.s32 $0xFFFFE000  }
0xe6: {  	[spmem:s3] =	stream.indirect.scatter.add.f32 [tilespmem:s23], [sflag:$0x5], $0x40, s9, s21, $0xb8;
	[tilespmem:$0x1E400] =	vst v63  }
0xe7: {  	s14 =	smov.u32 s13;
	s9 =	sadd.s32 @p0 $0xFFFFFF00, s0;
	_ =	swait.ge [sflag:s24], $0x2000  }
0xe8: {  	s14 =	smov.u32 @p0 s9;
	[sflag:s24] =	ssyncset.done $0x0  }
0xe9: {  	s15 =	simm.s32 $0x580;
	s9 =	sadd.s32 $0x1400, s14;
	[sflag:s24] =	ssyncadd.s32 $0xFFFFE000  }
0xea: {  	[spmem:s3] =	stream.indirect.scatter.add.f32 [tilespmem:s25], [sflag:$0x6], $0x40, s9, s21, $0xb8;
	[tilespmem:$0x1E400] =	vst v63  }
0xeb: {  	s0 =	sadd.s32 @p0 $0xFFFFFF80, s0;
	s9 =	smov.u32 s12;
	_ =	swait.ge [sflag:s26], $0x2000  }
0xec: {  	s18 =	simm.s32 $0x1;
	s9 =	smov.u32 @p0 s0;
	[sflag:s26] =	ssyncset.done $0x0  }
0xed: {  	s31 =	sor.u32 s7, s18;
	s0 =	sadd.s32 $0x1400, s9;
	[sflag:s26] =	ssyncadd.s32 $0xFFFFE000  }
0xee: {  	[spmem:s3] =	stream.indirect.scatter.add.f32 [tilespmem:s28], [sflag:$0x7], $0x40, s0, s21, $0xb8;
	[tilespmem:$0x1E400] =	vst v63  }
0xef: {  	s30 =	sadd.s32 $0x1400, s20;
	s14 =	simm.s32 $0x380;
	_ =	swait.ge [sflag:s29], $0x2000  }
0xf0: {  	p0 =	sne.s32 s31, $0x0;
	s9 =	sadd.s32 $0x200, s12;
	[sflag:s29] =	ssyncset.done $0x0  }
.LBB2_7:
0xf1: {  	s0 =	simm.s32 @p0 $0x5  }
0xf2: {  	[sflag:s29] =	ssyncadd.s32 $0xFFFFE000;
	s20 =	smov.u32 s15;
	s15 =	sadd.s32 $0x200, s15  }
0xf3: {  	[spmem:s3] =	stream.indirect.scatter.add.f32 [tilespmem:s22], [sflag:$0x8], $0x40, s30, s21, $0xb8;
	[tilespmem:$0x1E400] =	vst v63  }
0xf4: {  	p1 =	sne.s32 s15, $0xB80;
	_ =	swait.ge @p0 [sflag:s0], $0x2000  }
0xf5: {  	s31 =	simm.s32 @p0 $0x6;
	s30 =	simm.s32 @p0 $0x2800;
	[sflag:s0] =	ssyncset.done @p0 $0x0  }
0xf6: {  	s17 =	simm.s32 @p0 $0x80;
	[sflag:s0] =	ssyncadd.s32 @p0 $0xFFFFE000;
	s0 =	sadd.s32 @p0 $0xFFFFFF00, s9  }
0xf7: {  	[tilespmem:s30], [sflag:$0x1] =	stream.indirect.gather @p0 [spmem:s1], $0x40, s0, s17, $0xb8;
	[tilespmem:$0x1E400] =	vst v63  }
0xf8: {  	_ =	swait.ge @p0 [sflag:s31], $0x2000  }
0xf9: {  	s0 =	simm.s32 @p0 $0x7;
	[sflag:s31] =	ssyncset.done @p0 $0x0  }
0xfa: {  	s30 =	sadd.s32 @p0 $0xFFFFFF80, s9;
	[sflag:s31] =	ssyncadd.s32 @p0 $0xFFFFE000;
	s31 =	simm.s32 @p0 $0x4800  }
0xfb: {  	[tilespmem:s31], [sflag:$0x2] =	stream.indirect.gather @p0 [spmem:s1], $0x40, s30, s17, $0xb8;
	[tilespmem:$0x1E400] =	vst v63  }
0xfc: {  	_ =	swait.ge @p0 [sflag:s0], $0x2000  }
0xfd: {  	[sflag:s0] =	ssyncset.done @p0 $0x0  }
0xfe: {  	s30 =	simm.s32 @p0 $0x8;
	[sflag:s0] =	ssyncadd.s32 @p0 $0xFFFFE000;
	s0 =	simm.s32 @p0 $0x6800  }
0xff: {  	[tilespmem:s0], [sflag:$0x3] =	stream.indirect.gather @p0 [spmem:s1], $0x40, s9, s17, $0xb8;
	[tilespmem:$0x1E400] =	vst v63  }
0x100: {  	_ =	swait.ge @p0 [sflag:s30], $0x2000  }
0x101: {  	[sflag:s30] =	ssyncset.done @p0 $0x0  }
0x102: {  	s0 =	simm.s32 @!p0 $0x80;
	s17 =	simm.s32 @!p0 $0x2800;
	[sflag:s30] =	ssyncadd.s32 @p0 $0xFFFFE000  }
0x103: {  	[tilespmem:s17], [sflag:$0x1] =	stream.indirect.gather @!p0 [spmem:s1], $0x40, s11, s0, $0xb8;
	[tilespmem:$0x1E400] =	vst v63  }
0x104: {  	s30 =	smov.u32 s14;
	s17 =	simm.s32 @!p0 $0x4800  }
0x105: {  	[tilespmem:s17], [sflag:$0x2] =	stream.indirect.gather @!p0 [spmem:s1], $0x40, s13, s0, $0xb8;
	[tilespmem:$0x1E400] =	vst v63  }
0x106: {  	s30 =	simm.s32 @!p0 $0x180;
	s17 =	simm.s32 @!p0 $0x6800  }
0x107: {  	[tilespmem:s17], [sflag:$0x3] =	stream.indirect.gather @!p0 [spmem:s1], $0x40, s12, s0, $0xb8;
	[tilespmem:$0x1E400] =	vst v63  }
0x108: {  	s31 =	smov.u32 s11;
	s0 =	sadd.s32 @p0 s14, s11  }
0x109: {  	s17 =	sadd.s32 s11, s30;
	s14 =	smov.u32 s20;
	s20 =	sadd.s32 @p0 $0xFFFFFE80, s0  }
0x10a: {  	[tilespmem:s22], [sflag:$0x4] =	stream.indirect.gather [spmem:s1], $0x40, s17, s21, $0xb8;
	[tilespmem:$0x1E400] =	vst v63  }
0x10b: {  	s30 =	sadd.s32 @p0 $0xFFFFFF00, s0;
	s0 =	sadd.s32 @p0 $0xFFFFFF80, s0;
	_ =	swait.ge [sflag:s16], $0x2000  }
0x10c: {  	s31 =	smov.u32 @p0 s20;
	s20 =	smov.u32 s13;
	[sflag:s16] =	ssyncset.done $0x0  }
0x10d: {  	s20 =	smov.u32 @p0 s30;
	s30 =	sadd.s32 $0x1400, s31;
	[sflag:s16] =	ssyncadd.s32 $0xFFFFE000  }
0x10e: {  	[spmem:s3] =	stream.indirect.scatter.add.f32 [tilespmem:s23], [sflag:$0x5], $0x40, s30, s21, $0xb8;
	[tilespmem:$0x1E400] =	vst v63  }
0x10f: {  	s30 =	smov.u32 s12  }
0x110: {  	s30 =	smov.u32 @p0 s0;
	_ =	swait.ge [sflag:s24], $0x2000  }
0x111: {  	[sflag:s24] =	ssyncset.done $0x0  }
0x112: {  	s0 =	sadd.s32 $0x1400, s20;
	[sflag:s24] =	ssyncadd.s32 $0xFFFFE000  }
0x113: {  	[spmem:s3] =	stream.indirect.scatter.add.f32 [tilespmem:s25], [sflag:$0x6], $0x40, s0, s21, $0xb8;
	[tilespmem:$0x1E400] =	vst v63  }
0x114: {  	_ =	swait.ge [sflag:s26], $0x2000  }
.Ltmp2:
0x115: {  	[sflag:s26] =	ssyncset.done $0x0;
	(pc) =	sbr.rel @p1 .LBB2_7-.Ltmp2, $4  }
0x116: {  	s18 =	sadd.s32 $0x1, s18;
	s0 =	sadd.s32 $0x1400, s30;
	[sflag:s26] =	ssyncadd.s32 $0xFFFFE000  }
0x117: {  	[spmem:s3] =	stream.indirect.scatter.add.f32 [tilespmem:s28], [sflag:$0x7], $0x40, s0, s21, $0xb8;
	[tilespmem:$0x1E400] =	vst v63  }
0x118: {  	s9 =	sadd.s32 $0x200, s9;
	s0 =	sor.u32 s7, s18;
	_ =	swait.ge [sflag:s29], $0x2000  }
0x119: {  	s30 =	sadd.s32 $0x1400, s17;
	p0 =	sne.s32 s0, $0x0;
	[sflag:s29] =	ssyncset.done $0x0  }
0x11a: {  	s0 =	simm.s32 @p0 $0x5;
	[sflag:s29] =	ssyncadd.s32 $0xFFFFE000  }
0x11b: {  	[spmem:s3] =	stream.indirect.scatter.add.f32 [tilespmem:s22], [sflag:$0x8], $0x40, s30, s21, $0xb8;
	[tilespmem:$0x1E400] =	vst v63  }
0x11c: {  	_ =	swait.ge @p0 [sflag:s0], $0x2000  }
0x11d: {  	s15 =	simm.s32 @p0 $0x2800;
	s17 =	simm.s32 @p0 $0x6;
	[sflag:s0] =	ssyncset.done @p0 $0x0  }
0x11e: {  	s18 =	simm.s32 @p0 $0x80;
	[sflag:s0] =	ssyncadd.s32 @p0 $0xFFFFE000;
	s0 =	sadd.s32 @p0 $0xFFFFFF00, s9  }
0x11f: {  	[tilespmem:s15], [sflag:$0x1] =	stream.indirect.gather @p0 [spmem:s1], $0x40, s0, s18, $0xb8;
	[tilespmem:$0x1E400] =	vst v63  }
0x120: {  	_ =	swait.ge @p0 [sflag:s17], $0x2000  }
0x121: {  	s0 =	simm.s32 @p0 $0x7;
	[sflag:s17] =	ssyncset.done @p0 $0x0  }
0x122: {  	s15 =	sadd.s32 @p0 $0xFFFFFF80, s9;
	[sflag:s17] =	ssyncadd.s32 @p0 $0xFFFFE000;
	s17 =	simm.s32 @p0 $0x4800  }
0x123: {  	[tilespmem:s17], [sflag:$0x2] =	stream.indirect.gather @p0 [spmem:s1], $0x40, s15, s18, $0xb8;
	[tilespmem:$0x1E400] =	vst v63  }
0x124: {  	_ =	swait.ge @p0 [sflag:s0], $0x2000  }
0x125: {  	[sflag:s0] =	ssyncset.done @p0 $0x0  }
0x126: {  	s15 =	simm.s32 @p0 $0x8;
	[sflag:s0] =	ssyncadd.s32 @p0 $0xFFFFE000;
	s0 =	simm.s32 @p0 $0x6800  }
0x127: {  	[tilespmem:s0], [sflag:$0x3] =	stream.indirect.gather @p0 [spmem:s1], $0x40, s9, s18, $0xb8;
	[tilespmem:$0x1E400] =	vst v63  }
0x128: {  	_ =	swait.ge @p0 [sflag:s15], $0x2000  }
0x129: {  	[sflag:s15] =	ssyncset.done @p0 $0x0  }
0x12a: {  	s0 =	simm.s32 @!p0 $0x80;
	s9 =	simm.s32 @!p0 $0x2800;
	[sflag:s15] =	ssyncadd.s32 @p0 $0xFFFFE000  }
0x12b: {  	[tilespmem:s9], [sflag:$0x1] =	stream.indirect.gather @!p0 [spmem:s1], $0x40, s11, s0, $0xb8;
	[tilespmem:$0x1E400] =	vst v63  }
0x12c: {  	s9 =	simm.s32 @!p0 $0x4800  }
0x12d: {  	[tilespmem:s9], [sflag:$0x2] =	stream.indirect.gather @!p0 [spmem:s1], $0x40, s13, s0, $0xb8;
	[tilespmem:$0x1E400] =	vst v63  }
0x12e: {  	s9 =	simm.s32 @!p0 $0x6800  }
0x12f: {  	[tilespmem:s9], [sflag:$0x3] =	stream.indirect.gather @!p0 [spmem:s1], $0x40, s12, s0, $0xb8;
	[tilespmem:$0x1E400] =	vst v63  }
0x130: {  	s0 =	sadd.s32 @p0 s14, s11;
	s14 =	simm.s32 @!p0 $0x180  }
0x131: {  	s30 =	sadd.s32 s11, s14  }
0x132: {  	[tilespmem:s22], [sflag:$0x4] =	stream.indirect.gather [spmem:s1], $0x40, s30, s21, $0xb8;
	[tilespmem:$0x1E400] =	vst v63  }
0x133: {  	s14 =	sadd.s32 @p0 $0xFFFFFE80, s0;
	_ =	swait.ge [sflag:s16], $0x2000  }
0x134: {  	s11 =	smov.u32 @p0 s14;
	[sflag:s16] =	ssyncset.done $0x0  }
0x135: {  	s11 =	sadd.s32 $0x1400, s11;
	[sflag:s16] =	ssyncadd.s32 $0xFFFFE000  }
0x136: {  	[spmem:s3] =	stream.indirect.scatter.add.f32 [tilespmem:s23], [sflag:$0x5], $0x40, s11, s21, $0xb8;
	[tilespmem:$0x1E400] =	vst v63  }
0x137: {  	s11 =	sadd.s32 @p0 $0xFFFFFF00, s0;
	_ =	swait.ge [sflag:s24], $0x2000  }
0x138: {  	s13 =	smov.u32 @p0 s11;
	[sflag:s24] =	ssyncset.done $0x0  }
0x139: {  	s11 =	sadd.s32 $0x1400, s13;
	[sflag:s24] =	ssyncadd.s32 $0xFFFFE000  }
0x13a: {  	[spmem:s3] =	stream.indirect.scatter.add.f32 [tilespmem:s25], [sflag:$0x6], $0x40, s11, s21, $0xb8;
	[tilespmem:$0x1E400] =	vst v63  }
0x13b: {  	s0 =	sadd.s32 @p0 $0xFFFFFF80, s0;
	_ =	swait.ge [sflag:s26], $0x2000  }
0x13c: {  	s7 =	sadd.s32 $0x1, s7;
	s12 =	smov.u32 @p0 s0;
	[sflag:s26] =	ssyncset.done $0x0  }
0x13d: {  	p0 =	sne.s32 s7, $0x4;
	s0 =	sadd.s32 $0x1400, s12;
	[sflag:s26] =	ssyncadd.s32 $0xFFFFE000  }
0x13e: {  	[spmem:s3] =	stream.indirect.scatter.add.f32 [tilespmem:s28], [sflag:$0x7], $0x40, s0, s21, $0xb8;
	[tilespmem:$0x1E400] =	vst v63  }
.Ltmp3:
0x13f: {  	_ = 	snop;
	(pc) =	sbr.rel @p0 .LBB2_6-.Ltmp3, $4  }
0x140: {  	_ =	swait.ge [sflag:s29], $0x2000  }
0x141: {  	[sflag:s29] =	ssyncset.done $0x0  }
0x142: {  	s31 =	sadd.s32 $0x1400, s30;
	[sflag:s29] =	ssyncadd.s32 $0xFFFFE000  }
0x143: {  	[spmem:s3] =	stream.indirect.scatter.add.f32 [tilespmem:s22], [sflag:$0x8], $0x40, s31, s21, $0xb8;
	[tilespmem:$0x1E400] =	vst v63  }
0x144: {  	s0 =	simm.s32 $0x5  }
0x145: {  	_ =	swait.ge [sflag:s0], $0x2000  }
0x146: {  	[sflag:s0] =	ssyncset.done $0x0  }
0x147: {  	s18 =	simm.s32 $0x6;
	[sflag:s0] =	ssyncadd.s32 $0xFFFFE000  }
0x148: {  	_ =	swait.ge [sflag:s18], $0x2000  }
0x149: {  	[sflag:s18] =	ssyncset.done $0x0  }
0x14a: {  	s20 =	simm.s32 $0x7;
	[sflag:s18] =	ssyncadd.s32 $0xFFFFE000  }
0x14b: {  	_ =	swait.ge [sflag:s20], $0x2000  }
0x14c: {  	[sflag:s20] =	ssyncset.done $0x0  }
0x14d: {  	s9 =	simm.s32 $0x8;
	[sflag:s20] =	ssyncadd.s32 $0xFFFFE000  }
0x14e: {  	_ =	swait.ge [sflag:s9], $0x2000  }
0x14f: {  	[sflag:s9] =	ssyncset.done $0x0  }
0x150: {  	[sflag:s9] =	ssyncadd.s32 $0xFFFFE000  }
0x151: {  	[bflag:$0x0] =	sbarrier.arrive $0xFFFF  }
0x152: {  	s30 =	rddreg [dreg:$0x8]  }
0x153: {  	s11 =	simm.s32 $0x10;
	s7 =	rddreg [dreg:$0xb]  }
0x154: {  	[hbm:s30@s11], [sflag:s8] =	dma.strided [spmem:s7@s9], $0x13C0, s16, $0x8   }
0x155: {  	_ =	swait.ge [sflag:s19], $0x13C0  }
0x156: {  	s4 =	sadd.s32 $0x1, s4;
	s31 =	rddreg [dreg:$0x9]  }
0x157: {  	p0 =	sne.s32 s4, s31  }
.Ltmp4:
0x158: {  	_ = 	snop;
	(pc) =	sbr.rel @p0 .LBB2_1-.Ltmp4, $3  }
0x159: {  	_ =	sdelay $0x1  }
0x15a: {  	[sflag:s19] =	ssyncset.done $0x0  }
0x15b: {  	s17 =	rddreg [dreg:$0x5];
	[sflag:s19] =	ssyncadd.s32 $0xFFFFEC40  }
0x15c: {  	_ =	sfence.sel $0x180000  }
0x15d: {  	[bflag:$0x0] =	sbarrier.arrive $0xFFFF  }
0x15e: {  	_ =	strace $0x9000004A  }
0x15f: {  	s0 =	stileid.u32;
	[bflag:$0x2] =	sbarrier.arrive $0xFFFF  }
0x160: {  	p0 =	sne.s32 s0, $0x0;
	s0 =	rddreg [dreg:$0x3]  }
0x161: {  	s0 =	sadd.s32 @!p0 $0x100000, s0  }
0x162: {  	[sflag:s0] =	ssyncadd.tile.s32 @!p0 $0x1;
	_ =	shalt  }
.Lfunc_end2:
_tile_overlayer_lowered:
.L_overlay_start_2:
0x163: {  	(tag) =	ssettag $0x2  }
0x164: {  	s0 =	rddreg [dreg:$0x0];
	s2 =	stileid.u32  }
0x165: {  	s1 =	rddreg [dreg:$0x1];
	p0 =	sne.s32 s2, $0x0  }
0x166: {  	s3 =	rddreg [dreg:$0x2];
	[bflag:$0x3] =	sbarrier.arrive $0xFFFF;
	s2 =	simm.s32 @!p0 $0x1C09  }
0x167: {  	[timem:s3], [sflag:s2] =	dma.local @!p0 [hbm:s0], s1  }
0x168: {  	s0 =	simm.s32 @!p0 $0x9  }
0x169: {  	_ =	swait.ge @!p0 [sflag:s0], s1  }
0x16a: {  	s1 =	ssub.s32 @!p0 $0x0, s1;
	[sflag:s0] =	ssyncset.done @!p0 $0x0  }
0x16b: {  	[sflag:s0] =	ssyncadd.s32 @!p0 s1  }
0x16c: {  	[bflag:$0x3] =	sbarrier.arrive $0xFFFF  }
0x16d: {  	_ =	shalt  }

// kernel: kernel.15.cloned.1.call-start
scs
__scs_entry_jumppad:
0x0: {  	(pc) =	sbr.rel $0x88, $3  }
0x1: {  	(tag) =	ssettag $0x0;
	lr =	simm.s32 $0x1  }
0x2: {  	[smem:$0x3F9B] =	sst lr;
	_ =	strace $0xD0000000  }
0x3: {  	_ = 	snop  }
0x4: {  	_ = 	snop  }
0x5: {  	_ = 	snop  }
0x6: {  	_ = 	snop  }
0x7: {  	_ = 	snop  }
__scs_overlays_trampoline_lowered:
0x8: {  	[smem:$0x3FAA] =	sst s0  }
0x9: {  	[smem:$0x3FAB] =	sst s1  }
0xa: {  	[smem:$0x3FAC] =	sst s2  }
0xb: {  	[smem:$0x3FAD] =	sst s3  }
0xc: {  	[smem:$0x3FAE] =	sst s4  }
0xd: {  	[smem:$0x3FAF] =	sst s5  }
0xe: {  	[smem:$0x3FB0] =	sst s6  }
0xf: {  	[smem:$0x3FB1] =	sst s7  }
0x10: {  	[smem:$0x3FB2] =	sst s8  }
0x11: {  	[smem:$0x3FB3] =	sst s9;
	s0 =	simm.s32 @!p0 $0x0  }
0x12: {  	s1 =	sld [smem:$0x3F99];
	s0 =	simm.s32 @p0 $0x1  }
0x13: {  	[smem:$0x3FB4] =	sst s0;
	s0 =	simm.s32 @!p1 $0x0  }
0x14: {  	s2 =	sld [smem:$0x3F98];
	s0 =	simm.s32 @p1 $0x1  }
0x15: {  	[smem:$0x3FB5] =	sst s0;
	s0 =	simm.s32 @!p2 $0x0  }
0x16: {  	s3 =	sld [smem:$0x3FDB];
	s0 =	simm.s32 @p2 $0x1  }
0x17: {  	s4 =	simm.s32 $0x1BF5;
	[smem:$0x3FB7] =	sst s0  }
0x18: {  	s0 =	sld [smem:$0x3F9A];
	_ =	swait.ge [sflag:s4], $0x0  }
0x19: {  	s7 =	sld [smem:$0x3F9B]  }
0x1a: {  	s8 =	sadd.s32 $0xFFFFE003, lr  }
0x1b: {  	s9 =	sadd.s32 $0xFFFFFEF7, lr;
	s5 =	simm.s32 $0xFFFFFFFF;
	p2 =	slt.u32 s8, $0xFFFFF086  }
0x1c: {  	p1 =	slt.u32 s9, $0xF7A;
	s5 =	simm.s32 @!p2 $0x0  }
0x1d: {  	s5 =	simm.s32 @p1 $0x1;
	p0 =	seq.s32 s7, s2  }
0x1e: {  	s7 =	smul.u32 @!p0 $0xF7A, s2;
	p2 =	seq.s32 @!p0 s5, $0x0  }
0x1f: {  	s9 =	smul.u32 $0xF7A, s1;
	s8 =	simm.s32 @!p0 $0x1BF5;
	p2 =	por !p2, p0  }
0x20: {  	[sflag:s8] =	ssyncset.s32 @!p0 $0xFFFFF086;
	s6 =	sadd.s32 @!p0 s3, s7;
	s7 =	simm.s32 @!p0 $0x108  }
0x21: {  	s3 =	sadd.s32 s3, s9;
	s6 =	sadd.s32 @!p0 $0x88, s6;
	s7 =	simm.s32 @p2 $0x1082  }
0x22: {  	[simem:s7], [sflag:s8] =	dma.local @!p0 [hbm:s6], $0xF7A  }
0x23: {  	s9 =	sor.u32 $0xD0000000, s2;
	s6 =	simm.s32 $0x108;
	_ =	swait.ge @!p0 [sflag:s8], $0x0  }
0x24: {  	s3 =	sadd.s32 $0x88, s3;
	s6 =	simm.s32 @!p1 $0x1082;
	[sflag:s4] =	ssyncset.s32 $0xFFFFF086  }
0x25: {  	[simem:s6], [sflag:s4] =	dma.local [hbm:s3], $0xF7A  }
0x26: {  	[smem:$0x3F9B] =	sst s1;
	(tag) =	ssettag s2;
	_ =	strace s9  }
0x27: {  	s1 =	sld [smem:$0x3FAB]  }
0x28: {  	s2 =	sld [smem:$0x3FAC]  }
0x29: {  	s4 =	sld [smem:$0x3FAE]  }
0x2a: {  	p0 =	seq.s32 s5, $0x0;
	s5 =	sld [smem:$0x3FAF]  }
0x2b: {  	s6 =	sld [smem:$0x3FB0]  }
0x2c: {  	s7 =	sld [smem:$0x3FB1]  }
0x2d: {  	s3 =	simm.s32 $0x108;
	s8 =	sld [smem:$0x3FB2]  }
0x2e: {  	s3 =	simm.s32 @!p0 $0x1082;
	s9 =	sld [smem:$0x3FB3]  }
0x2f: {  	lr =	sadd.s32 s0, s3;
	s0 =	sld [smem:$0x3FAA]  }
0x30: {  	s3 =	sld [smem:$0x3FAD]  }
0x31: {  	[smem:$0x3FB6] =	sst s10  }
0x32: {  	s10 =	sld [smem:$0x3FB4];
	_ =	sdelay $0x3  }
0x33: {  	p0 =	seq.s32 s10, $0x1;
	s10 =	sld [smem:$0x3FB6];
	_ =	sdelay $0x3  }
0x34: {  	[smem:$0x3FB6] =	sst s10  }
0x35: {  	s10 =	sld [smem:$0x3FB5];
	_ =	sdelay $0x3  }
0x36: {  	p1 =	seq.s32 s10, $0x1;
	s10 =	sld [smem:$0x3FB6];
	_ =	sdelay $0x3  }
0x37: {  	[smem:$0x3FB6] =	sst s10  }
0x38: {  	s10 =	sld [smem:$0x3FB7]  }
0x39: {  	_ = 	snop;
	(pc) =	sbr.ind lr, $3  }
0x3a: {  	_ = 	snop  }
0x3b: {  	_ = 	snop  }
0x3c: {  	p2 =	seq.s32 s10, $0x1;
	s10 =	sld [smem:$0x3FB6]  }
0x3d: {  	_ =	shalt  }
0x3e: {  	_ =	shalt  }
0x3f: {  	_ =	shalt  }
0x40: {  	_ =	shalt  }
0x41: {  	_ =	shalt  }
0x42: {  	_ =	shalt  }
0x43: {  	_ =	shalt  }
0x44: {  	_ =	shalt  }
0x45: {  	_ =	shalt  }
0x46: {  	_ =	shalt  }
0x47: {  	_ =	shalt  }
0x48: {  	_ =	shalt  }
0x49: {  	_ =	shalt  }
0x4a: {  	_ =	shalt  }
0x4b: {  	_ =	shalt  }
0x4c: {  	_ =	shalt  }
0x4d: {  	_ =	shalt  }
0x4e: {  	_ =	shalt  }
0x4f: {  	_ =	shalt  }
0x50: {  	_ =	shalt  }
0x51: {  	_ =	shalt  }
0x52: {  	_ =	shalt  }
0x53: {  	_ =	shalt  }
0x54: {  	_ =	shalt  }
0x55: {  	_ =	shalt  }
0x56: {  	_ =	shalt  }
0x57: {  	_ =	shalt  }
0x58: {  	_ =	shalt  }
0x59: {  	_ =	shalt  }
0x5a: {  	_ =	shalt  }
0x5b: {  	_ =	shalt  }
0x5c: {  	_ =	shalt  }
0x5d: {  	_ =	shalt  }
0x5e: {  	_ =	shalt  }
0x5f: {  	_ =	shalt  }
0x60: {  	_ =	shalt  }
0x61: {  	_ =	shalt  }
0x62: {  	_ =	shalt  }
0x63: {  	_ =	shalt  }
0x64: {  	_ =	shalt  }
0x65: {  	_ =	shalt  }
0x66: {  	_ =	shalt  }
0x67: {  	_ =	shalt  }
0x68: {  	_ =	shalt  }
0x69: {  	_ =	shalt  }
0x6a: {  	_ =	shalt  }
0x6b: {  	_ =	shalt  }
0x6c: {  	_ =	shalt  }
0x6d: {  	_ =	shalt  }
0x6e: {  	_ =	shalt  }
0x6f: {  	_ =	shalt  }
0x70: {  	_ =	shalt  }
0x71: {  	_ =	shalt  }
0x72: {  	_ =	shalt  }
0x73: {  	_ =	shalt  }
0x74: {  	_ =	shalt  }
0x75: {  	_ =	shalt  }
0x76: {  	_ =	shalt  }
0x77: {  	_ =	shalt  }
0x78: {  	_ =	shalt  }
0x79: {  	_ =	shalt  }
0x7a: {  	_ =	shalt  }
0x7b: {  	_ =	shalt  }
0x7c: {  	_ =	shalt  }
0x7d: {  	_ =	shalt  }
0x7e: {  	_ =	shalt  }
0x7f: {  	_ =	shalt  }
0x80: {  	_ =	shalt  }
0x81: {  	_ =	shalt  }
0x82: {  	_ =	shalt  }
0x83: {  	_ =	shalt  }
0x84: {  	_ =	shalt  }
0x85: {  	_ =	shalt  }
0x86: {  	_ =	shalt  }
0x87: {  	_ =	shalt  }
.Lfunc_end0:
.L_simem_size_0:
called_computation.2_lowered:
.L_overlay_start_0:
0x88: {  	s2 =	sld [smem:$0x3FD9]  }
0x89: {  	s3 =	sld [smem:$0x3FFE];
	_ =	sdelay $0x1  }
0x8a: {  	s1 =	srdreg.scid  }
0x8b: {  	s0 =	sand.u32 $0x1, s1  }
0x8c: {  	s16 =	sshll.u32 s0, $0xA;
	s2 =	sadd.s32 s3, s2  }
0x8d: {  	s2 =	sadd.s32 s2, s16  }
0x8e: {  	[smem:$0x3FC2] =	sst s2  }
0x8f: {  	_ = 	snop  }
0x90: {  	(tm) =	ssettm $0x1  }
0x91: {  	s17 =	sld [smem:$0x3FFB];
	_ =	sdelay $0x3  }
0x92: {  	_ =	strace s17  }
0x93: {  	s2 =	sld [smem:$0x3FFC];
	_ =	sdelay $0x3  }
0x94: {  	_ =	strace s2  }
0x95: {  	s2 =	sld [smem:$0x3FFD];
	_ =	sdelay $0x3  }
0x96: {  	_ =	strace s2  }
0x97: {  	_ =	strace $0x8FFFFFFF  }
0x98: {  	s18 =	sld [smem:$0x3FDB];
	_ =	sdelay $0x1  }
0x99: {  	s19 =	simm.s32 $_scs_section_size  }
0x9a: {  	s4 =	simm.s32 $_size__tile_overlayer_lowered;
	s5 =	simm.s32 $_tile_overlayer_lowered  }
0x9b: {  	s22 =	simm.s32 $0x1BFF;
	s21 =	sshll.u32 s5, $0x1;
	s2 =	sadd.s32 s19, s18  }
0x9c: {  	s6 =	simm.s32 $0x0;
	s20 =	sshll.u32 s4, $0x1;
	s4 =	sadd.s32 s21, s2  }
0x9d: {  	[timem:s6], [sflag:s22] =	dma.local [hbm:s4], s20  }
0x9e: {  	_ =	swait.ge [sflag:s22], s20  }
0x9f: {  	s3 =	ssub.s32 $0x0, s20;
	[sflag:s22] =	ssyncset.done $0x0  }
0xa0: {  	[sflag:s22] =	ssyncadd.s32 s3;
	_ =	sdelay $0x1  }
0xa1: {  	s23 =	simm.s32 $0x1B8B  }
0xa2: {  	_ =	swait.ge [sflag:s23], $0x1  }
0xa3: {  	[sflag:s23] =	ssyncset.done $0x0  }
0xa4: {  	s25 =	simm.s32 $0x1B8E;
	s24 =	sld [smem:$0x3FFE];
	[sflag:s23] =	ssyncadd.s32 $0xFFFFFFFF  }
0xa5: {  	s26 =	simm.s32 $execute0_lowered;
	[smem:$0x3FD2] =	sst s25  }
0xa6: {  	s4 =	sshll.u32 s26, $0x1;
	_ =	strace $0x8000004C;
	[dreg:$0x1] =	wrdreg $0xFFFFFFFF  }
0xa7: {  	s28 =	simm.s32 $_size_execute0_lowered;
	s2 =	sadd.s32 s2, s4;
	[dreg:$0x0] =	wrdreg $0x0  }
0xa8: {  	s4 =	sshll.u32 s28, $0x1;
	[dreg:$0x2] =	wrdreg s2  }
0xa9: {  	[dreg:$0x3] =	wrdreg s4  }
0xaa: {  	[dreg:$0x4] =	wrdreg $0xC0  }
0xab: {  	_ =	task [dreg:s6], $0x5FFFF  }
0xac: {  	[dreg:$0x1] =	wrdreg $0xFFFFFFFF  }
0xad: {  	[dreg:$0x0] =	wrdreg $0x60  }
0xae: {  	[dreg:$0x2] =	wrdreg s24  }
0xaf: {  	[dreg:$0x3] =	wrdreg $0x48000  }
0xb0: {  	[dreg:$0x4] =	wrdreg $0x6F800  }
0xb1: {  	[dreg:$0x5] =	wrdreg $0x9  }
0xb2: {  	_ =	task.clear_ibuf [dreg:s6], $0x6FFFF;
	_ =	strace $0x9000004C  }
0xb3: {  	s29 =	simm.s32 $0x9;
	_ =	strace $0x8000004E  }
0xb4: {  	_ =	swait.ge [sflag:s29], $0x1  }
0xb5: {  	[sflag:s29] =	ssyncadd.s32 $0xFFFFFFFF  }
0xb6: {  	_ =	strace $0x9000004E  }
0xb7: {  	_ =	sfence  }
0xb8: {  	s30 =	sld [smem:$0x0];
	_ =	sdelay $0x2  }
0xb9: {  	s31 =	sshll.u32 s1, $0xD;
	s1 =	sshrl.u32 s1, $0x2  }
0xba: {  	s3 =	sand.u32 $0x4000, s31;
	s1 =	sadd.s32 s1, s30  }
0xbb: {  	s0 =	sor.u32 s3, s0;
	s1 =	sshll.u32 s1, $0x11  }
0xbc: {  	s0 =	sor.u32 s1, s0  }
0xbd: {  	s0 =	sadd.s32 $0x8F2B, s0  }
0xbe: {  	[sflag:s0] =	ssyncadd.remote.s32 $0x1  }
0xbf: {  	_ =	sfence.sel $0xFFFF  }
0xc0: {  	[dreg:$0x0] =	wrdreg $0xFFFFFFFF;
	(pc) =	sbr.abs _section_cstart, $3  }
0xc1: {  	[dreg:$0x1] =	wrdreg $0xFFFFFFFF  }
0xc2: {  	_ =	task.clear_ibuf [dreg:s6], $0x2FFFF;
	_ =	strace $0x9FFFFFFF  }
0xc3: {  	(tm) =	ssettm $0x7FFFFFFF  }
tec
execute0_lowered:
.L_overlay_start_1:
0x0: {  	(tag) =	ssettag $0x1  }
0x1: {  	s0 =	rddreg [dreg:$0x0];
	s1 =	srdreg.scid  }
0x2: {  	s11 =	stileid.u32;
	s2 =	rddreg [dreg:$0x1]  }
0x3: {  	s3 =	rddreg [dreg:$0x2];
	s4 =	simm.s32 $0x0;
	s13 =	simm.s32 $0x9  }
0x4: {  	s15 =	simm.s32 $0x1400;
	s16 =	simm.s32 $0x80;
	s17 =	simm.s32 $0x2800  }
0x5: {  	s18 =	simm.s32 $0x3000;
	s20 =	simm.s32 $0x3800;
	s22 =	simm.s32 $0x4000  }
0x6: {  	s23 =	simm.s32 $0x1;
	s24 =	simm.s32 $0x2;
	s29 =	simm.s32 $0x4  }
0x7: {  	s31 =	simm.s32 $0x5;
	s19 =	simm.s32 $0x8;
	s5 =	smul.u32 $0x2800, s11  }
0x8: {  	s21 =	simm.s32 $0x0;
	s1 =	sand.u32 $0x1, s1;
	s7 =	smul.u32 $0x2780, s11  }
0x9: {  	[smem:$0x7FF] =	sst s4;
	s30 =	sshll.u32 s11, $0x6;
	s6 =	smul.u32 $0x1400, s1  }
0xa: {  	s25 =	smul.u32 $0x27800, s1;
	_ =	strace $0x8000004D;
	s1 =	ssub.s32 $0x2, s1  }
0xb: {  	s28 =	sshrl.u32 s7, $0x3;
	s8 =	sshrl.u32 s1, $0x1;
	s12 =	sadd.s32 s7, s2  }
0xc: {  	s14 =	sadd.s32 s7, s3;
	s5 =	sadd.s32 s6, s5;
	s26 =	sadd.s32 s7, s25  }
0xd: {  	s10 =	sadd.s32 s28, s0;
	s1 =	ssub.s32 s1, s8;
	s6 =	sor.u32 $0x1C09, s30  }
0xe: {  	s12 =	sshrl.u32 s12, $0x3;
	s14 =	sshrl.u32 s14, $0x3;
	s5 =	sshrl.u32 s5, $0x3  }
0xf: {  	s7 =	sadd.s32 $0xBC00, s10;
	s11 =	smax.u32 s1, $0x1;
	s1 =	simm.s32 $0x6  }
0x10: {  	s9 =	sadd.s32 s5, s0;
	s5 =	sshrl.u32 s26, $0x3;
	s26 =	simm.s32 $0x3  }
0x11: {  	s0 =	sadd.s32 s5, s0;
	s5 =	sadd.s32 $0x10C00, s10;
	s8 =	sadd.s32 $0x1C00, s9  }
0x12: {  	s9 =	sadd.s32 $0x6C00, s9;
	s10 =	sadd.s32 $0x15C00, s0;
	s0 =	simm.s32 $0x7  }
.LBB2_1:
0x13: {  	[spmem:s12], [sflag:s6] =	dma.local [hbm:s5], $0x4F0  }
0x14: {  	_ =	swait.ge [sflag:s13], $0x4F0  }
0x15: {  	[sflag:s13] =	ssyncset.done $0x0  }
0x16: {  	[sflag:s13] =	ssyncadd.s32 $0xFFFFFB10  }
0x17: {  	[spmem:s14], [sflag:s6] =	dma.local [hbm:s7], $0x4F0  }
0x18: {  	_ =	swait.ge [sflag:s13], $0x4F0  }
0x19: {  	[sflag:s13] =	ssyncset.done $0x0  }
0x1a: {  	[sflag:s13] =	ssyncadd.s32 $0xFFFFFB10  }
0x1b: {  	[tilespmem:s4], [sflag:$0x9] =	stream.linear.gather [hbm4b:s8+s4], $0x1400, $0x38;
	[tilespmem:$0x9700] =	vst v63  }
0x1c: {  	_ =	swait.ge [sflag:s13], $0x1400  }
0x1d: {  	[sflag:s13] =	ssyncset.done $0x0  }
0x1e: {  	[sflag:s13] =	ssyncadd.s32 $0xFFFFEC00  }
0x1f: {  	[tilespmem:s15], [sflag:$0x9] =	stream.linear.gather [hbm4b:s9+s4], $0x1400, $0x38;
	[tilespmem:$0x9700] =	vst v63  }
0x20: {  	_ =	swait.ge [sflag:s13], $0x1400  }
0x21: {  	[sflag:s13] =	ssyncset.done $0x0  }
0x22: {  	[sflag:s13] =	ssyncadd.s32 $0xFFFFEC00  }
0x23: {  	[bflag:$0x0] =	sbarrier.arrive $0xFFFF  }
0x24: {  	[tilespmem:s17], [sflag:$0x1] =	stream.indirect.gather [spmem:s2], $0x10, s4, s16, $0xb8;
	[tilespmem:$0x9700] =	vst v63  }
0x25: {  	_ = 	snop  }
0x26: {  	[tilespmem:s18], [sflag:$0x2] =	stream.indirect.gather [spmem:s2], $0x10, s16, s16, $0xb8;
	[tilespmem:$0x9700] =	vst v63  }
0x27: {  	s25 =	simm.s32 $0x100  }
0x28: {  	[tilespmem:s20], [sflag:$0x3] =	stream.indirect.gather [spmem:s2], $0x10, s25, s16, $0xb8;
	[tilespmem:$0x9700] =	vst v63  }
0x29: {  	s30 =	simm.s32 $0x180  }
0x2a: {  	[tilespmem:s22], [sflag:$0x4] =	stream.indirect.gather [spmem:s2], $0x10, s30, s16, $0xb8;
	[tilespmem:$0x9700] =	vst v63  }
0x2b: {  	_ =	swait.ge [sflag:s23], $0x800  }
0x2c: {  	[sflag:s23] =	ssyncset.done $0x0  }
0x2d: {  	[sflag:s23] =	ssyncadd.s32 $0xFFFFF800  }
0x2e: {  	[spmem:s3] =	stream.indirect.scatter.add.f32 [tilespmem:s17], [sflag:$0x5], $0x10, s15, s16, $0xb8;
	[tilespmem:$0x9700] =	vst v63  }
0x2f: {  	_ =	swait.ge [sflag:s24], $0x800  }
0x30: {  	[sflag:s24] =	ssyncset.done $0x0  }
0x31: {  	s30 =	simm.s32 $0x1480;
	[sflag:s24] =	ssyncadd.s32 $0xFFFFF800  }
0x32: {  	[spmem:s3] =	stream.indirect.scatter.add.f32 [tilespmem:s18], [sflag:$0x6], $0x10, s30, s16, $0xb8;
	[tilespmem:$0x9700] =	vst v63  }
0x33: {  	_ =	swait.ge [sflag:s26], $0x800  }
0x34: {  	[sflag:s26] =	ssyncset.done $0x0  }
0x35: {  	s30 =	simm.s32 $0x1500;
	[sflag:s26] =	ssyncadd.s32 $0xFFFFF800  }
0x36: {  	[spmem:s3] =	stream.indirect.scatter.add.f32 [tilespmem:s20], [sflag:$0x7], $0x10, s30, s16, $0xb8;
	[tilespmem:$0x9700] =	vst v63  }
0x37: {  	_ =	swait.ge [sflag:s29], $0x800  }
0x38: {  	[sflag:s29] =	ssyncset.done $0x0  }
0x39: {  	s30 =	simm.s32 $0x1580;
	[sflag:s29] =	ssyncadd.s32 $0xFFFFF800  }
0x3a: {  	[spmem:s3] =	stream.indirect.scatter.add.f32 [tilespmem:s22], [sflag:$0x8], $0x10, s30, s16, $0xb8;
	[tilespmem:$0x9700] =	vst v63  }
0x3b: {  	_ =	swait.ge [sflag:s31], $0x800  }
0x3c: {  	[sflag:s31] =	ssyncset.done $0x0  }
0x3d: {  	s30 =	simm.s32 $0x200;
	[sflag:s31] =	ssyncadd.s32 $0xFFFFF800  }
0x3e: {  	[tilespmem:s17], [sflag:$0x1] =	stream.indirect.gather [spmem:s2], $0x10, s30, s16, $0xb8;
	[tilespmem:$0x9700] =	vst v63  }
0x3f: {  	_ =	swait.ge [sflag:s1], $0x800  }
0x40: {  	[sflag:s1] =	ssyncset.done $0x0  }
0x41: {  	s30 =	simm.s32 $0x280;
	[sflag:s1] =	ssyncadd.s32 $0xFFFFF800  }
0x42: {  	[tilespmem:s18], [sflag:$0x2] =	stream.indirect.gather [spmem:s2], $0x10, s30, s16, $0xb8;
	[tilespmem:$0x9700] =	vst v63  }
0x43: {  	_ =	swait.ge [sflag:s0], $0x800  }
0x44: {  	[sflag:s0] =	ssyncset.done $0x0  }
0x45: {  	s30 =	simm.s32 $0x300;
	[sflag:s0] =	ssyncadd.s32 $0xFFFFF800  }
0x46: {  	[tilespmem:s20], [sflag:$0x3] =	stream.indirect.gather [spmem:s2], $0x10, s30, s16, $0xb8;
	[tilespmem:$0x9700] =	vst v63  }
0x47: {  	_ =	swait.ge [sflag:s19], $0x800  }
0x48: {  	[sflag:s19] =	ssyncset.done $0x0  }
0x49: {  	s30 =	simm.s32 $0x380;
	[sflag:s19] =	ssyncadd.s32 $0xFFFFF800  }
0x4a: {  	[tilespmem:s22], [sflag:$0x4] =	stream.indirect.gather [spmem:s2], $0x10, s30, s16, $0xb8;
	[tilespmem:$0x9700] =	vst v63  }
0x4b: {  	_ =	swait.ge [sflag:s23], $0x800  }
0x4c: {  	[sflag:s23] =	ssyncset.done $0x0  }
0x4d: {  	s30 =	simm.s32 $0x1600;
	[sflag:s23] =	ssyncadd.s32 $0xFFFFF800  }
0x4e: {  	[spmem:s3] =	stream.indirect.scatter.add.f32 [tilespmem:s17], [sflag:$0x5], $0x10, s30, s16, $0xb8;
	[tilespmem:$0x9700] =	vst v63  }
0x4f: {  	_ =	swait.ge [sflag:s24], $0x800  }
0x50: {  	[sflag:s24] =	ssyncset.done $0x0  }
0x51: {  	s30 =	simm.s32 $0x1680;
	[sflag:s24] =	ssyncadd.s32 $0xFFFFF800  }
0x52: {  	[spmem:s3] =	stream.indirect.scatter.add.f32 [tilespmem:s18], [sflag:$0x6], $0x10, s30, s16, $0xb8;
	[tilespmem:$0x9700] =	vst v63  }
0x53: {  	_ =	swait.ge [sflag:s26], $0x800  }
0x54: {  	[sflag:s26] =	ssyncset.done $0x0  }
0x55: {  	s30 =	simm.s32 $0x1700;
	[sflag:s26] =	ssyncadd.s32 $0xFFFFF800  }
0x56: {  	[spmem:s3] =	stream.indirect.scatter.add.f32 [tilespmem:s20], [sflag:$0x7], $0x10, s30, s16, $0xb8;
	[tilespmem:$0x9700] =	vst v63  }
0x57: {  	_ =	swait.ge [sflag:s29], $0x800  }
0x58: {  	[sflag:s29] =	ssyncset.done $0x0  }
0x59: {  	s28 =	simm.s32 $0x1780;
	s25 =	simm.s32 $0x800;
	[sflag:s29] =	ssyncadd.s32 $0xFFFFF800  }
.LBB2_2:
0x5a: {  	[spmem:s3] =	stream.indirect.scatter.add.f32 [tilespmem:s22], [sflag:$0x8], $0x10, s28, s16, $0xb8;
	[tilespmem:$0x9700] =	vst v63  }
0x5b: {  	s28 =	smov.u32 s25  }
0x5c: {  	p0 =	sne.s32 s25, $0x4000;
	s25 =	sadd.s32 $0x800, s25;
	_ =	swait.ge [sflag:s31], $0x800  }
0x5d: {  	s28 =	sshra.s32 s28, $0x2;
	[sflag:s31] =	ssyncset.done $0x0  }
0x5e: {  	s30 =	sadd.s32 $0x200, s28;
	[sflag:s31] =	ssyncadd.s32 $0xFFFFF800  }
0x5f: {  	[tilespmem:s17], [sflag:$0x1] =	stream.indirect.gather [spmem:s2], $0x10, s30, s16, $0xb8;
	[tilespmem:$0x9700] =	vst v63  }
0x60: {  	_ =	swait.ge [sflag:s1], $0x800  }
0x61: {  	[sflag:s1] =	ssyncset.done $0x0  }
0x62: {  	s30 =	sadd.s32 $0x280, s28;
	[sflag:s1] =	ssyncadd.s32 $0xFFFFF800  }
0x63: {  	[tilespmem:s18], [sflag:$0x2] =	stream.indirect.gather [spmem:s2], $0x10, s30, s16, $0xb8;
	[tilespmem:$0x9700] =	vst v63  }
0x64: {  	_ =	swait.ge [sflag:s0], $0x800  }
0x65: {  	[sflag:s0] =	ssyncset.done $0x0  }
0x66: {  	s30 =	sadd.s32 $0x300, s28;
	[sflag:s0] =	ssyncadd.s32 $0xFFFFF800  }
0x67: {  	[tilespmem:s20], [sflag:$0x3] =	stream.indirect.gather [spmem:s2], $0x10, s30, s16, $0xb8;
	[tilespmem:$0x9700] =	vst v63  }
0x68: {  	_ =	swait.ge [sflag:s19], $0x800  }
0x69: {  	[sflag:s19] =	ssyncset.done $0x0  }
0x6a: {  	s30 =	sadd.s32 $0x380, s28;
	[sflag:s19] =	ssyncadd.s32 $0xFFFFF800  }
0x6b: {  	[tilespmem:s22], [sflag:$0x4] =	stream.indirect.gather [spmem:s2], $0x10, s30, s16, $0xb8;
	[tilespmem:$0x9700] =	vst v63  }
0x6c: {  	_ =	swait.ge [sflag:s23], $0x800  }
0x6d: {  	[sflag:s23] =	ssyncset.done $0x0  }
0x6e: {  	s30 =	sadd.s32 $0x1600, s28;
	[sflag:s23] =	ssyncadd.s32 $0xFFFFF800  }
0x6f: {  	[spmem:s3] =	stream.indirect.scatter.add.f32 [tilespmem:s17], [sflag:$0x5], $0x10, s30, s16, $0xb8;
	[tilespmem:$0x9700] =	vst v63  }
0x70: {  	_ =	swait.ge [sflag:s24], $0x800  }
0x71: {  	[sflag:s24] =	ssyncset.done $0x0  }
0x72: {  	s30 =	sadd.s32 $0x1680, s28;
	[sflag:s24] =	ssyncadd.s32 $0xFFFFF800  }
0x73: {  	[spmem:s3] =	stream.indirect.scatter.add.f32 [tilespmem:s18], [sflag:$0x6], $0x10, s30, s16, $0xb8;
	[tilespmem:$0x9700] =	vst v63  }
0x74: {  	_ =	swait.ge [sflag:s26], $0x800  }
0x75: {  	[sflag:s26] =	ssyncset.done $0x0  }
.Ltmp0:
0x76: {  	s30 =	sadd.s32 $0x1700, s28;
	[sflag:s26] =	ssyncadd.s32 $0xFFFFF800;
	(pc) =	sbr.rel @p0 .LBB2_2-.Ltmp0, $4  }
0x77: {  	[spmem:s3] =	stream.indirect.scatter.add.f32 [tilespmem:s20], [sflag:$0x7], $0x10, s30, s16, $0xb8;
	[tilespmem:$0x9700] =	vst v63  }
0x78: {  	_ =	swait.ge [sflag:s29], $0x800  }
0x79: {  	[sflag:s29] =	ssyncset.done $0x0  }
0x7a: {  	s28 =	sadd.s32 $0x1780, s28;
	[sflag:s29] =	ssyncadd.s32 $0xFFFFF800  }
0x7b: {  	[spmem:s3] =	stream.indirect.scatter.add.f32 [tilespmem:s22], [sflag:$0x8], $0x10, s28, s16, $0xb8;
	[tilespmem:$0x9700] =	vst v63  }
0x7c: {  	_ =	swait.ge [sflag:s31], $0x800  }
0x7d: {  	[sflag:s31] =	ssyncset.done $0x0  }
0x7e: {  	[sflag:s31] =	ssyncadd.s32 $0xFFFFF800  }
0x7f: {  	_ =	swait.ge [sflag:s1], $0x800  }
0x80: {  	[sflag:s1] =	ssyncset.done $0x0  }
0x81: {  	[sflag:s1] =	ssyncadd.s32 $0xFFFFF800  }
0x82: {  	_ =	swait.ge [sflag:s0], $0x800  }
0x83: {  	[sflag:s0] =	ssyncset.done $0x0  }
0x84: {  	[sflag:s0] =	ssyncadd.s32 $0xFFFFF800  }
0x85: {  	_ =	swait.ge [sflag:s19], $0x800  }
0x86: {  	s21 =	sadd.s32 $0x1, s21;
	[sflag:s19] =	ssyncset.done $0x0  }
0x87: {  	p0 =	sne.s32 s21, s11;
	[sflag:s19] =	ssyncadd.s32 $0xFFFFF800  }
.Ltmp1:
0x88: {  	[bflag:$0x0] =	sbarrier.arrive $0xFFFF;
	(pc) =	sbr.rel @p0 .LBB2_1-.Ltmp1, $4  }
0x89: {  	[hbm:s10], [sflag:s6] =	dma.local [spmem:s14], $0x4F0  }
0x8a: {  	_ =	swait.ge [sflag:s13], $0x4F0  }
0x8b: {  	[sflag:s13] =	ssyncset.done $0x0  }
0x8c: {  	[sflag:s13] =	ssyncadd.s32 $0xFFFFFB10  }
0x8d: {  	_ =	sfence.sel $0x180000  }
0x8e: {  	[bflag:$0x0] =	sbarrier.arrive $0xFFFF  }
0x8f: {  	_ =	strace $0x9000004D  }
0x90: {  	s0 =	stileid.u32;
	[bflag:$0x2] =	sbarrier.arrive $0xFFFF  }
0x91: {  	p0 =	sne.s32 s0, $0x0;
	s0 =	rddreg [dreg:$0x3]  }
0x92: {  	s0 =	sadd.s32 @!p0 $0x100000, s0  }
0x93: {  	[sflag:s0] =	ssyncadd.tile.s32 @!p0 $0x1;
	_ =	shalt  }
.Lfunc_end2:
_tile_overlayer_lowered:
.L_overlay_start_2:
0x94: {  	(tag) =	ssettag $0x2  }
0x95: {  	s0 =	rddreg [dreg:$0x0];
	s2 =	stileid.u32  }
0x96: {  	s1 =	rddreg [dreg:$0x1];
	p0 =	sne.s32 s2, $0x0  }
0x97: {  	s3 =	rddreg [dreg:$0x2];
	[bflag:$0x3] =	sbarrier.arrive $0xFFFF;
	s2 =	simm.s32 @!p0 $0x1C09  }
0x98: {  	[timem:s3], [sflag:s2] =	dma.local @!p0 [hbm:s0], s1  }
0x99: {  	s0 =	simm.s32 @!p0 $0x9  }
0x9a: {  	_ =	swait.ge @!p0 [sflag:s0], s1  }
0x9b: {  	s1 =	ssub.s32 @!p0 $0x0, s1;
	[sflag:s0] =	ssyncset.done @!p0 $0x0  }
0x9c: {  	[sflag:s0] =	ssyncadd.s32 @!p0 s1  }
0x9d: {  	[bflag:$0x3] =	sbarrier.arrive $0xFFFF  }
0x9e: {  	_ =	shalt  }

// kernel: kernel.9.cloned.1.call-start
scs
__scs_entry_jumppad:
0x0: {  	(pc) =	sbr.rel $0x88, $3  }
0x1: {  	(tag) =	ssettag $0x0;
	lr =	simm.s32 $0x1  }
0x2: {  	[smem:$0x3F9B] =	sst lr;
	_ =	strace $0xD0000000  }
0x3: {  	_ = 	snop  }
0x4: {  	_ = 	snop  }
0x5: {  	_ = 	snop  }
0x6: {  	_ = 	snop  }
0x7: {  	_ = 	snop  }
__scs_overlays_trampoline_lowered:
0x8: {  	[smem:$0x3FAA] =	sst s0  }
0x9: {  	[smem:$0x3FAB] =	sst s1  }
0xa: {  	[smem:$0x3FAC] =	sst s2  }
0xb: {  	[smem:$0x3FAD] =	sst s3  }
0xc: {  	[smem:$0x3FAE] =	sst s4  }
0xd: {  	[smem:$0x3FAF] =	sst s5  }
0xe: {  	[smem:$0x3FB0] =	sst s6  }
0xf: {  	[smem:$0x3FB1] =	sst s7  }
0x10: {  	[smem:$0x3FB2] =	sst s8  }
0x11: {  	[smem:$0x3FB3] =	sst s9;
	s0 =	simm.s32 @!p0 $0x0  }
0x12: {  	s1 =	sld [smem:$0x3F99];
	s0 =	simm.s32 @p0 $0x1  }
0x13: {  	[smem:$0x3FB4] =	sst s0;
	s0 =	simm.s32 @!p1 $0x0  }
0x14: {  	s2 =	sld [smem:$0x3F98];
	s0 =	simm.s32 @p1 $0x1  }
0x15: {  	[smem:$0x3FB5] =	sst s0;
	s0 =	simm.s32 @!p2 $0x0  }
0x16: {  	s3 =	sld [smem:$0x3FDB];
	s0 =	simm.s32 @p2 $0x1  }
0x17: {  	s4 =	simm.s32 $0x1BF5;
	[smem:$0x3FB7] =	sst s0  }
0x18: {  	s0 =	sld [smem:$0x3F9A];
	_ =	swait.ge [sflag:s4], $0x0  }
0x19: {  	s7 =	sld [smem:$0x3F9B]  }
0x1a: {  	s8 =	sadd.s32 $0xFFFFE003, lr  }
0x1b: {  	s9 =	sadd.s32 $0xFFFFFEF7, lr;
	s5 =	simm.s32 $0xFFFFFFFF;
	p2 =	slt.u32 s8, $0xFFFFF086  }
0x1c: {  	p1 =	slt.u32 s9, $0xF7A;
	s5 =	simm.s32 @!p2 $0x0  }
0x1d: {  	s5 =	simm.s32 @p1 $0x1;
	p0 =	seq.s32 s7, s2  }
0x1e: {  	s7 =	smul.u32 @!p0 $0xF7A, s2;
	p2 =	seq.s32 @!p0 s5, $0x0  }
0x1f: {  	s9 =	smul.u32 $0xF7A, s1;
	s8 =	simm.s32 @!p0 $0x1BF5;
	p2 =	por !p2, p0  }
0x20: {  	[sflag:s8] =	ssyncset.s32 @!p0 $0xFFFFF086;
	s6 =	sadd.s32 @!p0 s3, s7;
	s7 =	simm.s32 @!p0 $0x108  }
0x21: {  	s3 =	sadd.s32 s3, s9;
	s6 =	sadd.s32 @!p0 $0x88, s6;
	s7 =	simm.s32 @p2 $0x1082  }
0x22: {  	[simem:s7], [sflag:s8] =	dma.local @!p0 [hbm:s6], $0xF7A  }
0x23: {  	s9 =	sor.u32 $0xD0000000, s2;
	s6 =	simm.s32 $0x108;
	_ =	swait.ge @!p0 [sflag:s8], $0x0  }
0x24: {  	s3 =	sadd.s32 $0x88, s3;
	s6 =	simm.s32 @!p1 $0x1082;
	[sflag:s4] =	ssyncset.s32 $0xFFFFF086  }
0x25: {  	[simem:s6], [sflag:s4] =	dma.local [hbm:s3], $0xF7A  }
0x26: {  	[smem:$0x3F9B] =	sst s1;
	(tag) =	ssettag s2;
	_ =	strace s9  }
0x27: {  	s1 =	sld [smem:$0x3FAB]  }
0x28: {  	s2 =	sld [smem:$0x3FAC]  }
0x29: {  	s4 =	sld [smem:$0x3FAE]  }
0x2a: {  	p0 =	seq.s32 s5, $0x0;
	s5 =	sld [smem:$0x3FAF]  }
0x2b: {  	s6 =	sld [smem:$0x3FB0]  }
0x2c: {  	s7 =	sld [smem:$0x3FB1]  }
0x2d: {  	s3 =	simm.s32 $0x108;
	s8 =	sld [smem:$0x3FB2]  }
0x2e: {  	s3 =	simm.s32 @!p0 $0x1082;
	s9 =	sld [smem:$0x3FB3]  }
0x2f: {  	lr =	sadd.s32 s0, s3;
	s0 =	sld [smem:$0x3FAA]  }
0x30: {  	s3 =	sld [smem:$0x3FAD]  }
0x31: {  	[smem:$0x3FB6] =	sst s10  }
0x32: {  	s10 =	sld [smem:$0x3FB4];
	_ =	sdelay $0x3  }
0x33: {  	p0 =	seq.s32 s10, $0x1;
	s10 =	sld [smem:$0x3FB6];
	_ =	sdelay $0x3  }
0x34: {  	[smem:$0x3FB6] =	sst s10  }
0x35: {  	s10 =	sld [smem:$0x3FB5];
	_ =	sdelay $0x3  }
0x36: {  	p1 =	seq.s32 s10, $0x1;
	s10 =	sld [smem:$0x3FB6];
	_ =	sdelay $0x3  }
0x37: {  	[smem:$0x3FB6] =	sst s10  }
0x38: {  	s10 =	sld [smem:$0x3FB7]  }
0x39: {  	_ = 	snop;
	(pc) =	sbr.ind lr, $3  }
0x3a: {  	_ = 	snop  }
0x3b: {  	_ = 	snop  }
0x3c: {  	p2 =	seq.s32 s10, $0x1;
	s10 =	sld [smem:$0x3FB6]  }
0x3d: {  	_ =	shalt  }
0x3e: {  	_ =	shalt  }
0x3f: {  	_ =	shalt  }
0x40: {  	_ =	shalt  }
0x41: {  	_ =	shalt  }
0x42: {  	_ =	shalt  }
0x43: {  	_ =	shalt  }
0x44: {  	_ =	shalt  }
0x45: {  	_ =	shalt  }
0x46: {  	_ =	shalt  }
0x47: {  	_ =	shalt  }
0x48: {  	_ =	shalt  }
0x49: {  	_ =	shalt  }
0x4a: {  	_ =	shalt  }
0x4b: {  	_ =	shalt  }
0x4c: {  	_ =	shalt  }
0x4d: {  	_ =	shalt  }
0x4e: {  	_ =	shalt  }
0x4f: {  	_ =	shalt  }
0x50: {  	_ =	shalt  }
0x51: {  	_ =	shalt  }
0x52: {  	_ =	shalt  }
0x53: {  	_ =	shalt  }
0x54: {  	_ =	shalt  }
0x55: {  	_ =	shalt  }
0x56: {  	_ =	shalt  }
0x57: {  	_ =	shalt  }
0x58: {  	_ =	shalt  }
0x59: {  	_ =	shalt  }
0x5a: {  	_ =	shalt  }
0x5b: {  	_ =	shalt  }
0x5c: {  	_ =	shalt  }
0x5d: {  	_ =	shalt  }
0x5e: {  	_ =	shalt  }
0x5f: {  	_ =	shalt  }
0x60: {  	_ =	shalt  }
0x61: {  	_ =	shalt  }
0x62: {  	_ =	shalt  }
0x63: {  	_ =	shalt  }
0x64: {  	_ =	shalt  }
0x65: {  	_ =	shalt  }
0x66: {  	_ =	shalt  }
0x67: {  	_ =	shalt  }
0x68: {  	_ =	shalt  }
0x69: {  	_ =	shalt  }
0x6a: {  	_ =	shalt  }
0x6b: {  	_ =	shalt  }
0x6c: {  	_ =	shalt  }
0x6d: {  	_ =	shalt  }
0x6e: {  	_ =	shalt  }
0x6f: {  	_ =	shalt  }
0x70: {  	_ =	shalt  }
0x71: {  	_ =	shalt  }
0x72: {  	_ =	shalt  }
0x73: {  	_ =	shalt  }
0x74: {  	_ =	shalt  }
0x75: {  	_ =	shalt  }
0x76: {  	_ =	shalt  }
0x77: {  	_ =	shalt  }
0x78: {  	_ =	shalt  }
0x79: {  	_ =	shalt  }
0x7a: {  	_ =	shalt  }
0x7b: {  	_ =	shalt  }
0x7c: {  	_ =	shalt  }
0x7d: {  	_ =	shalt  }
0x7e: {  	_ =	shalt  }
0x7f: {  	_ =	shalt  }
0x80: {  	_ =	shalt  }
0x81: {  	_ =	shalt  }
0x82: {  	_ =	shalt  }
0x83: {  	_ =	shalt  }
0x84: {  	_ =	shalt  }
0x85: {  	_ =	shalt  }
0x86: {  	_ =	shalt  }
0x87: {  	_ =	shalt  }
.Lfunc_end0:
.L_simem_size_0:
called_computation_lowered:
.L_overlay_start_0:
0x88: {  	s2 =	sld [smem:$0x3FD9]  }
0x89: {  	s3 =	sld [smem:$0x3FFE];
	_ =	sdelay $0x1  }
0x8a: {  	s1 =	srdreg.scid  }
0x8b: {  	s0 =	sand.u32 $0x1, s1  }
0x8c: {  	s17 =	sshll.u32 s0, $0xA;
	s2 =	sadd.s32 s3, s2  }
0x8d: {  	s2 =	sadd.s32 s2, s17  }
0x8e: {  	[smem:$0x3FC2] =	sst s2  }
0x8f: {  	_ = 	snop  }
0x90: {  	s2 =	sld [smem:$0x3FD0];
	(tm) =	ssettm $0x1  }
0x91: {  	s18 =	sld [smem:$0x3FFB];
	_ =	sdelay $0x3  }
0x92: {  	_ =	strace s18  }
0x93: {  	s3 =	sld [smem:$0x3FFC];
	_ =	sdelay $0x3  }
0x94: {  	_ =	strace s3  }
0x95: {  	s3 =	sld [smem:$0x3FFD];
	_ =	sdelay $0x3  }
0x96: {  	_ =	strace s3  }
0x97: {  	_ =	strace $0x8FFFFFFF  }
0x98: {  	s19 =	sld [smem:$0x3FDB];
	_ =	sdelay $0x1  }
0x99: {  	s4 =	simm.s32 $_scs_section_size  }
0x9a: {  	s5 =	simm.s32 $_size__tile_overlayer_lowered;
	s6 =	simm.s32 $_tile_overlayer_lowered  }
0x9b: {  	s22 =	simm.s32 $0x1BFF;
	s21 =	sshll.u32 s6, $0x1;
	s3 =	sadd.s32 s4, s19  }
0x9c: {  	s7 =	simm.s32 $0x0;
	s20 =	sshll.u32 s5, $0x1;
	s5 =	sadd.s32 s21, s3  }
0x9d: {  	[timem:s7], [sflag:s22] =	dma.local [hbm:s5], s20  }
0x9e: {  	_ =	swait.ge [sflag:s22], s20  }
0x9f: {  	s4 =	ssub.s32 $0x0, s20;
	[sflag:s22] =	ssyncset.done $0x0  }
0xa0: {  	[sflag:s22] =	ssyncadd.s32 s4;
	_ =	sdelay $0x1  }
0xa1: {  	s23 =	simm.s32 $0x1B8B  }
0xa2: {  	_ =	swait.ge [sflag:s23], $0x1  }
0xa3: {  	[sflag:s23] =	ssyncset.done $0x0  }
0xa4: {  	s25 =	simm.s32 $0x1B8E;
	s24 =	sld [smem:$0x3FFE];
	[sflag:s23] =	ssyncadd.s32 $0xFFFFFFFF  }
0xa5: {  	s26 =	simm.s32 $execute0_lowered;
	[smem:$0x3FD2] =	sst s25  }
0xa6: {  	s5 =	sshll.u32 s26, $0x1;
	_ =	strace $0x80000046;
	[dreg:$0x1] =	wrdreg $0xFFFFFFFF  }
0xa7: {  	s28 =	simm.s32 $_size_execute0_lowered;
	s3 =	sadd.s32 s3, s5;
	[dreg:$0x0] =	wrdreg $0x0  }
0xa8: {  	s5 =	sshll.u32 s28, $0x1;
	[dreg:$0x2] =	wrdreg s3  }
0xa9: {  	[dreg:$0x3] =	wrdreg s5  }
0xaa: {  	[dreg:$0x4] =	wrdreg $0xC0  }
0xab: {  	_ =	task [dreg:s7], $0x5FFFF  }
0xac: {  	[dreg:$0x1] =	wrdreg $0xFFFFFFFF  }
0xad: {  	[dreg:$0x0] =	wrdreg $0x60  }
0xae: {  	[dreg:$0x2] =	wrdreg s24  }
0xaf: {  	[dreg:$0x3] =	wrdreg s2  }
0xb0: {  	[dreg:$0x4] =	wrdreg $0x1C000  }
0xb1: {  	[dreg:$0x5] =	wrdreg $0x9  }
0xb2: {  	_ =	task.clear_ibuf [dreg:s7], $0x6FFFF;
	_ =	strace $0x90000046  }
0xb3: {  	s29 =	simm.s32 $0x9;
	_ =	strace $0x80000048  }
0xb4: {  	_ =	swait.ge [sflag:s29], $0x1  }
0xb5: {  	[sflag:s29] =	ssyncadd.s32 $0xFFFFFFFF  }
0xb6: {  	_ =	strace $0x90000048  }
0xb7: {  	_ =	sfence  }
0xb8: {  	s30 =	sld [smem:$0x0];
	_ =	sdelay $0x2  }
0xb9: {  	s31 =	sshll.u32 s1, $0xD;
	s1 =	sshrl.u32 s1, $0x2  }
0xba: {  	s3 =	sand.u32 $0x4000, s31;
	s1 =	sadd.s32 s1, s30  }
0xbb: {  	s0 =	sor.u32 s3, s0;
	s1 =	sshll.u32 s1, $0x11  }
0xbc: {  	s0 =	sor.u32 s1, s0  }
0xbd: {  	s0 =	sadd.s32 $0x8F2B, s0  }
0xbe: {  	[sflag:s0] =	ssyncadd.remote.s32 $0x1  }
0xbf: {  	_ =	sfence.sel $0xFFFF  }
0xc0: {  	[dreg:$0x0] =	wrdreg $0xFFFFFFFF;
	(pc) =	sbr.abs _section_cstart, $3  }
0xc1: {  	[dreg:$0x1] =	wrdreg $0xFFFFFFFF  }
0xc2: {  	_ =	task.clear_ibuf [dreg:s7], $0x2FFFF;
	_ =	strace $0x9FFFFFFF  }
0xc3: {  	(tm) =	ssettm $0x7FFFFFFF  }
tec
execute0_lowered:
.L_overlay_start_1:
0x0: {  	(tag) =	ssettag $0x1  }
0x1: {  	s0 =	rddreg [dreg:$0x0]  }
0x2: {  	s1 =	rddreg [dreg:$0x1]  }
0x3: {  	s2 =	srdreg.scid;
	[dreg:$0x4] =	wrdreg s1  }
0x4: {  	s31 =	simm.s32 $0x0;
	s24 =	sand.u32 $0x1, s2;
	s2 =	rddreg [dreg:$0x2]  }
0x5: {  	s26 =	simm.s32 $0x100;
	[smem:$0x7FF] =	sst s31  }
0x6: {  	s7 =	simm.s32 $0x300;
	_ =	strace $0x80000047;
	[dreg:$0x8] =	wrdreg s26  }
0x7: {  	s12 =	stileid.u32;
	s8 =	simm.s32 $0x380;
	[dreg:$0xc] =	wrdreg s7  }
0x8: {  	s9 =	simm.s32 $0x400;
	s11 =	simm.s32 $0x480;
	[dreg:$0xd] =	wrdreg s8  }
0x9: {  	s13 =	simm.s32 $0x500;
	s15 =	simm.s32 $0x580;
	[dreg:$0xe] =	wrdreg s9  }
0xa: {  	s17 =	simm.s32 $0x600;
	s18 =	simm.s32 $0x680;
	[dreg:$0xf] =	wrdreg s11  }
0xb: {  	s19 =	simm.s32 $0x700;
	s20 =	simm.s32 $0x780;
	[dreg:$0x10] =	wrdreg s13  }
0xc: {  	s21 =	simm.s32 $0x800;
	s22 =	simm.s32 $0x880;
	[dreg:$0x11] =	wrdreg s15  }
0xd: {  	s23 =	simm.s32 $0x900;
	s30 =	simm.s32 $0xB80;
	[dreg:$0x12] =	wrdreg s17  }
0xe: {  	s29 =	simm.s32 $0xC00;
	s3 =	smul.u32 $0x2800, s12;
	[dreg:$0x13] =	wrdreg s18  }
0xf: {  	s28 =	simm.s32 $0xC80;
	s5 =	smul.u32 $0x2780, s12;
	[dreg:$0x14] =	wrdreg s19  }
0x10: {  	p0 =	por $0x0, $0x0;
	s4 =	smul.u32 $0x1400, s24;
	[dreg:$0x15] =	wrdreg s20  }
0x11: {  	s16 =	sshll.u32 s12, $0x6;
	s6 =	smul.u32 $0x27800, s24;
	[dreg:$0x16] =	wrdreg s21  }
0x12: {  	s1 =	ssub.s32 $0x2, s24;
	s7 =	simm.s32 $0x80;
	[dreg:$0x17] =	wrdreg s22  }
0x13: {  	s8 =	simm.s32 $0x1;
	[dreg:$0x18] =	wrdreg s23;
	s24 =	simm.s32 $0x980  }
0x14: {  	s9 =	simm.s32 $0x2;
	s26 =	simm.s32 $0xA80;
	s11 =	simm.s32 $0x4  }
0x15: {  	s18 =	simm.s32 $0xB00;
	s23 =	simm.s32 $0xE80;
	s22 =	simm.s32 $0xF00  }
0x16: {  	s21 =	simm.s32 $0xF80;
	s20 =	simm.s32 $0x1000;
	s19 =	simm.s32 $0x1100  }
0x17: {  	s17 =	simm.s32 $0x1180;
	s15 =	simm.s32 $0x1280;
	s13 =	simm.s32 $0x1380  }
0x18: {  	s25 =	sshrl.u32 s5, $0x3;
	s10 =	sshrl.u32 s1, $0x1;
	[dreg:$0x19] =	wrdreg s24  }
0x19: {  	s14 =	sadd.s32 s5, s2;
	[dreg:$0x1b] =	wrdreg s26;
	s26 =	simm.s32 $0xD00  }
0x1a: {  	s24 =	simm.s32 $0xE00;
	s3 =	sadd.s32 s4, s3;
	s4 =	sadd.s32 s25, s0  }
0x1b: {  	s6 =	sadd.s32 s5, s6;
	s1 =	ssub.s32 s1, s10;
	s5 =	simm.s32 $0x5  }
0x1c: {  	s25 =	simm.s32 $0xA00;
	s10 =	simm.s32 $0x3;
	s3 =	sshrl.u32 s3, $0x3  }
0x1d: {  	s6 =	sshrl.u32 s6, $0x3;
	s4 =	sadd.s32 $0xBC00, s4;
	s1 =	smax.u32 s1, $0x1  }
0x1e: {  	[dreg:$0x1a] =	wrdreg s25;
	s25 =	simm.s32 $0xD80;
	s3 =	sadd.s32 s3, s0  }
0x1f: {  	s0 =	sadd.s32 s6, s0;
	[dreg:$0x5] =	wrdreg s4;
	s4 =	simm.s32 $0x200  }
0x20: {  	s6 =	simm.s32 $0x280;
	p1 =	sne.s32 s1, $0x1;
	[dreg:$0xa] =	wrdreg s4  }
.Ltmp0:
0x21: {  	s3 =	sadd.s32 $0x6C00, s3;
	[dreg:$0xb] =	wrdreg s6;
	(pc) =	sbr.rel @!p1 .LBB2_1-.Ltmp0, $4  }
0x22: {  	s1 =	sadd.s32 $0xFFFFFFFF, s1;
	s0 =	sadd.s32 $0x10C00, s0;
	[dreg:$0x6] =	wrdreg s3  }
0x23: {  	s4 =	sshrl.u32 s14, $0x3;
	s6 =	simm.s32 $0x1400;
	[dreg:$0x7] =	wrdreg s0  }
0x24: {  	s14 =	simm.s32 $0x1300;
	s3 =	simm.s32 $0x180;
	s0 =	rddreg [dreg:$0x5]  }
0x25: {  	[dreg:$0x9] =	wrdreg s3;
	s3 =	sor.u32 $0x1C05, s16;
	s16 =	simm.s32 $0x1200  }
0x26: {  	[spmem:s4], [sflag:s3] =	dma.local [hbm:s0], $0x4F0  }
0x27: {  	_ =	swait.ge [sflag:s5], $0x4F0  }
0x28: {  	[sflag:s5] =	ssyncset.done $0x0  }
0x29: {  	s12 =	rddreg [dreg:$0x4];
	[sflag:s5] =	ssyncadd.s32 $0xFFFFFB10  }
0x2a: {  	[tilespmem:s6], [sflag:$0x5] =	stream.linear.gather [hbm4b:s12+s31], $0x800, $0x38;
	[tilespmem:$0x4380] =	vst v63  }
0x2b: {  	_ =	swait.ge [sflag:s5], $0x800  }
0x2c: {  	[sflag:s5] =	ssyncset.done $0x0  }
0x2d: {  	s12 =	rddreg [dreg:$0x6];
	[sflag:s5] =	ssyncadd.s32 $0xFFFFF800  }
0x2e: {  	[tilespmem:s31], [sflag:$0x5] =	stream.linear.gather [hbm4b:s12+s31], $0x1400, $0x38;
	[tilespmem:$0x4380] =	vst v63  }
0x2f: {  	_ =	swait.ge [sflag:s5], $0x1400  }
0x30: {  	[sflag:s5] =	ssyncset.done $0x0  }
0x31: {  	[sflag:s5] =	ssyncadd.s32 $0xFFFFEC00  }
0x32: {  	[bflag:$0x0] =	sbarrier.arrive $0xFFFF  }
0x33: {  	[spmem:s2] =	stream.indirect.scatter.add.f32 [tilespmem:s6], [sflag:$0x1], $0x10, s31, s7, $0xb8;
	[tilespmem:$0x4380] =	vst v63  }
0x34: {  	_ = 	snop  }
0x35: {  	[spmem:s2] =	stream.indirect.scatter.add.f32 [tilespmem:s6], [sflag:$0x2], $0x10, s7, s7, $0xb8;
	[tilespmem:$0x4380] =	vst v63  }
0x36: {  	s0 =	rddreg [dreg:$0x8]  }
0x37: {  	[spmem:s2] =	stream.indirect.scatter.add.f32 [tilespmem:s6], [sflag:$0x3], $0x10, s0, s7, $0xb8;
	[tilespmem:$0x4380] =	vst v63  }
0x38: {  	s12 =	smov.u32 s1;
	s1 =	rddreg [dreg:$0x9]  }
0x39: {  	[spmem:s2] =	stream.indirect.scatter.add.f32 [tilespmem:s6], [sflag:$0x4], $0x10, s1, s7, $0xb8;
	[tilespmem:$0x4380] =	vst v63  }
0x3a: {  	_ =	swait.ge [sflag:s8], $0x800  }
0x3b: {  	[sflag:s8] =	ssyncset.done $0x0  }
0x3c: {  	s1 =	rddreg [dreg:$0xa];
	[sflag:s8] =	ssyncadd.s32 $0xFFFFF800  }
0x3d: {  	[spmem:s2] =	stream.indirect.scatter.add.f32 [tilespmem:s6], [sflag:$0x1], $0x10, s1, s7, $0xb8;
	[tilespmem:$0x4380] =	vst v63  }
0x3e: {  	_ =	swait.ge [sflag:s9], $0x800  }
0x3f: {  	[sflag:s9] =	ssyncset.done $0x0  }
0x40: {  	s1 =	rddreg [dreg:$0xb];
	[sflag:s9] =	ssyncadd.s32 $0xFFFFF800  }
0x41: {  	[spmem:s2] =	stream.indirect.scatter.add.f32 [tilespmem:s6], [sflag:$0x2], $0x10, s1, s7, $0xb8;
	[tilespmem:$0x4380] =	vst v63  }
0x42: {  	_ =	swait.ge [sflag:s10], $0x800  }
0x43: {  	[sflag:s10] =	ssyncset.done $0x0  }
0x44: {  	s1 =	rddreg [dreg:$0xc];
	[sflag:s10] =	ssyncadd.s32 $0xFFFFF800  }
0x45: {  	[spmem:s2] =	stream.indirect.scatter.add.f32 [tilespmem:s6], [sflag:$0x3], $0x10, s1, s7, $0xb8;
	[tilespmem:$0x4380] =	vst v63  }
0x46: {  	_ =	swait.ge [sflag:s11], $0x800  }
0x47: {  	[sflag:s11] =	ssyncset.done $0x0  }
0x48: {  	s1 =	rddreg [dreg:$0xd];
	[sflag:s11] =	ssyncadd.s32 $0xFFFFF800  }
0x49: {  	[spmem:s2] =	stream.indirect.scatter.add.f32 [tilespmem:s6], [sflag:$0x4], $0x10, s1, s7, $0xb8;
	[tilespmem:$0x4380] =	vst v63  }
0x4a: {  	_ =	swait.ge [sflag:s8], $0x800  }
0x4b: {  	[sflag:s8] =	ssyncset.done $0x0  }
0x4c: {  	s1 =	rddreg [dreg:$0xe];
	[sflag:s8] =	ssyncadd.s32 $0xFFFFF800  }
0x4d: {  	[spmem:s2] =	stream.indirect.scatter.add.f32 [tilespmem:s6], [sflag:$0x1], $0x10, s1, s7, $0xb8;
	[tilespmem:$0x4380] =	vst v63  }
0x4e: {  	_ =	swait.ge [sflag:s9], $0x800  }
0x4f: {  	[sflag:s9] =	ssyncset.done $0x0  }
0x50: {  	s1 =	rddreg [dreg:$0xf];
	[sflag:s9] =	ssyncadd.s32 $0xFFFFF800  }
0x51: {  	[spmem:s2] =	stream.indirect.scatter.add.f32 [tilespmem:s6], [sflag:$0x2], $0x10, s1, s7, $0xb8;
	[tilespmem:$0x4380] =	vst v63  }
0x52: {  	_ =	swait.ge [sflag:s10], $0x800  }
0x53: {  	[sflag:s10] =	ssyncset.done $0x0  }
0x54: {  	s1 =	rddreg [dreg:$0x10];
	[sflag:s10] =	ssyncadd.s32 $0xFFFFF800  }
0x55: {  	[spmem:s2] =	stream.indirect.scatter.add.f32 [tilespmem:s6], [sflag:$0x3], $0x10, s1, s7, $0xb8;
	[tilespmem:$0x4380] =	vst v63  }
0x56: {  	_ =	swait.ge [sflag:s11], $0x800  }
0x57: {  	[sflag:s11] =	ssyncset.done $0x0  }
0x58: {  	s1 =	rddreg [dreg:$0x11];
	[sflag:s11] =	ssyncadd.s32 $0xFFFFF800  }
0x59: {  	[spmem:s2] =	stream.indirect.scatter.add.f32 [tilespmem:s6], [sflag:$0x4], $0x10, s1, s7, $0xb8;
	[tilespmem:$0x4380] =	vst v63  }
0x5a: {  	_ =	swait.ge [sflag:s8], $0x800  }
0x5b: {  	[sflag:s8] =	ssyncset.done $0x0  }
0x5c: {  	s1 =	rddreg [dreg:$0x12];
	[sflag:s8] =	ssyncadd.s32 $0xFFFFF800  }
0x5d: {  	[spmem:s2] =	stream.indirect.scatter.add.f32 [tilespmem:s6], [sflag:$0x1], $0x10, s1, s7, $0xb8;
	[tilespmem:$0x4380] =	vst v63  }
0x5e: {  	_ =	swait.ge [sflag:s9], $0x800  }
0x5f: {  	[sflag:s9] =	ssyncset.done $0x0  }
0x60: {  	s1 =	rddreg [dreg:$0x13];
	[sflag:s9] =	ssyncadd.s32 $0xFFFFF800  }
0x61: {  	[spmem:s2] =	stream.indirect.scatter.add.f32 [tilespmem:s6], [sflag:$0x2], $0x10, s1, s7, $0xb8;
	[tilespmem:$0x4380] =	vst v63  }
0x62: {  	_ =	swait.ge [sflag:s10], $0x800  }
0x63: {  	[sflag:s10] =	ssyncset.done $0x0  }
0x64: {  	s1 =	rddreg [dreg:$0x14];
	[sflag:s10] =	ssyncadd.s32 $0xFFFFF800  }
0x65: {  	[spmem:s2] =	stream.indirect.scatter.add.f32 [tilespmem:s6], [sflag:$0x3], $0x10, s1, s7, $0xb8;
	[tilespmem:$0x4380] =	vst v63  }
0x66: {  	_ =	swait.ge [sflag:s11], $0x800  }
0x67: {  	[sflag:s11] =	ssyncset.done $0x0  }
0x68: {  	s1 =	rddreg [dreg:$0x15];
	[sflag:s11] =	ssyncadd.s32 $0xFFFFF800  }
0x69: {  	[spmem:s2] =	stream.indirect.scatter.add.f32 [tilespmem:s6], [sflag:$0x4], $0x10, s1, s7, $0xb8;
	[tilespmem:$0x4380] =	vst v63  }
0x6a: {  	_ =	swait.ge [sflag:s8], $0x800  }
0x6b: {  	[sflag:s8] =	ssyncset.done $0x0  }
0x6c: {  	s1 =	rddreg [dreg:$0x16];
	[sflag:s8] =	ssyncadd.s32 $0xFFFFF800  }
0x6d: {  	[spmem:s2] =	stream.indirect.scatter.add.f32 [tilespmem:s6], [sflag:$0x1], $0x10, s1, s7, $0xb8;
	[tilespmem:$0x4380] =	vst v63  }
0x6e: {  	_ =	swait.ge [sflag:s9], $0x800  }
0x6f: {  	[sflag:s9] =	ssyncset.done $0x0  }
0x70: {  	s1 =	rddreg [dreg:$0x17];
	[sflag:s9] =	ssyncadd.s32 $0xFFFFF800  }
0x71: {  	[spmem:s2] =	stream.indirect.scatter.add.f32 [tilespmem:s6], [sflag:$0x2], $0x10, s1, s7, $0xb8;
	[tilespmem:$0x4380] =	vst v63  }
0x72: {  	_ =	swait.ge [sflag:s10], $0x800  }
0x73: {  	[sflag:s10] =	ssyncset.done $0x0  }
0x74: {  	s1 =	rddreg [dreg:$0x18];
	[sflag:s10] =	ssyncadd.s32 $0xFFFFF800  }
0x75: {  	[spmem:s2] =	stream.indirect.scatter.add.f32 [tilespmem:s6], [sflag:$0x3], $0x10, s1, s7, $0xb8;
	[tilespmem:$0x4380] =	vst v63  }
0x76: {  	_ =	swait.ge [sflag:s11], $0x800  }
0x77: {  	[sflag:s11] =	ssyncset.done $0x0  }
0x78: {  	s1 =	rddreg [dreg:$0x19];
	[sflag:s11] =	ssyncadd.s32 $0xFFFFF800  }
0x79: {  	[spmem:s2] =	stream.indirect.scatter.add.f32 [tilespmem:s6], [sflag:$0x4], $0x10, s1, s7, $0xb8;
	[tilespmem:$0x4380] =	vst v63  }
0x7a: {  	_ =	swait.ge [sflag:s8], $0x800  }
0x7b: {  	[sflag:s8] =	ssyncset.done $0x0  }
0x7c: {  	s1 =	rddreg [dreg:$0x1a];
	[sflag:s8] =	ssyncadd.s32 $0xFFFFF800  }
0x7d: {  	[spmem:s2] =	stream.indirect.scatter.add.f32 [tilespmem:s6], [sflag:$0x1], $0x10, s1, s7, $0xb8;
	[tilespmem:$0x4380] =	vst v63  }
0x7e: {  	_ =	swait.ge [sflag:s9], $0x800  }
0x7f: {  	[sflag:s9] =	ssyncset.done $0x0  }
0x80: {  	s1 =	rddreg [dreg:$0x1b];
	[sflag:s9] =	ssyncadd.s32 $0xFFFFF800  }
0x81: {  	[spmem:s2] =	stream.indirect.scatter.add.f32 [tilespmem:s6], [sflag:$0x2], $0x10, s1, s7, $0xb8;
	[tilespmem:$0x4380] =	vst v63  }
0x82: {  	_ =	swait.ge [sflag:s10], $0x800  }
0x83: {  	[sflag:s10] =	ssyncset.done $0x0  }
0x84: {  	[sflag:s10] =	ssyncadd.s32 $0xFFFFF800  }
0x85: {  	[spmem:s2] =	stream.indirect.scatter.add.f32 [tilespmem:s6], [sflag:$0x3], $0x10, s18, s7, $0xb8;
	[tilespmem:$0x4380] =	vst v63  }
0x86: {  	_ =	swait.ge [sflag:s11], $0x800  }
0x87: {  	[sflag:s11] =	ssyncset.done $0x0  }
0x88: {  	[sflag:s11] =	ssyncadd.s32 $0xFFFFF800  }
0x89: {  	[spmem:s2] =	stream.indirect.scatter.add.f32 [tilespmem:s6], [sflag:$0x4], $0x10, s30, s7, $0xb8;
	[tilespmem:$0x4380] =	vst v63  }
0x8a: {  	_ =	swait.ge [sflag:s8], $0x800  }
0x8b: {  	[sflag:s8] =	ssyncset.done $0x0  }
0x8c: {  	[sflag:s8] =	ssyncadd.s32 $0xFFFFF800  }
0x8d: {  	[spmem:s2] =	stream.indirect.scatter.add.f32 [tilespmem:s6], [sflag:$0x1], $0x10, s29, s7, $0xb8;
	[tilespmem:$0x4380] =	vst v63  }
0x8e: {  	_ =	swait.ge [sflag:s9], $0x800  }
0x8f: {  	[sflag:s9] =	ssyncset.done $0x0  }
0x90: {  	[sflag:s9] =	ssyncadd.s32 $0xFFFFF800  }
0x91: {  	[spmem:s2] =	stream.indirect.scatter.add.f32 [tilespmem:s6], [sflag:$0x2], $0x10, s28, s7, $0xb8;
	[tilespmem:$0x4380] =	vst v63  }
0x92: {  	_ =	swait.ge [sflag:s10], $0x800  }
0x93: {  	[sflag:s10] =	ssyncset.done $0x0  }
0x94: {  	[sflag:s10] =	ssyncadd.s32 $0xFFFFF800  }
0x95: {  	[spmem:s2] =	stream.indirect.scatter.add.f32 [tilespmem:s6], [sflag:$0x3], $0x10, s26, s7, $0xb8;
	[tilespmem:$0x4380] =	vst v63  }
0x96: {  	_ =	swait.ge [sflag:s11], $0x800  }
0x97: {  	[sflag:s11] =	ssyncset.done $0x0  }
0x98: {  	[sflag:s11] =	ssyncadd.s32 $0xFFFFF800  }
0x99: {  	[spmem:s2] =	stream.indirect.scatter.add.f32 [tilespmem:s6], [sflag:$0x4], $0x10, s25, s7, $0xb8;
	[tilespmem:$0x4380] =	vst v63  }
0x9a: {  	_ =	swait.ge [sflag:s8], $0x800  }
0x9b: {  	[sflag:s8] =	ssyncset.done $0x0  }
0x9c: {  	[sflag:s8] =	ssyncadd.s32 $0xFFFFF800  }
0x9d: {  	[spmem:s2] =	stream.indirect.scatter.add.f32 [tilespmem:s6], [sflag:$0x1], $0x10, s24, s7, $0xb8;
	[tilespmem:$0x4380] =	vst v63  }
0x9e: {  	_ =	swait.ge [sflag:s9], $0x800  }
0x9f: {  	[sflag:s9] =	ssyncset.done $0x0  }
0xa0: {  	[sflag:s9] =	ssyncadd.s32 $0xFFFFF800  }
0xa1: {  	[spmem:s2] =	stream.indirect.scatter.add.f32 [tilespmem:s6], [sflag:$0x2], $0x10, s23, s7, $0xb8;
	[tilespmem:$0x4380] =	vst v63  }
0xa2: {  	_ =	swait.ge [sflag:s10], $0x800  }
0xa3: {  	[sflag:s10] =	ssyncset.done $0x0  }
0xa4: {  	[sflag:s10] =	ssyncadd.s32 $0xFFFFF800  }
0xa5: {  	[spmem:s2] =	stream.indirect.scatter.add.f32 [tilespmem:s6], [sflag:$0x3], $0x10, s22, s7, $0xb8;
	[tilespmem:$0x4380] =	vst v63  }
0xa6: {  	_ =	swait.ge [sflag:s11], $0x800  }
0xa7: {  	[sflag:s11] =	ssyncset.done $0x0  }
0xa8: {  	[sflag:s11] =	ssyncadd.s32 $0xFFFFF800  }
0xa9: {  	[spmem:s2] =	stream.indirect.scatter.add.f32 [tilespmem:s6], [sflag:$0x4], $0x10, s21, s7, $0xb8;
	[tilespmem:$0x4380] =	vst v63  }
0xaa: {  	_ =	swait.ge [sflag:s8], $0x800  }
0xab: {  	[sflag:s8] =	ssyncset.done $0x0  }
0xac: {  	[sflag:s8] =	ssyncadd.s32 $0xFFFFF800  }
0xad: {  	[spmem:s2] =	stream.indirect.scatter.add.f32 [tilespmem:s6], [sflag:$0x1], $0x10, s20, s7, $0xb8;
	[tilespmem:$0x4380] =	vst v63  }
0xae: {  	_ =	swait.ge [sflag:s9], $0x800  }
0xaf: {  	[sflag:s9] =	ssyncset.done $0x0  }
0xb0: {  	s1 =	simm.s32 $0x1080;
	[sflag:s9] =	ssyncadd.s32 $0xFFFFF800  }
0xb1: {  	[spmem:s2] =	stream.indirect.scatter.add.f32 [tilespmem:s6], [sflag:$0x2], $0x10, s1, s7, $0xb8;
	[tilespmem:$0x4380] =	vst v63  }
0xb2: {  	_ =	swait.ge [sflag:s10], $0x800  }
0xb3: {  	[sflag:s10] =	ssyncset.done $0x0  }
0xb4: {  	[sflag:s10] =	ssyncadd.s32 $0xFFFFF800  }
0xb5: {  	[spmem:s2] =	stream.indirect.scatter.add.f32 [tilespmem:s6], [sflag:$0x3], $0x10, s19, s7, $0xb8;
	[tilespmem:$0x4380] =	vst v63  }
0xb6: {  	_ =	swait.ge [sflag:s11], $0x800  }
0xb7: {  	[sflag:s11] =	ssyncset.done $0x0  }
0xb8: {  	[sflag:s11] =	ssyncadd.s32 $0xFFFFF800  }
0xb9: {  	[spmem:s2] =	stream.indirect.scatter.add.f32 [tilespmem:s6], [sflag:$0x4], $0x10, s17, s7, $0xb8;
	[tilespmem:$0x4380] =	vst v63  }
0xba: {  	_ =	swait.ge [sflag:s8], $0x800  }
0xbb: {  	[sflag:s8] =	ssyncset.done $0x0  }
0xbc: {  	[sflag:s8] =	ssyncadd.s32 $0xFFFFF800  }
0xbd: {  	[spmem:s2] =	stream.indirect.scatter.add.f32 [tilespmem:s6], [sflag:$0x1], $0x10, s16, s7, $0xb8;
	[tilespmem:$0x4380] =	vst v63  }
0xbe: {  	_ =	swait.ge [sflag:s9], $0x800  }
0xbf: {  	[sflag:s9] =	ssyncset.done $0x0  }
0xc0: {  	[sflag:s9] =	ssyncadd.s32 $0xFFFFF800  }
0xc1: {  	[spmem:s2] =	stream.indirect.scatter.add.f32 [tilespmem:s6], [sflag:$0x2], $0x10, s15, s7, $0xb8;
	[tilespmem:$0x4380] =	vst v63  }
0xc2: {  	_ =	swait.ge [sflag:s10], $0x800  }
0xc3: {  	[sflag:s10] =	ssyncset.done $0x0  }
0xc4: {  	[sflag:s10] =	ssyncadd.s32 $0xFFFFF800  }
0xc5: {  	[spmem:s2] =	stream.indirect.scatter.add.f32 [tilespmem:s6], [sflag:$0x3], $0x10, s14, s7, $0xb8;
	[tilespmem:$0x4380] =	vst v63  }
0xc6: {  	_ =	swait.ge [sflag:s11], $0x800  }
0xc7: {  	[sflag:s11] =	ssyncset.done $0x0  }
0xc8: {  	[sflag:s11] =	ssyncadd.s32 $0xFFFFF800  }
0xc9: {  	[spmem:s2] =	stream.indirect.scatter.add.f32 [tilespmem:s6], [sflag:$0x4], $0x10, s13, s7, $0xb8;
	[tilespmem:$0x4380] =	vst v63  }
0xca: {  	_ =	swait.ge [sflag:s8], $0x800  }
0xcb: {  	[sflag:s8] =	ssyncset.done $0x0  }
0xcc: {  	[sflag:s8] =	ssyncadd.s32 $0xFFFFF800  }
0xcd: {  	_ =	swait.ge [sflag:s9], $0x800  }
0xce: {  	[sflag:s9] =	ssyncset.done $0x0  }
0xcf: {  	[sflag:s9] =	ssyncadd.s32 $0xFFFFF800  }
0xd0: {  	_ =	swait.ge [sflag:s10], $0x800  }
0xd1: {  	[sflag:s10] =	ssyncset.done $0x0  }
0xd2: {  	[sflag:s10] =	ssyncadd.s32 $0xFFFFF800  }
0xd3: {  	_ =	swait.ge [sflag:s11], $0x800  }
0xd4: {  	[sflag:s11] =	ssyncset.done $0x0  }
0xd5: {  	p1 =	sne.s32 s12, $0x1;
	[sflag:s11] =	ssyncadd.s32 $0xFFFFF800  }
.Ltmp1:
0xd6: {  	[bflag:$0x0] =	sbarrier.arrive $0xFFFF;
	(pc) =	sbr.rel @!p1 .LBB2_3-.Ltmp1, $4  }
0xd7: {  	s1 =	rddreg [dreg:$0x7]  }
0xd8: {  	[hbm:s1], [sflag:s3] =	dma.local [spmem:s4], $0x4F0  }
0xd9: {  	p0 =	por $0x1, $0x1;
	_ =	swait.ge [sflag:s5], $0x4F0  }
0xda: {  	s1 =	sadd.s32 $0xFFFFFFFF, s12;
	s0 =	rddreg [dreg:$0x5];
	[sflag:s5] =	ssyncset.done $0x0  }
.LBB2_4:
0xdb: {  	[sflag:s5] =	ssyncadd.s32 $0xFFFFFB10  }
0xdc: {  	[spmem:s4], [sflag:s3] =	dma.local [hbm:s0], $0x4F0  }
0xdd: {  	_ =	swait.ge [sflag:s5], $0x4F0  }
0xde: {  	[sflag:s5] =	ssyncset.done $0x0  }
0xdf: {  	s12 =	rddreg [dreg:$0x4];
	[sflag:s5] =	ssyncadd.s32 $0xFFFFFB10  }
0xe0: {  	[tilespmem:s6], [sflag:$0x5] =	stream.linear.gather [hbm4b:s12+s31], $0x800, $0x38;
	[tilespmem:$0x4380] =	vst v63  }
0xe1: {  	_ =	swait.ge [sflag:s5], $0x800  }
0xe2: {  	[sflag:s5] =	ssyncset.done $0x0  }
0xe3: {  	s12 =	rddreg [dreg:$0x6];
	[sflag:s5] =	ssyncadd.s32 $0xFFFFF800  }
0xe4: {  	[tilespmem:s31], [sflag:$0x5] =	stream.linear.gather [hbm4b:s12+s31], $0x1400, $0x38;
	[tilespmem:$0x4380] =	vst v63  }
0xe5: {  	_ =	swait.ge [sflag:s5], $0x1400  }
0xe6: {  	[sflag:s5] =	ssyncset.done $0x0  }
0xe7: {  	[sflag:s5] =	ssyncadd.s32 $0xFFFFEC00  }
0xe8: {  	[bflag:$0x0] =	sbarrier.arrive $0xFFFF  }
0xe9: {  	[spmem:s2] =	stream.indirect.scatter.add.f32 [tilespmem:s6], [sflag:$0x1], $0x10, s31, s7, $0xb8;
	[tilespmem:$0x4380] =	vst v63  }
0xea: {  	_ = 	snop  }
0xeb: {  	[spmem:s2] =	stream.indirect.scatter.add.f32 [tilespmem:s6], [sflag:$0x2], $0x10, s7, s7, $0xb8;
	[tilespmem:$0x4380] =	vst v63  }
0xec: {  	s0 =	rddreg [dreg:$0x8]  }
0xed: {  	[spmem:s2] =	stream.indirect.scatter.add.f32 [tilespmem:s6], [sflag:$0x3], $0x10, s0, s7, $0xb8;
	[tilespmem:$0x4380] =	vst v63  }
0xee: {  	s12 =	rddreg [dreg:$0x9]  }
0xef: {  	[spmem:s2] =	stream.indirect.scatter.add.f32 [tilespmem:s6], [sflag:$0x4], $0x10, s12, s7, $0xb8;
	[tilespmem:$0x4380] =	vst v63  }
0xf0: {  	_ =	swait.ge [sflag:s8], $0x800  }
0xf1: {  	[sflag:s8] =	ssyncset.done $0x0  }
0xf2: {  	s12 =	rddreg [dreg:$0xa];
	[sflag:s8] =	ssyncadd.s32 $0xFFFFF800  }
0xf3: {  	[spmem:s2] =	stream.indirect.scatter.add.f32 [tilespmem:s6], [sflag:$0x1], $0x10, s12, s7, $0xb8;
	[tilespmem:$0x4380] =	vst v63  }
0xf4: {  	_ =	swait.ge [sflag:s9], $0x800  }
0xf5: {  	[sflag:s9] =	ssyncset.done $0x0  }
0xf6: {  	s12 =	rddreg [dreg:$0xb];
	[sflag:s9] =	ssyncadd.s32 $0xFFFFF800  }
0xf7: {  	[spmem:s2] =	stream.indirect.scatter.add.f32 [tilespmem:s6], [sflag:$0x2], $0x10, s12, s7, $0xb8;
	[tilespmem:$0x4380] =	vst v63  }
0xf8: {  	_ =	swait.ge [sflag:s10], $0x800  }
0xf9: {  	[sflag:s10] =	ssyncset.done $0x0  }
0xfa: {  	s12 =	rddreg [dreg:$0xc];
	[sflag:s10] =	ssyncadd.s32 $0xFFFFF800  }
0xfb: {  	[spmem:s2] =	stream.indirect.scatter.add.f32 [tilespmem:s6], [sflag:$0x3], $0x10, s12, s7, $0xb8;
	[tilespmem:$0x4380] =	vst v63  }
0xfc: {  	_ =	swait.ge [sflag:s11], $0x800  }
0xfd: {  	[sflag:s11] =	ssyncset.done $0x0  }
0xfe: {  	s12 =	rddreg [dreg:$0xd];
	[sflag:s11] =	ssyncadd.s32 $0xFFFFF800  }
0xff: {  	[spmem:s2] =	stream.indirect.scatter.add.f32 [tilespmem:s6], [sflag:$0x4], $0x10, s12, s7, $0xb8;
	[tilespmem:$0x4380] =	vst v63  }
0x100: {  	_ =	swait.ge [sflag:s8], $0x800  }
0x101: {  	[sflag:s8] =	ssyncset.done $0x0  }
0x102: {  	s12 =	rddreg [dreg:$0xe];
	[sflag:s8] =	ssyncadd.s32 $0xFFFFF800  }
0x103: {  	[spmem:s2] =	stream.indirect.scatter.add.f32 [tilespmem:s6], [sflag:$0x1], $0x10, s12, s7, $0xb8;
	[tilespmem:$0x4380] =	vst v63  }
0x104: {  	_ =	swait.ge [sflag:s9], $0x800  }
0x105: {  	[sflag:s9] =	ssyncset.done $0x0  }
0x106: {  	s12 =	rddreg [dreg:$0xf];
	[sflag:s9] =	ssyncadd.s32 $0xFFFFF800  }
0x107: {  	[spmem:s2] =	stream.indirect.scatter.add.f32 [tilespmem:s6], [sflag:$0x2], $0x10, s12, s7, $0xb8;
	[tilespmem:$0x4380] =	vst v63  }
0x108: {  	_ =	swait.ge [sflag:s10], $0x800  }
0x109: {  	[sflag:s10] =	ssyncset.done $0x0  }
0x10a: {  	s12 =	rddreg [dreg:$0x10];
	[sflag:s10] =	ssyncadd.s32 $0xFFFFF800  }
0x10b: {  	[spmem:s2] =	stream.indirect.scatter.add.f32 [tilespmem:s6], [sflag:$0x3], $0x10, s12, s7, $0xb8;
	[tilespmem:$0x4380] =	vst v63  }
0x10c: {  	_ =	swait.ge [sflag:s11], $0x800  }
0x10d: {  	[sflag:s11] =	ssyncset.done $0x0  }
0x10e: {  	s12 =	rddreg [dreg:$0x11];
	[sflag:s11] =	ssyncadd.s32 $0xFFFFF800  }
0x10f: {  	[spmem:s2] =	stream.indirect.scatter.add.f32 [tilespmem:s6], [sflag:$0x4], $0x10, s12, s7, $0xb8;
	[tilespmem:$0x4380] =	vst v63  }
0x110: {  	_ =	swait.ge [sflag:s8], $0x800  }
0x111: {  	[sflag:s8] =	ssyncset.done $0x0  }
0x112: {  	s12 =	rddreg [dreg:$0x12];
	[sflag:s8] =	ssyncadd.s32 $0xFFFFF800  }
0x113: {  	[spmem:s2] =	stream.indirect.scatter.add.f32 [tilespmem:s6], [sflag:$0x1], $0x10, s12, s7, $0xb8;
	[tilespmem:$0x4380] =	vst v63  }
0x114: {  	_ =	swait.ge [sflag:s9], $0x800  }
0x115: {  	[sflag:s9] =	ssyncset.done $0x0  }
0x116: {  	s12 =	rddreg [dreg:$0x13];
	[sflag:s9] =	ssyncadd.s32 $0xFFFFF800  }
0x117: {  	[spmem:s2] =	stream.indirect.scatter.add.f32 [tilespmem:s6], [sflag:$0x2], $0x10, s12, s7, $0xb8;
	[tilespmem:$0x4380] =	vst v63  }
0x118: {  	_ =	swait.ge [sflag:s10], $0x800  }
0x119: {  	[sflag:s10] =	ssyncset.done $0x0  }
0x11a: {  	s12 =	rddreg [dreg:$0x14];
	[sflag:s10] =	ssyncadd.s32 $0xFFFFF800  }
0x11b: {  	[spmem:s2] =	stream.indirect.scatter.add.f32 [tilespmem:s6], [sflag:$0x3], $0x10, s12, s7, $0xb8;
	[tilespmem:$0x4380] =	vst v63  }
0x11c: {  	_ =	swait.ge [sflag:s11], $0x800  }
0x11d: {  	[sflag:s11] =	ssyncset.done $0x0  }
0x11e: {  	s12 =	rddreg [dreg:$0x15];
	[sflag:s11] =	ssyncadd.s32 $0xFFFFF800  }
0x11f: {  	[spmem:s2] =	stream.indirect.scatter.add.f32 [tilespmem:s6], [sflag:$0x4], $0x10, s12, s7, $0xb8;
	[tilespmem:$0x4380] =	vst v63  }
0x120: {  	_ =	swait.ge [sflag:s8], $0x800  }
0x121: {  	[sflag:s8] =	ssyncset.done $0x0  }
0x122: {  	s12 =	rddreg [dreg:$0x16];
	[sflag:s8] =	ssyncadd.s32 $0xFFFFF800  }
0x123: {  	[spmem:s2] =	stream.indirect.scatter.add.f32 [tilespmem:s6], [sflag:$0x1], $0x10, s12, s7, $0xb8;
	[tilespmem:$0x4380] =	vst v63  }
0x124: {  	_ =	swait.ge [sflag:s9], $0x800  }
0x125: {  	[sflag:s9] =	ssyncset.done $0x0  }
0x126: {  	s12 =	rddreg [dreg:$0x17];
	[sflag:s9] =	ssyncadd.s32 $0xFFFFF800  }
0x127: {  	[spmem:s2] =	stream.indirect.scatter.add.f32 [tilespmem:s6], [sflag:$0x2], $0x10, s12, s7, $0xb8;
	[tilespmem:$0x4380] =	vst v63  }
0x128: {  	_ =	swait.ge [sflag:s10], $0x800  }
0x129: {  	[sflag:s10] =	ssyncset.done $0x0  }
0x12a: {  	s12 =	rddreg [dreg:$0x18];
	[sflag:s10] =	ssyncadd.s32 $0xFFFFF800  }
0x12b: {  	[spmem:s2] =	stream.indirect.scatter.add.f32 [tilespmem:s6], [sflag:$0x3], $0x10, s12, s7, $0xb8;
	[tilespmem:$0x4380] =	vst v63  }
0x12c: {  	_ =	swait.ge [sflag:s11], $0x800  }
0x12d: {  	[sflag:s11] =	ssyncset.done $0x0  }
0x12e: {  	s12 =	rddreg [dreg:$0x19];
	[sflag:s11] =	ssyncadd.s32 $0xFFFFF800  }
0x12f: {  	[spmem:s2] =	stream.indirect.scatter.add.f32 [tilespmem:s6], [sflag:$0x4], $0x10, s12, s7, $0xb8;
	[tilespmem:$0x4380] =	vst v63  }
0x130: {  	_ =	swait.ge [sflag:s8], $0x800  }
0x131: {  	[sflag:s8] =	ssyncset.done $0x0  }
0x132: {  	s12 =	rddreg [dreg:$0x1a];
	[sflag:s8] =	ssyncadd.s32 $0xFFFFF800  }
0x133: {  	[spmem:s2] =	stream.indirect.scatter.add.f32 [tilespmem:s6], [sflag:$0x1], $0x10, s12, s7, $0xb8;
	[tilespmem:$0x4380] =	vst v63  }
0x134: {  	_ =	swait.ge [sflag:s9], $0x800  }
0x135: {  	[sflag:s9] =	ssyncset.done $0x0  }
0x136: {  	s12 =	rddreg [dreg:$0x1b];
	[sflag:s9] =	ssyncadd.s32 $0xFFFFF800  }
0x137: {  	[spmem:s2] =	stream.indirect.scatter.add.f32 [tilespmem:s6], [sflag:$0x2], $0x10, s12, s7, $0xb8;
	[tilespmem:$0x4380] =	vst v63  }
0x138: {  	_ =	swait.ge [sflag:s10], $0x800  }
0x139: {  	[sflag:s10] =	ssyncset.done $0x0  }
0x13a: {  	[sflag:s10] =	ssyncadd.s32 $0xFFFFF800  }
0x13b: {  	[spmem:s2] =	stream.indirect.scatter.add.f32 [tilespmem:s6], [sflag:$0x3], $0x10, s18, s7, $0xb8;
	[tilespmem:$0x4380] =	vst v63  }
0x13c: {  	_ =	swait.ge [sflag:s11], $0x800  }
0x13d: {  	[sflag:s11] =	ssyncset.done $0x0  }
0x13e: {  	[sflag:s11] =	ssyncadd.s32 $0xFFFFF800  }
0x13f: {  	[spmem:s2] =	stream.indirect.scatter.add.f32 [tilespmem:s6], [sflag:$0x4], $0x10, s30, s7, $0xb8;
	[tilespmem:$0x4380] =	vst v63  }
0x140: {  	_ =	swait.ge [sflag:s8], $0x800  }
0x141: {  	[sflag:s8] =	ssyncset.done $0x0  }
0x142: {  	[sflag:s8] =	ssyncadd.s32 $0xFFFFF800  }
0x143: {  	[spmem:s2] =	stream.indirect.scatter.add.f32 [tilespmem:s6], [sflag:$0x1], $0x10, s29, s7, $0xb8;
	[tilespmem:$0x4380] =	vst v63  }
0x144: {  	_ =	swait.ge [sflag:s9], $0x800  }
0x145: {  	[sflag:s9] =	ssyncset.done $0x0  }
0x146: {  	[sflag:s9] =	ssyncadd.s32 $0xFFFFF800  }
0x147: {  	[spmem:s2] =	stream.indirect.scatter.add.f32 [tilespmem:s6], [sflag:$0x2], $0x10, s28, s7, $0xb8;
	[tilespmem:$0x4380] =	vst v63  }
0x148: {  	_ =	swait.ge [sflag:s10], $0x800  }
0x149: {  	[sflag:s10] =	ssyncset.done $0x0  }
0x14a: {  	[sflag:s10] =	ssyncadd.s32 $0xFFFFF800  }
0x14b: {  	[spmem:s2] =	stream.indirect.scatter.add.f32 [tilespmem:s6], [sflag:$0x3], $0x10, s26, s7, $0xb8;
	[tilespmem:$0x4380] =	vst v63  }
0x14c: {  	_ =	swait.ge [sflag:s11], $0x800  }
0x14d: {  	[sflag:s11] =	ssyncset.done $0x0  }
0x14e: {  	[sflag:s11] =	ssyncadd.s32 $0xFFFFF800  }
0x14f: {  	[spmem:s2] =	stream.indirect.scatter.add.f32 [tilespmem:s6], [sflag:$0x4], $0x10, s25, s7, $0xb8;
	[tilespmem:$0x4380] =	vst v63  }
0x150: {  	_ =	swait.ge [sflag:s8], $0x800  }
0x151: {  	[sflag:s8] =	ssyncset.done $0x0  }
0x152: {  	[sflag:s8] =	ssyncadd.s32 $0xFFFFF800  }
0x153: {  	[spmem:s2] =	stream.indirect.scatter.add.f32 [tilespmem:s6], [sflag:$0x1], $0x10, s24, s7, $0xb8;
	[tilespmem:$0x4380] =	vst v63  }
0x154: {  	_ =	swait.ge [sflag:s9], $0x800  }
0x155: {  	[sflag:s9] =	ssyncset.done $0x0  }
0x156: {  	[sflag:s9] =	ssyncadd.s32 $0xFFFFF800  }
0x157: {  	[spmem:s2] =	stream.indirect.scatter.add.f32 [tilespmem:s6], [sflag:$0x2], $0x10, s23, s7, $0xb8;
	[tilespmem:$0x4380] =	vst v63  }
0x158: {  	_ =	swait.ge [sflag:s10], $0x800  }
0x159: {  	[sflag:s10] =	ssyncset.done $0x0  }
0x15a: {  	[sflag:s10] =	ssyncadd.s32 $0xFFFFF800  }
0x15b: {  	[spmem:s2] =	stream.indirect.scatter.add.f32 [tilespmem:s6], [sflag:$0x3], $0x10, s22, s7, $0xb8;
	[tilespmem:$0x4380] =	vst v63  }
0x15c: {  	_ =	swait.ge [sflag:s11], $0x800  }
0x15d: {  	[sflag:s11] =	ssyncset.done $0x0  }
0x15e: {  	[sflag:s11] =	ssyncadd.s32 $0xFFFFF800  }
0x15f: {  	[spmem:s2] =	stream.indirect.scatter.add.f32 [tilespmem:s6], [sflag:$0x4], $0x10, s21, s7, $0xb8;
	[tilespmem:$0x4380] =	vst v63  }
0x160: {  	_ =	swait.ge [sflag:s8], $0x800  }
0x161: {  	[sflag:s8] =	ssyncset.done $0x0  }
0x162: {  	[sflag:s8] =	ssyncadd.s32 $0xFFFFF800  }
0x163: {  	[spmem:s2] =	stream.indirect.scatter.add.f32 [tilespmem:s6], [sflag:$0x1], $0x10, s20, s7, $0xb8;
	[tilespmem:$0x4380] =	vst v63  }
0x164: {  	_ =	swait.ge [sflag:s9], $0x800  }
0x165: {  	[sflag:s9] =	ssyncset.done $0x0  }
0x166: {  	s12 =	simm.s32 $0x1080;
	[sflag:s9] =	ssyncadd.s32 $0xFFFFF800  }
0x167: {  	[spmem:s2] =	stream.indirect.scatter.add.f32 [tilespmem:s6], [sflag:$0x2], $0x10, s12, s7, $0xb8;
	[tilespmem:$0x4380] =	vst v63  }
0x168: {  	_ =	swait.ge [sflag:s10], $0x800  }
0x169: {  	[sflag:s10] =	ssyncset.done $0x0  }
0x16a: {  	[sflag:s10] =	ssyncadd.s32 $0xFFFFF800  }
0x16b: {  	[spmem:s2] =	stream.indirect.scatter.add.f32 [tilespmem:s6], [sflag:$0x3], $0x10, s19, s7, $0xb8;
	[tilespmem:$0x4380] =	vst v63  }
0x16c: {  	_ =	swait.ge [sflag:s11], $0x800  }
0x16d: {  	[sflag:s11] =	ssyncset.done $0x0  }
0x16e: {  	[sflag:s11] =	ssyncadd.s32 $0xFFFFF800  }
0x16f: {  	[spmem:s2] =	stream.indirect.scatter.add.f32 [tilespmem:s6], [sflag:$0x4], $0x10, s17, s7, $0xb8;
	[tilespmem:$0x4380] =	vst v63  }
0x170: {  	_ =	swait.ge [sflag:s8], $0x800  }
0x171: {  	[sflag:s8] =	ssyncset.done $0x0  }
0x172: {  	[sflag:s8] =	ssyncadd.s32 $0xFFFFF800  }
0x173: {  	[spmem:s2] =	stream.indirect.scatter.add.f32 [tilespmem:s6], [sflag:$0x1], $0x10, s16, s7, $0xb8;
	[tilespmem:$0x4380] =	vst v63  }
0x174: {  	_ =	swait.ge [sflag:s9], $0x800  }
0x175: {  	[sflag:s9] =	ssyncset.done $0x0  }
0x176: {  	[sflag:s9] =	ssyncadd.s32 $0xFFFFF800  }
0x177: {  	[spmem:s2] =	stream.indirect.scatter.add.f32 [tilespmem:s6], [sflag:$0x2], $0x10, s15, s7, $0xb8;
	[tilespmem:$0x4380] =	vst v63  }
0x178: {  	_ =	swait.ge [sflag:s10], $0x800  }
0x179: {  	[sflag:s10] =	ssyncset.done $0x0  }
0x17a: {  	[sflag:s10] =	ssyncadd.s32 $0xFFFFF800  }
0x17b: {  	[spmem:s2] =	stream.indirect.scatter.add.f32 [tilespmem:s6], [sflag:$0x3], $0x10, s14, s7, $0xb8;
	[tilespmem:$0x4380] =	vst v63  }
0x17c: {  	_ =	swait.ge [sflag:s11], $0x800  }
0x17d: {  	[sflag:s11] =	ssyncset.done $0x0  }
0x17e: {  	[sflag:s11] =	ssyncadd.s32 $0xFFFFF800  }
0x17f: {  	[spmem:s2] =	stream.indirect.scatter.add.f32 [tilespmem:s6], [sflag:$0x4], $0x10, s13, s7, $0xb8;
	[tilespmem:$0x4380] =	vst v63  }
0x180: {  	_ =	swait.ge [sflag:s8], $0x800  }
0x181: {  	[sflag:s8] =	ssyncset.done $0x0  }
0x182: {  	[sflag:s8] =	ssyncadd.s32 $0xFFFFF800  }
0x183: {  	_ =	swait.ge [sflag:s9], $0x800  }
0x184: {  	[sflag:s9] =	ssyncset.done $0x0  }
0x185: {  	[sflag:s9] =	ssyncadd.s32 $0xFFFFF800  }
0x186: {  	_ =	swait.ge [sflag:s10], $0x800  }
0x187: {  	[sflag:s10] =	ssyncset.done $0x0  }
0x188: {  	[sflag:s10] =	ssyncadd.s32 $0xFFFFF800  }
0x189: {  	_ =	swait.ge [sflag:s11], $0x800  }
0x18a: {  	[sflag:s11] =	ssyncset.done $0x0  }
0x18b: {  	p1 =	sne.s32 s1, $0x1;
	[sflag:s11] =	ssyncadd.s32 $0xFFFFF800  }
.Ltmp2:
0x18c: {  	[bflag:$0x0] =	sbarrier.arrive $0xFFFF;
	(pc) =	sbr.rel @p1 .LBB2_4-.Ltmp2, $4  }
0x18d: {  	s12 =	rddreg [dreg:$0x7]  }
0x18e: {  	[hbm:s12], [sflag:s3] =	dma.local [spmem:s4], $0x4F0  }
0x18f: {  	_ =	swait.ge [sflag:s5], $0x4F0  }
0x190: {  	s1 =	sadd.s32 $0xFFFFFFFF, s1;
	s0 =	rddreg [dreg:$0x5];
	[sflag:s5] =	ssyncset.done $0x0  }
0x191: {  	s13 =	simm.s32 $0xB00;
	s30 =	simm.s32 $0xB80;
	s29 =	simm.s32 $0xC00  }
0x192: {  	s28 =	simm.s32 $0xC80;
	s26 =	simm.s32 $0xD00;
	s25 =	simm.s32 $0xD80  }
0x193: {  	s24 =	simm.s32 $0xE00;
	s23 =	simm.s32 $0xE80;
	s22 =	simm.s32 $0xF00  }
0x194: {  	s21 =	simm.s32 $0xF80;
	s20 =	simm.s32 $0x1000;
	s19 =	simm.s32 $0x1100  }
0x195: {  	s18 =	simm.s32 $0x1080;
	s17 =	simm.s32 $0x1180;
	s16 =	simm.s32 $0x1200  }
0x196: {  	s15 =	simm.s32 $0x1280;
	s14 =	simm.s32 $0x1300;
	s12 =	stileid.u32  }
.LBB2_6:
0x197: {  	[sflag:s5] =	ssyncadd.s32 @p0 $0xFFFFFB10  }
0x198: {  	[spmem:s4], [sflag:s3] =	dma.local [hbm:s0], $0x4F0  }
0x199: {  	_ =	swait.ge [sflag:s5], $0x4F0  }
0x19a: {  	[sflag:s5] =	ssyncset.done $0x0  }
0x19b: {  	s1 =	rddreg [dreg:$0x4];
	[sflag:s5] =	ssyncadd.s32 $0xFFFFFB10  }
0x19c: {  	[tilespmem:s6], [sflag:$0x5] =	stream.linear.gather [hbm4b:s1+s31], $0x800, $0x38;
	[tilespmem:$0x4380] =	vst v63  }
0x19d: {  	_ =	swait.ge [sflag:s5], $0x800  }
0x19e: {  	[sflag:s5] =	ssyncset.done $0x0  }
0x19f: {  	s1 =	rddreg [dreg:$0x6];
	[sflag:s5] =	ssyncadd.s32 $0xFFFFF800  }
0x1a0: {  	[tilespmem:s31], [sflag:$0x5] =	stream.linear.gather [hbm4b:s1+s31], $0x1400, $0x38;
	[tilespmem:$0x4380] =	vst v63  }
0x1a1: {  	_ =	swait.ge [sflag:s5], $0x1400  }
0x1a2: {  	[sflag:s5] =	ssyncset.done $0x0  }
0x1a3: {  	[sflag:s5] =	ssyncadd.s32 $0xFFFFEC00  }
0x1a4: {  	[bflag:$0x0] =	sbarrier.arrive $0xFFFF  }
0x1a5: {  	[spmem:s2] =	stream.indirect.scatter.add.f32 [tilespmem:s6], [sflag:$0x1], $0x10, s31, s7, $0xb8;
	[tilespmem:$0x4380] =	vst v63  }
0x1a6: {  	_ = 	snop  }
0x1a7: {  	[spmem:s2] =	stream.indirect.scatter.add.f32 [tilespmem:s6], [sflag:$0x2], $0x10, s7, s7, $0xb8;
	[tilespmem:$0x4380] =	vst v63  }
0x1a8: {  	s31 =	rddreg [dreg:$0x8]  }
0x1a9: {  	[spmem:s2] =	stream.indirect.scatter.add.f32 [tilespmem:s6], [sflag:$0x3], $0x10, s31, s7, $0xb8;
	[tilespmem:$0x4380] =	vst v63  }
0x1aa: {  	s1 =	rddreg [dreg:$0x9]  }
0x1ab: {  	[spmem:s2] =	stream.indirect.scatter.add.f32 [tilespmem:s6], [sflag:$0x4], $0x10, s1, s7, $0xb8;
	[tilespmem:$0x4380] =	vst v63  }
0x1ac: {  	_ =	swait.ge [sflag:s8], $0x800  }
0x1ad: {  	[sflag:s8] =	ssyncset.done $0x0  }
0x1ae: {  	s31 =	rddreg [dreg:$0xa];
	[sflag:s8] =	ssyncadd.s32 $0xFFFFF800  }
0x1af: {  	[spmem:s2] =	stream.indirect.scatter.add.f32 [tilespmem:s6], [sflag:$0x1], $0x10, s31, s7, $0xb8;
	[tilespmem:$0x4380] =	vst v63  }
0x1b0: {  	_ =	swait.ge [sflag:s9], $0x800  }
0x1b1: {  	[sflag:s9] =	ssyncset.done $0x0  }
0x1b2: {  	s1 =	rddreg [dreg:$0xb];
	[sflag:s9] =	ssyncadd.s32 $0xFFFFF800  }
0x1b3: {  	[spmem:s2] =	stream.indirect.scatter.add.f32 [tilespmem:s6], [sflag:$0x2], $0x10, s1, s7, $0xb8;
	[tilespmem:$0x4380] =	vst v63  }
0x1b4: {  	_ =	swait.ge [sflag:s10], $0x800  }
0x1b5: {  	[sflag:s10] =	ssyncset.done $0x0  }
0x1b6: {  	s31 =	rddreg [dreg:$0xc];
	[sflag:s10] =	ssyncadd.s32 $0xFFFFF800  }
0x1b7: {  	[spmem:s2] =	stream.indirect.scatter.add.f32 [tilespmem:s6], [sflag:$0x3], $0x10, s31, s7, $0xb8;
	[tilespmem:$0x4380] =	vst v63  }
0x1b8: {  	_ =	swait.ge [sflag:s11], $0x800  }
0x1b9: {  	[sflag:s11] =	ssyncset.done $0x0  }
0x1ba: {  	s1 =	rddreg [dreg:$0xd];
	[sflag:s11] =	ssyncadd.s32 $0xFFFFF800  }
0x1bb: {  	[spmem:s2] =	stream.indirect.scatter.add.f32 [tilespmem:s6], [sflag:$0x4], $0x10, s1, s7, $0xb8;
	[tilespmem:$0x4380] =	vst v63  }
0x1bc: {  	_ =	swait.ge [sflag:s8], $0x800  }
0x1bd: {  	[sflag:s8] =	ssyncset.done $0x0  }
0x1be: {  	s31 =	rddreg [dreg:$0xe];
	[sflag:s8] =	ssyncadd.s32 $0xFFFFF800  }
0x1bf: {  	[spmem:s2] =	stream.indirect.scatter.add.f32 [tilespmem:s6], [sflag:$0x1], $0x10, s31, s7, $0xb8;
	[tilespmem:$0x4380] =	vst v63  }
0x1c0: {  	_ =	swait.ge [sflag:s9], $0x800  }
0x1c1: {  	[sflag:s9] =	ssyncset.done $0x0  }
0x1c2: {  	s1 =	rddreg [dreg:$0xf];
	[sflag:s9] =	ssyncadd.s32 $0xFFFFF800  }
0x1c3: {  	[spmem:s2] =	stream.indirect.scatter.add.f32 [tilespmem:s6], [sflag:$0x2], $0x10, s1, s7, $0xb8;
	[tilespmem:$0x4380] =	vst v63  }
0x1c4: {  	_ =	swait.ge [sflag:s10], $0x800  }
0x1c5: {  	[sflag:s10] =	ssyncset.done $0x0  }
0x1c6: {  	s31 =	rddreg [dreg:$0x10];
	[sflag:s10] =	ssyncadd.s32 $0xFFFFF800  }
0x1c7: {  	[spmem:s2] =	stream.indirect.scatter.add.f32 [tilespmem:s6], [sflag:$0x3], $0x10, s31, s7, $0xb8;
	[tilespmem:$0x4380] =	vst v63  }
0x1c8: {  	_ =	swait.ge [sflag:s11], $0x800  }
0x1c9: {  	[sflag:s11] =	ssyncset.done $0x0  }
0x1ca: {  	s1 =	rddreg [dreg:$0x11];
	[sflag:s11] =	ssyncadd.s32 $0xFFFFF800  }
0x1cb: {  	[spmem:s2] =	stream.indirect.scatter.add.f32 [tilespmem:s6], [sflag:$0x4], $0x10, s1, s7, $0xb8;
	[tilespmem:$0x4380] =	vst v63  }
0x1cc: {  	_ =	swait.ge [sflag:s8], $0x800  }
0x1cd: {  	[sflag:s8] =	ssyncset.done $0x0  }
0x1ce: {  	s31 =	rddreg [dreg:$0x12];
	[sflag:s8] =	ssyncadd.s32 $0xFFFFF800  }
0x1cf: {  	[spmem:s2] =	stream.indirect.scatter.add.f32 [tilespmem:s6], [sflag:$0x1], $0x10, s31, s7, $0xb8;
	[tilespmem:$0x4380] =	vst v63  }
0x1d0: {  	_ =	swait.ge [sflag:s9], $0x800  }
0x1d1: {  	[sflag:s9] =	ssyncset.done $0x0  }
0x1d2: {  	s1 =	rddreg [dreg:$0x13];
	[sflag:s9] =	ssyncadd.s32 $0xFFFFF800  }
0x1d3: {  	[spmem:s2] =	stream.indirect.scatter.add.f32 [tilespmem:s6], [sflag:$0x2], $0x10, s1, s7, $0xb8;
	[tilespmem:$0x4380] =	vst v63  }
0x1d4: {  	_ =	swait.ge [sflag:s10], $0x800  }
0x1d5: {  	[sflag:s10] =	ssyncset.done $0x0  }
0x1d6: {  	s31 =	rddreg [dreg:$0x14];
	[sflag:s10] =	ssyncadd.s32 $0xFFFFF800  }
0x1d7: {  	[spmem:s2] =	stream.indirect.scatter.add.f32 [tilespmem:s6], [sflag:$0x3], $0x10, s31, s7, $0xb8;
	[tilespmem:$0x4380] =	vst v63  }
0x1d8: {  	_ =	swait.ge [sflag:s11], $0x800  }
0x1d9: {  	[sflag:s11] =	ssyncset.done $0x0  }
0x1da: {  	s1 =	rddreg [dreg:$0x15];
	[sflag:s11] =	ssyncadd.s32 $0xFFFFF800  }
0x1db: {  	[spmem:s2] =	stream.indirect.scatter.add.f32 [tilespmem:s6], [sflag:$0x4], $0x10, s1, s7, $0xb8;
	[tilespmem:$0x4380] =	vst v63  }
0x1dc: {  	_ =	swait.ge [sflag:s8], $0x800  }
0x1dd: {  	[sflag:s8] =	ssyncset.done $0x0  }
0x1de: {  	s31 =	rddreg [dreg:$0x16];
	[sflag:s8] =	ssyncadd.s32 $0xFFFFF800  }
0x1df: {  	[spmem:s2] =	stream.indirect.scatter.add.f32 [tilespmem:s6], [sflag:$0x1], $0x10, s31, s7, $0xb8;
	[tilespmem:$0x4380] =	vst v63  }
0x1e0: {  	_ =	swait.ge [sflag:s9], $0x800  }
0x1e1: {  	[sflag:s9] =	ssyncset.done $0x0  }
0x1e2: {  	s1 =	rddreg [dreg:$0x17];
	[sflag:s9] =	ssyncadd.s32 $0xFFFFF800  }
0x1e3: {  	[spmem:s2] =	stream.indirect.scatter.add.f32 [tilespmem:s6], [sflag:$0x2], $0x10, s1, s7, $0xb8;
	[tilespmem:$0x4380] =	vst v63  }
0x1e4: {  	_ =	swait.ge [sflag:s10], $0x800  }
0x1e5: {  	[sflag:s10] =	ssyncset.done $0x0  }
0x1e6: {  	s31 =	rddreg [dreg:$0x18];
	[sflag:s10] =	ssyncadd.s32 $0xFFFFF800  }
0x1e7: {  	[spmem:s2] =	stream.indirect.scatter.add.f32 [tilespmem:s6], [sflag:$0x3], $0x10, s31, s7, $0xb8;
	[tilespmem:$0x4380] =	vst v63  }
0x1e8: {  	_ =	swait.ge [sflag:s11], $0x800  }
0x1e9: {  	[sflag:s11] =	ssyncset.done $0x0  }
0x1ea: {  	s1 =	rddreg [dreg:$0x19];
	[sflag:s11] =	ssyncadd.s32 $0xFFFFF800  }
0x1eb: {  	[spmem:s2] =	stream.indirect.scatter.add.f32 [tilespmem:s6], [sflag:$0x4], $0x10, s1, s7, $0xb8;
	[tilespmem:$0x4380] =	vst v63  }
0x1ec: {  	_ =	swait.ge [sflag:s8], $0x800  }
0x1ed: {  	[sflag:s8] =	ssyncset.done $0x0  }
0x1ee: {  	s31 =	rddreg [dreg:$0x1a];
	[sflag:s8] =	ssyncadd.s32 $0xFFFFF800  }
0x1ef: {  	[spmem:s2] =	stream.indirect.scatter.add.f32 [tilespmem:s6], [sflag:$0x1], $0x10, s31, s7, $0xb8;
	[tilespmem:$0x4380] =	vst v63  }
0x1f0: {  	_ =	swait.ge [sflag:s9], $0x800  }
0x1f1: {  	[sflag:s9] =	ssyncset.done $0x0  }
0x1f2: {  	s1 =	rddreg [dreg:$0x1b];
	[sflag:s9] =	ssyncadd.s32 $0xFFFFF800  }
0x1f3: {  	[spmem:s2] =	stream.indirect.scatter.add.f32 [tilespmem:s6], [sflag:$0x2], $0x10, s1, s7, $0xb8;
	[tilespmem:$0x4380] =	vst v63  }
0x1f4: {  	_ =	swait.ge [sflag:s10], $0x800  }
0x1f5: {  	[sflag:s10] =	ssyncset.done $0x0  }
0x1f6: {  	[sflag:s10] =	ssyncadd.s32 $0xFFFFF800  }
0x1f7: {  	[spmem:s2] =	stream.indirect.scatter.add.f32 [tilespmem:s6], [sflag:$0x3], $0x10, s13, s7, $0xb8;
	[tilespmem:$0x4380] =	vst v63  }
0x1f8: {  	_ =	swait.ge [sflag:s11], $0x800  }
0x1f9: {  	[sflag:s11] =	ssyncset.done $0x0  }
0x1fa: {  	[sflag:s11] =	ssyncadd.s32 $0xFFFFF800  }
0x1fb: {  	[spmem:s2] =	stream.indirect.scatter.add.f32 [tilespmem:s6], [sflag:$0x4], $0x10, s30, s7, $0xb8;
	[tilespmem:$0x4380] =	vst v63  }
0x1fc: {  	_ =	swait.ge [sflag:s8], $0x800  }
0x1fd: {  	[sflag:s8] =	ssyncset.done $0x0  }
0x1fe: {  	[sflag:s8] =	ssyncadd.s32 $0xFFFFF800  }
0x1ff: {  	[spmem:s2] =	stream.indirect.scatter.add.f32 [tilespmem:s6], [sflag:$0x1], $0x10, s29, s7, $0xb8;
	[tilespmem:$0x4380] =	vst v63  }
0x200: {  	_ =	swait.ge [sflag:s9], $0x800  }
0x201: {  	[sflag:s9] =	ssyncset.done $0x0  }
0x202: {  	[sflag:s9] =	ssyncadd.s32 $0xFFFFF800  }
0x203: {  	[spmem:s2] =	stream.indirect.scatter.add.f32 [tilespmem:s6], [sflag:$0x2], $0x10, s28, s7, $0xb8;
	[tilespmem:$0x4380] =	vst v63  }
0x204: {  	_ =	swait.ge [sflag:s10], $0x800  }
0x205: {  	[sflag:s10] =	ssyncset.done $0x0  }
0x206: {  	[sflag:s10] =	ssyncadd.s32 $0xFFFFF800  }
0x207: {  	[spmem:s2] =	stream.indirect.scatter.add.f32 [tilespmem:s6], [sflag:$0x3], $0x10, s26, s7, $0xb8;
	[tilespmem:$0x4380] =	vst v63  }
0x208: {  	_ =	swait.ge [sflag:s11], $0x800  }
0x209: {  	[sflag:s11] =	ssyncset.done $0x0  }
0x20a: {  	[sflag:s11] =	ssyncadd.s32 $0xFFFFF800  }
0x20b: {  	[spmem:s2] =	stream.indirect.scatter.add.f32 [tilespmem:s6], [sflag:$0x4], $0x10, s25, s7, $0xb8;
	[tilespmem:$0x4380] =	vst v63  }
0x20c: {  	_ =	swait.ge [sflag:s8], $0x800  }
0x20d: {  	[sflag:s8] =	ssyncset.done $0x0  }
0x20e: {  	[sflag:s8] =	ssyncadd.s32 $0xFFFFF800  }
0x20f: {  	[spmem:s2] =	stream.indirect.scatter.add.f32 [tilespmem:s6], [sflag:$0x1], $0x10, s24, s7, $0xb8;
	[tilespmem:$0x4380] =	vst v63  }
0x210: {  	_ =	swait.ge [sflag:s9], $0x800  }
0x211: {  	[sflag:s9] =	ssyncset.done $0x0  }
0x212: {  	[sflag:s9] =	ssyncadd.s32 $0xFFFFF800  }
0x213: {  	[spmem:s2] =	stream.indirect.scatter.add.f32 [tilespmem:s6], [sflag:$0x2], $0x10, s23, s7, $0xb8;
	[tilespmem:$0x4380] =	vst v63  }
0x214: {  	_ =	swait.ge [sflag:s10], $0x800  }
0x215: {  	[sflag:s10] =	ssyncset.done $0x0  }
0x216: {  	[sflag:s10] =	ssyncadd.s32 $0xFFFFF800  }
0x217: {  	[spmem:s2] =	stream.indirect.scatter.add.f32 [tilespmem:s6], [sflag:$0x3], $0x10, s22, s7, $0xb8;
	[tilespmem:$0x4380] =	vst v63  }
0x218: {  	_ =	swait.ge [sflag:s11], $0x800  }
0x219: {  	[sflag:s11] =	ssyncset.done $0x0  }
0x21a: {  	[sflag:s11] =	ssyncadd.s32 $0xFFFFF800  }
0x21b: {  	[spmem:s2] =	stream.indirect.scatter.add.f32 [tilespmem:s6], [sflag:$0x4], $0x10, s21, s7, $0xb8;
	[tilespmem:$0x4380] =	vst v63  }
0x21c: {  	_ =	swait.ge [sflag:s8], $0x800  }
0x21d: {  	[sflag:s8] =	ssyncset.done $0x0  }
0x21e: {  	[sflag:s8] =	ssyncadd.s32 $0xFFFFF800  }
0x21f: {  	[spmem:s2] =	stream.indirect.scatter.add.f32 [tilespmem:s6], [sflag:$0x1], $0x10, s20, s7, $0xb8;
	[tilespmem:$0x4380] =	vst v63  }
0x220: {  	_ =	swait.ge [sflag:s9], $0x800  }
0x221: {  	[sflag:s9] =	ssyncset.done $0x0  }
0x222: {  	[sflag:s9] =	ssyncadd.s32 $0xFFFFF800  }
0x223: {  	[spmem:s2] =	stream.indirect.scatter.add.f32 [tilespmem:s6], [sflag:$0x2], $0x10, s18, s7, $0xb8;
	[tilespmem:$0x4380] =	vst v63  }
0x224: {  	_ =	swait.ge [sflag:s10], $0x800  }
0x225: {  	[sflag:s10] =	ssyncset.done $0x0  }
0x226: {  	[sflag:s10] =	ssyncadd.s32 $0xFFFFF800  }
0x227: {  	[spmem:s2] =	stream.indirect.scatter.add.f32 [tilespmem:s6], [sflag:$0x3], $0x10, s19, s7, $0xb8;
	[tilespmem:$0x4380] =	vst v63  }
0x228: {  	_ =	swait.ge [sflag:s11], $0x800  }
0x229: {  	[sflag:s11] =	ssyncset.done $0x0  }
0x22a: {  	[sflag:s11] =	ssyncadd.s32 $0xFFFFF800  }
0x22b: {  	[spmem:s2] =	stream.indirect.scatter.add.f32 [tilespmem:s6], [sflag:$0x4], $0x10, s17, s7, $0xb8;
	[tilespmem:$0x4380] =	vst v63  }
0x22c: {  	_ =	swait.ge [sflag:s8], $0x800  }
0x22d: {  	[sflag:s8] =	ssyncset.done $0x0  }
0x22e: {  	[sflag:s8] =	ssyncadd.s32 $0xFFFFF800  }
0x22f: {  	[spmem:s2] =	stream.indirect.scatter.add.f32 [tilespmem:s6], [sflag:$0x1], $0x10, s16, s7, $0xb8;
	[tilespmem:$0x4380] =	vst v63  }
0x230: {  	_ =	swait.ge [sflag:s9], $0x800  }
0x231: {  	[sflag:s9] =	ssyncset.done $0x0  }
0x232: {  	[sflag:s9] =	ssyncadd.s32 $0xFFFFF800  }
0x233: {  	[spmem:s2] =	stream.indirect.scatter.add.f32 [tilespmem:s6], [sflag:$0x2], $0x10, s15, s7, $0xb8;
	[tilespmem:$0x4380] =	vst v63  }
0x234: {  	_ =	swait.ge [sflag:s10], $0x800  }
0x235: {  	[sflag:s10] =	ssyncset.done $0x0  }
0x236: {  	[sflag:s10] =	ssyncadd.s32 $0xFFFFF800  }
0x237: {  	[spmem:s2] =	stream.indirect.scatter.add.f32 [tilespmem:s6], [sflag:$0x3], $0x10, s14, s7, $0xb8;
	[tilespmem:$0x4380] =	vst v63  }
0x238: {  	_ =	swait.ge [sflag:s11], $0x800  }
0x239: {  	[sflag:s11] =	ssyncset.done $0x0  }
0x23a: {  	s30 =	simm.s32 $0x1380;
	[sflag:s11] =	ssyncadd.s32 $0xFFFFF800  }
0x23b: {  	[spmem:s2] =	stream.indirect.scatter.add.f32 [tilespmem:s6], [sflag:$0x4], $0x10, s30, s7, $0xb8;
	[tilespmem:$0x4380] =	vst v63  }
0x23c: {  	_ =	swait.ge [sflag:s8], $0x800  }
0x23d: {  	[sflag:s8] =	ssyncset.done $0x0  }
0x23e: {  	[sflag:s8] =	ssyncadd.s32 $0xFFFFF800  }
0x23f: {  	_ =	swait.ge [sflag:s9], $0x800  }
0x240: {  	[sflag:s9] =	ssyncset.done $0x0  }
0x241: {  	[sflag:s9] =	ssyncadd.s32 $0xFFFFF800  }
0x242: {  	_ =	swait.ge [sflag:s10], $0x800  }
0x243: {  	[sflag:s10] =	ssyncset.done $0x0  }
0x244: {  	[sflag:s10] =	ssyncadd.s32 $0xFFFFF800  }
0x245: {  	_ =	swait.ge [sflag:s11], $0x800  }
0x246: {  	[sflag:s11] =	ssyncset.done $0x0  }
0x247: {  	[sflag:s11] =	ssyncadd.s32 $0xFFFFF800  }
0x248: {  	[bflag:$0x0] =	sbarrier.arrive $0xFFFF  }
0x249: {  	s31 =	rddreg [dreg:$0x7]  }
0x24a: {  	[hbm:s31], [sflag:s3] =	dma.local [spmem:s4], $0x4F0  }
0x24b: {  	_ =	swait.ge [sflag:s5], $0x4F0  }
0x24c: {  	[sflag:s5] =	ssyncset.done $0x0  }
0x24d: {  	[sflag:s5] =	ssyncadd.s32 $0xFFFFFB10  }
0x24e: {  	_ =	sfence.sel $0x180000  }
0x24f: {  	[bflag:$0x0] =	sbarrier.arrive $0xFFFF  }
0x250: {  	_ =	strace $0x90000047  }
0x251: {  	[bflag:$0x2] =	sbarrier.arrive $0xFFFF  }
0x252: {  	p0 =	sne.s32 s12, $0x0;
	s0 =	rddreg [dreg:$0x3]  }
0x253: {  	s0 =	sadd.s32 @!p0 $0x100000, s0  }
0x254: {  	[sflag:s0] =	ssyncadd.tile.s32 @!p0 $0x1;
	_ =	shalt  }
.LBB2_1:
0x255: {  	s13 =	simm.s32 $0xB00;
	s30 =	simm.s32 $0xB80;
	s29 =	simm.s32 $0xC00  }
.Ltmp3:
0x256: {  	s28 =	simm.s32 $0xC80;
	s26 =	simm.s32 $0xD00;
	(pc) =	sbr.rel .LBB2_6-.Ltmp3, $4  }
0x257: {  	s25 =	simm.s32 $0xD80;
	s24 =	simm.s32 $0xE00;
	s23 =	simm.s32 $0xE80  }
0x258: {  	s22 =	simm.s32 $0xF00;
	s21 =	simm.s32 $0xF80;
	s20 =	simm.s32 $0x1000  }
0x259: {  	s19 =	simm.s32 $0x1100;
	s18 =	simm.s32 $0x1080;
	s17 =	simm.s32 $0x1180  }
0x25a: {  	s16 =	simm.s32 $0x1200;
	s15 =	simm.s32 $0x1280;
	s14 =	simm.s32 $0x1300  }
.LBB2_3:
0x25b: {  	s13 =	simm.s32 $0xB00  }
0x25c: {  	s30 =	simm.s32 $0xB80;
	s29 =	simm.s32 $0xC00;
	s28 =	simm.s32 $0xC80  }
.Ltmp4:
0x25d: {  	s26 =	simm.s32 $0xD00;
	s25 =	simm.s32 $0xD80;
	(pc) =	sbr.rel .LBB2_6-.Ltmp4, $4  }
0x25e: {  	s24 =	simm.s32 $0xE00;
	s23 =	simm.s32 $0xE80;
	s22 =	simm.s32 $0xF00  }
0x25f: {  	s21 =	simm.s32 $0xF80;
	s20 =	simm.s32 $0x1000;
	s19 =	simm.s32 $0x1100  }
0x260: {  	s18 =	simm.s32 $0x1080;
	s17 =	simm.s32 $0x1180;
	s16 =	simm.s32 $0x1200  }
0x261: {  	s15 =	simm.s32 $0x1280;
	s14 =	simm.s32 $0x1300;
	s12 =	stileid.u32  }
.Lfunc_end2:
_tile_overlayer_lowered:
.L_overlay_start_2:
0x262: {  	(tag) =	ssettag $0x2  }
0x263: {  	s0 =	rddreg [dreg:$0x0];
	s2 =	stileid.u32  }
0x264: {  	s1 =	rddreg [dreg:$0x1];
	p0 =	sne.s32 s2, $0x0  }
0x265: {  	s3 =	rddreg [dreg:$0x2];
	[bflag:$0x3] =	sbarrier.arrive $0xFFFF;
	s2 =	simm.s32 @!p0 $0x1C05  }
0x266: {  	[timem:s3], [sflag:s2] =	dma.local @!p0 [hbm:s0], s1  }
0x267: {  	s0 =	simm.s32 @!p0 $0x5  }
0x268: {  	_ =	swait.ge @!p0 [sflag:s0], s1  }
0x269: {  	s1 =	ssub.s32 @!p0 $0x0, s1;
	[sflag:s0] =	ssyncset.done @!p0 $0x0  }
0x26a: {  	[sflag:s0] =	ssyncadd.s32 @!p0 s1  }
0x26b: {  	[bflag:$0x3] =	sbarrier.arrive $0xFFFF  }
0x26c: {  	_ =	shalt  }

</sc_bundles>
